<compile_context>
chip_gen: v7x
topology: tpu7x:2x2x1
jax: 0.10.2.dev20260603
libtpu: 0.0.44.dev20260713+nightly
codegen_flags: <defaults>
</compile_context>

<pallas_src>
import functools

import jax
import jax.numpy as jnp
from jax import lax
from jax.experimental import pallas as pl
from jax.experimental.pallas import tpu as pltpu
from jax.experimental.pallas import tpu_sc as plsc

N = 10000
E = 160000
F_IN = 128
DIM = 32
B = 128

NW = 32
CH = 128
EW = E // NW
NCH = EW // CH
TAIL = EW - NCH * CH

_f32 = jnp.float32
_bf16 = jnp.bfloat16



def _mm(a, b):
    return lax.dot_general(a, b, (((1,), (0,)), ((), ())),
                           precision=lax.Precision.HIGHEST,
                           preferred_element_type=_f32)


def _mmh(a, b):
    return lax.dot_general(a, b, (((1,), (0,)), ((), ())),
                           precision=lax.Precision.DEFAULT,
                           preferred_element_type=_f32)


def _lin0_body(x_ref, w_ref, b_ref, o_ref):
    o_ref[...] = jnp.maximum(_mm(x_ref[...], w_ref[...]) + b_ref[...], 0.0)


def _edge_ht_body(wt_ref, ea_ref, b_ref, o_ref):
    o_ref[...] = jnp.maximum(_mm(wt_ref[...], ea_ref[...]) + b_ref[...], 0.0)


def _wet_body(w2t_ref, ht_ref, b_ref, o_ref):
    o_ref[...] = (_mmh(w2t_ref[...], ht_ref[...])
                  + b_ref[...]).astype(_bf16)


def _msg_body(g_ref, wet_ref, o_ref):
    gt = jnp.transpose(g_ref[...])
    wet = wet_ref[...].astype(_f32)
    acc = gt[0:1, :] * wet[0:DIM, :]
    for i in range(1, DIM):
        acc += gt[i:i + 1, :] * wet[i * DIM:(i + 1) * DIM, :]
    o_ref[...] = jnp.transpose(acc)


def _update_body(aggp_ref, degp_ref, h_ref, wr_ref, br_ref, wih_ref,
                 bih_ref, whh_ref, bhh_ref, o_ref):
    agg = aggp_ref[0] + aggp_ref[1]
    deg = jnp.maximum(degp_ref[0, :, 0:1] + degp_ref[1, :, 0:1], 1.0)
    h = h_ref[...]
    m = jnp.maximum(agg / deg + _mm(h, wr_ref[...]) + br_ref[...], 0.0)
    gi = _mm(m, wih_ref[...]) + bih_ref[...]
    gh = _mm(h, whh_ref[...]) + bhh_ref[...]
    r = jax.nn.sigmoid(gi[:, 0:DIM] + gh[:, 0:DIM])
    z = jax.nn.sigmoid(gi[:, DIM:2 * DIM] + gh[:, DIM:2 * DIM])
    n = jnp.tanh(gi[:, 2 * DIM:3 * DIM] + r * gh[:, 2 * DIM:3 * DIM])
    o_ref[...] = (1.0 - z) * n + z * h


def _s2s_lstm_body(hs_ref, cs_ref, run_ref, den_ref, wc_ref, wr_ref, b_ref,
                   hso_ref, cso_ref):
    ident = (lax.broadcasted_iota(jnp.int32, (B, B), 0)
             == lax.broadcasted_iota(jnp.int32, (B, B), 1))
    dcol = jnp.sum(jnp.where(ident, den_ref[...], 0.0), axis=1, keepdims=True)
    r_norm = run_ref[...] / (dcol + 1e-16)
    hs = hs_ref[...]
    gates = _mm(hs, wc_ref[...]) + _mm(r_norm, wr_ref[...]) + b_ref[...]
    ig = jax.nn.sigmoid(gates[:, 0:DIM])
    fg = jax.nn.sigmoid(gates[:, DIM:2 * DIM])
    gg = jnp.tanh(gates[:, 2 * DIM:3 * DIM])
    og = jax.nn.sigmoid(gates[:, 3 * DIM:4 * DIM])
    cs = fg * cs_ref[...] + ig * gg
    hso_ref[...] = og * jnp.tanh(cs)
    cso_ref[...] = cs


def _s2s_pass1_body(out_ref, bat_ref, q_ref, e_ref, emax_ref, acc_ref):
    pi = pl.program_id(0)
    npr = pl.num_programs(0)
    eqb = bat_ref[...] == lax.broadcasted_iota(jnp.int32,
                                               (out_ref.shape[0], B), 1)
    qn = _mm(eqb.astype(_f32), q_ref[...])
    e_blk = jnp.sum(out_ref[...] * qn, axis=1, keepdims=True)
    e_ref[...] = e_blk
    vals = jnp.where(eqb, e_blk, -3.0e38)
    blkmax = jnp.max(vals, axis=0, keepdims=True)

    @pl.when(pi == 0)
    def _():
        acc_ref[...] = jnp.full((1, B), -3.0e38, _f32)

    acc_ref[...] = jnp.maximum(acc_ref[...], blkmax)

    @pl.when(pi == npr - 1)
    def _():
        emax_ref[...] = acc_ref[...]


def _s2s_pass2_body(out_ref, bat_ref, e_ref, emax_ref, den_ref, run_ref,
                    accd_ref, accr_ref):
    pi = pl.program_id(0)
    npr = pl.num_programs(0)
    nb = out_ref.shape[0]
    eqb = bat_ref[...] == lax.broadcasted_iota(jnp.int32, (nb, B), 1)
    emax_n = jnp.sum(jnp.where(eqb, emax_ref[...], 0.0), axis=1,
                     keepdims=True)
    eexp = jnp.exp(e_ref[...] - emax_n)
    wts = jnp.where(eqb, eexp, 0.0)

    @pl.when(pi == 0)
    def _():
        accd_ref[...] = jnp.zeros((1, B), _f32)
        accr_ref[...] = jnp.zeros((B, DIM), _f32)

    accd_ref[...] += jnp.sum(wts, axis=0, keepdims=True)
    accr_ref[...] += lax.dot_general(wts, out_ref[...],
                                     (((0,), (0,)), ((), ())),
                                     precision=lax.Precision.HIGHEST,
                                     preferred_element_type=_f32)

    @pl.when(pi == npr - 1)
    def _():
        den_ref[...] = accd_ref[...]
        run_ref[...] = accr_ref[...]


def _s2s_final_body(hs_ref, run_ref, den_ref, w1a_ref, w1b_ref, b1_ref,
                    w2_ref, b2_ref, o_ref):
    ident = (lax.broadcasted_iota(jnp.int32, (B, B), 0)
             == lax.broadcasted_iota(jnp.int32, (B, B), 1))
    dcol = jnp.sum(jnp.where(ident, den_ref[...], 0.0), axis=1, keepdims=True)
    r_norm = run_ref[...] / (dcol + 1e-16)
    o1 = jnp.maximum(_mm(hs_ref[...], w1a_ref[...]) + _mm(r_norm, w1b_ref[...])
                     + b1_ref[...], 0.0)
    o_ref[...] = jnp.sum(o1 * w2_ref[...], axis=1, keepdims=True) + b2_ref[...]



def _sc_gather_body(tab_ref, ei_ref, out_ref, idxv, rows, idxt, rowst, sem):
    wid = lax.axis_index("s") * 2 + lax.axis_index("c")
    base = wid * EW

    def step(j, carry):
        off = base + j * CH
        pltpu.sync_copy(ei_ref.at[0, pl.ds(off, CH)], idxv)
        pltpu.async_copy(tab_ref.at[idxv], rows, sem).wait()
        pltpu.sync_copy(rows, out_ref.at[pl.ds(off, CH)])
        return carry

    lax.fori_loop(0, NCH, step, 0)
    off = base + NCH * CH
    pltpu.sync_copy(ei_ref.at[0, pl.ds(off, TAIL)], idxt)
    pltpu.async_copy(tab_ref.at[idxt], rowst, sem).wait()
    pltpu.sync_copy(rowst, out_ref.at[pl.ds(off, TAIL)])


def _sc_scatter_body(msg_ref, ei_ref, zero_ref, out_ref, idxv, rows, idxt,
                     rowst, shared):
    cid = lax.axis_index("c")
    sid = lax.axis_index("s")
    wid = sid * 2 + cid

    @pl.when(sid == 0)
    def _():
        pltpu.sync_copy(zero_ref, shared)

    plsc.subcore_barrier()

    def step(j, carry):
        off = wid * EW + j * CH
        pltpu.sync_copy(ei_ref.at[1, pl.ds(off, CH)], idxv)
        pltpu.sync_copy(msg_ref.at[pl.ds(off, CH)], rows)
        pltpu.sync_copy(rows, shared.at[idxv], add=True)
        return carry

    lax.fori_loop(0, NCH, step, 0)
    off = wid * EW + NCH * CH
    pltpu.sync_copy(ei_ref.at[1, pl.ds(off, TAIL)], idxt)
    pltpu.sync_copy(msg_ref.at[pl.ds(off, TAIL)], rowst)
    pltpu.sync_copy(rowst, shared.at[idxt], add=True)

    plsc.subcore_barrier()

    @pl.when(sid == 0)
    def _():
        pltpu.sync_copy(shared, out_ref.at[cid])


@functools.cache
def _sc_mesh():
    return plsc.VectorSubcoreMesh(core_axis_name="c", subcore_axis_name="s")


_SC_PARAMS = pltpu.CompilerParams(use_tc_tiling_on_sc=False)


def _sc_gather(tab, ei):
    return pl.kernel(
        _sc_gather_body,
        out_type=jax.ShapeDtypeStruct((E, DIM), _f32),
        mesh=_sc_mesh(),
        compiler_params=_SC_PARAMS,
        scratch_types=[
            pltpu.VMEM((CH,), jnp.int32),
            pltpu.VMEM((CH, DIM), _f32),
            pltpu.VMEM((TAIL,), jnp.int32),
            pltpu.VMEM((TAIL, DIM), _f32),
            pltpu.SemaphoreType.DMA,
        ],
    )(tab, ei)


def _sc_scatter(msg, ei, zeros, width):
    return pl.kernel(
        _sc_scatter_body,
        out_type=jax.ShapeDtypeStruct((2, N, width), _f32),
        mesh=_sc_mesh(),
        compiler_params=_SC_PARAMS,
        scratch_types=[
            pltpu.VMEM((CH,), jnp.int32),
            pltpu.VMEM((CH, width), _f32),
            pltpu.VMEM((TAIL,), jnp.int32),
            pltpu.VMEM((TAIL, width), _f32),
            pltpu.VMEM_SHARED((N, width), _f32),
        ],
    )(msg, ei, zeros)



def kernel(x, edge_index, edge_attr, batch, W0, b0, We1, be1, We2, be2, Wr,
           br, Wih, Whh, bih, bhh, Wih_s, Whh_s, bih_s, bhh_s, W1, b1, W2,
           b2):
    ea_t = jnp.pad(edge_attr.T, ((0, 3), (0, 0)))
    We1t = jnp.pad(We1.T, ((0, 0), (0, 3)))
    We2t = We2.T
    ones16 = jnp.ones((E, 16), _f32)
    z32 = jnp.zeros((N, DIM), _f32)
    z16 = jnp.zeros((N, 16), _f32)
    bat2 = batch.reshape(N, 1)

    b0r = b0.reshape(1, DIM)
    be1c = be1.reshape(128, 1)
    be2c = be2.reshape(DIM * DIM, 1)
    brr = br.reshape(1, DIM)
    bihr = bih.reshape(1, 3 * DIM)
    bhhr = bhh.reshape(1, 3 * DIM)
    Wc_s = Wih_s[0:DIM, :] + Whh_s
    Wr_s = Wih_s[DIM:2 * DIM, :]
    b_s = (bih_s + bhh_s).reshape(1, 4 * DIM)
    W1a = W1[0:DIM, :]
    W1b = W1[DIM:2 * DIM, :]
    b1r = b1.reshape(1, DIM)
    w2row = W2.reshape(1, DIM)
    b2r = b2.reshape(1, 1)

    h = pl.pallas_call(
        _lin0_body,
        out_shape=jax.ShapeDtypeStruct((N, DIM), _f32),
    )(x, W0, b0r)

    EBH = 16000
    Ht = pl.pallas_call(
        _edge_ht_body,
        grid=(E // EBH,),
        in_specs=[
            pl.BlockSpec((128, 8), lambda i: (0, 0)),
            pl.BlockSpec((8, EBH), lambda i: (0, i)),
            pl.BlockSpec((128, 1), lambda i: (0, 0)),
        ],
        out_specs=pl.BlockSpec((128, EBH), lambda i: (0, i)),
        out_shape=jax.ShapeDtypeStruct((128, E), _f32),
    )(We1t, ea_t, be1c)

    EBW = 3200
    WeT = pl.pallas_call(
        _wet_body,
        grid=(E // EBW,),
        in_specs=[
            pl.BlockSpec((DIM * DIM, 128), lambda i: (0, 0)),
            pl.BlockSpec((128, EBW), lambda i: (0, i)),
            pl.BlockSpec((DIM * DIM, 1), lambda i: (0, 0)),
        ],
        out_specs=pl.BlockSpec((DIM * DIM, EBW), lambda i: (0, i)),
        out_shape=jax.ShapeDtypeStruct((DIM * DIM, E), _bf16),
    )(We2t, Ht, be2c)

    degp = _sc_scatter(ones16, edge_index, z16, 16)

    EBM = 3200
    for _ in range(3):
        G = _sc_gather(h, edge_index)
        msg = pl.pallas_call(
            _msg_body,
            grid=(E // EBM,),
            in_specs=[
                pl.BlockSpec((EBM, DIM), lambda i: (i, 0)),
                pl.BlockSpec((DIM * DIM, EBM), lambda i: (0, i)),
            ],
            out_specs=pl.BlockSpec((EBM, DIM), lambda i: (i, 0)),
            out_shape=jax.ShapeDtypeStruct((E, DIM), _f32),
        )(G, WeT)
        aggp = _sc_scatter(msg, edge_index, z32, DIM)
        NBU = 2000
        h = pl.pallas_call(
            _update_body,
            grid=(N // NBU,),
            in_specs=[
                pl.BlockSpec((2, NBU, DIM), lambda i: (0, i, 0)),
                pl.BlockSpec((2, NBU, 16), lambda i: (0, i, 0)),
                pl.BlockSpec((NBU, DIM), lambda i: (i, 0)),
                pl.BlockSpec((DIM, DIM), lambda i: (0, 0)),
                pl.BlockSpec((1, DIM), lambda i: (0, 0)),
                pl.BlockSpec((DIM, 3 * DIM), lambda i: (0, 0)),
                pl.BlockSpec((1, 3 * DIM), lambda i: (0, 0)),
                pl.BlockSpec((DIM, 3 * DIM), lambda i: (0, 0)),
                pl.BlockSpec((1, 3 * DIM), lambda i: (0, 0)),
            ],
            out_specs=pl.BlockSpec((NBU, DIM), lambda i: (i, 0)),
            out_shape=jax.ShapeDtypeStruct((N, DIM), _f32),
        )(aggp, degp, h, Wr, brr, Wih, bihr, Whh, bhhr)

    hs = jnp.zeros((B, DIM), _f32)
    cs = jnp.zeros((B, DIM), _f32)
    r_un = jnp.zeros((B, DIM), _f32)
    den = jnp.zeros((1, B), _f32)
    NB = 2000
    for _ in range(3):
        hs, cs = pl.pallas_call(
            _s2s_lstm_body,
            out_shape=(jax.ShapeDtypeStruct((B, DIM), _f32),
                       jax.ShapeDtypeStruct((B, DIM), _f32)),
        )(hs, cs, r_un, den, Wc_s, Wr_s, b_s)
        e, emax = pl.pallas_call(
            _s2s_pass1_body,
            grid=(N // NB,),
            in_specs=[
                pl.BlockSpec((NB, DIM), lambda i: (i, 0)),
                pl.BlockSpec((NB, 1), lambda i: (i, 0)),
                pl.BlockSpec((B, DIM), lambda i: (0, 0)),
            ],
            out_specs=(pl.BlockSpec((NB, 1), lambda i: (i, 0)),
                       pl.BlockSpec((1, B), lambda i: (0, 0))),
            out_shape=(jax.ShapeDtypeStruct((N, 1), _f32),
                       jax.ShapeDtypeStruct((1, B), _f32)),
            scratch_shapes=[pltpu.VMEM((1, B), _f32)],
        )(h, bat2, hs)
        den, r_un = pl.pallas_call(
            _s2s_pass2_body,
            grid=(N // NB,),
            in_specs=[
                pl.BlockSpec((NB, DIM), lambda i: (i, 0)),
                pl.BlockSpec((NB, 1), lambda i: (i, 0)),
                pl.BlockSpec((NB, 1), lambda i: (i, 0)),
                pl.BlockSpec((1, B), lambda i: (0, 0)),
            ],
            out_specs=(pl.BlockSpec((1, B), lambda i: (0, 0)),
                       pl.BlockSpec((B, DIM), lambda i: (0, 0))),
            out_shape=(jax.ShapeDtypeStruct((1, B), _f32),
                       jax.ShapeDtypeStruct((B, DIM), _f32)),
            scratch_shapes=[pltpu.VMEM((1, B), _f32),
                            pltpu.VMEM((B, DIM), _f32)],
        )(h, bat2, e, emax)

    o = pl.pallas_call(
        _s2s_final_body,
        out_shape=jax.ShapeDtypeStruct((B, 1), _f32),
    )(hs, r_un, den, W1a, W1b, b1r, w2row, b2r)
    return o.reshape(-1)

# --- scband reference (transcript-rebuilt; emitter-appended) ---
"""Pipeline reference for scband-net-63196148793448 (READ-ONLY COPY).

The authoritative reference and input builder live on the scoring server;
editing this copy changes nothing except your own understanding.
"""

import jax, jax.numpy as jnp
import numpy as np

N = 10000
E = 160000
F_IN = 128
DIM = 32
B = 128


def setup_inputs(seed: int = 0):
    key = jax.random.key(seed)
    ks = jax.random.split(key, 24)
    x = jax.random.normal(ks[0], (N, F_IN), dtype=jnp.float32)
    edge_index = jax.random.randint(ks[1], (2, E), 0, N, dtype=jnp.int32)
    edge_attr = jax.random.uniform(ks[2], (E, 5), dtype=jnp.float32)
    batch = jnp.sort(jax.random.randint(ks[3], (N,), 0, B, dtype=jnp.int32))
    s = 0.05
    W0 = s * jax.random.normal(ks[4], (F_IN, DIM), dtype=jnp.float32)
    b0 = jnp.zeros((DIM,), dtype=jnp.float32)
    We1 = s * jax.random.normal(ks[5], (5, 128), dtype=jnp.float32)
    be1 = jnp.zeros((128,), dtype=jnp.float32)
    We2 = s * jax.random.normal(ks[6], (128, DIM * DIM), dtype=jnp.float32)
    be2 = jnp.zeros((DIM * DIM,), dtype=jnp.float32)
    Wr = s * jax.random.normal(ks[7], (DIM, DIM), dtype=jnp.float32)
    br = jnp.zeros((DIM,), dtype=jnp.float32)
    Wih = s * jax.random.normal(ks[8], (DIM, 3 * DIM), dtype=jnp.float32)
    Whh = s * jax.random.normal(ks[9], (DIM, 3 * DIM), dtype=jnp.float32)
    bih = jnp.zeros((3 * DIM,), dtype=jnp.float32)
    bhh = jnp.zeros((3 * DIM,), dtype=jnp.float32)
    Wih_s = s * jax.random.normal(ks[10], (2 * DIM, 4 * DIM), dtype=jnp.float32)
    Whh_s = s * jax.random.normal(ks[11], (DIM, 4 * DIM), dtype=jnp.float32)
    bih_s = jnp.zeros((4 * DIM,), dtype=jnp.float32)
    bhh_s = jnp.zeros((4 * DIM,), dtype=jnp.float32)
    W1 = s * jax.random.normal(ks[12], (2 * DIM, DIM), dtype=jnp.float32)
    b1 = jnp.zeros((DIM,), dtype=jnp.float32)
    W2 = s * jax.random.normal(ks[13], (DIM, 1), dtype=jnp.float32)
    b2 = jnp.zeros((1,), dtype=jnp.float32)
    return {"x": x, "edge_index": edge_index, "edge_attr": edge_attr, "batch": batch,
            "W0": W0, "b0": b0, "We1": We1, "be1": be1, "We2": We2, "be2": be2,
            "Wr": Wr, "br": br, "Wih": Wih, "Whh": Whh, "bih": bih, "bhh": bhh,
            "Wih_s": Wih_s, "Whh_s": Whh_s, "bih_s": bih_s, "bhh_s": bhh_s,
            "W1": W1, "b1": b1, "W2": W2, "b2": b2}


def _forward(x, edge_attr, W0, b0, We1, be1, We2, be2, Wr, br, Wih, Whh, bih, bhh,
             Wih_s, Whh_s, bih_s, bhh_s, W1, b1, W2, b2, edge_index, batch):
    src = edge_index[0]
    dst = edge_index[1]
    # lin0 + relu
    out = jax.nn.relu(x @ W0 + b0)
    h = out
    # NNConv edge network: Linear(5,128) -> ReLU -> Linear(128, dim*dim)
    We = jax.nn.relu(edge_attr @ We1 + be1) @ We2 + be2
    We = We.reshape(E, DIM, DIM)
    deg = jax.ops.segment_sum(jnp.ones((E,), dtype=jnp.float32), dst, num_segments=N)
    deg = jnp.maximum(deg, 1.0)[:, None]
    for _ in range(3):
        # NNConv message: x_j @ W(e_ij), mean-aggregated at dst, plus root weight
        msg = jnp.einsum('ei,eio->eo', out[src], We)
        agg = jax.ops.segment_sum(msg, dst, num_segments=N) / deg
        m = jax.nn.relu(agg + out @ Wr + br)
        # GRU cell (PyTorch gate order r,z,n)
        gi = m @ Wih + bih
        gh = h @ Whh + bhh
        ir, iz, i_n = jnp.split(gi, 3, axis=-1)
        hr, hz, hn = jnp.split(gh, 3, axis=-1)
        r = jax.nn.sigmoid(ir + hr)
        z = jax.nn.sigmoid(iz + hz)
        n = jnp.tanh(i_n + r * hn)
        h = (1.0 - z) * n + z * h
        out = h
    # Set2Set readout, 3 processing steps (LSTM gate order i,f,g,o)
    q_star = jnp.zeros((B, 2 * DIM), dtype=jnp.float32)
    hs = jnp.zeros((B, DIM), dtype=jnp.float32)
    cs = jnp.zeros((B, DIM), dtype=jnp.float32)
    for _ in range(3):
        gates = q_star @ Wih_s + bih_s + hs @ Whh_s + bhh_s
        ig, fg, gg, og = jnp.split(gates, 4, axis=-1)
        ig = jax.nn.sigmoid(ig)
        fg = jax.nn.sigmoid(fg)
        gg = jnp.tanh(gg)
        og = jax.nn.sigmoid(og)
        cs = fg * cs + ig * gg
        hs = og * jnp.tanh(cs)
        q = hs
        e = jnp.sum(out * q[batch], axis=-1)
        e_max = jax.ops.segment_max(e, batch, num_segments=B)
        e_exp = jnp.exp(e - e_max[batch])
        denom = jax.ops.segment_sum(e_exp, batch, num_segments=B)
        a = e_exp / (denom[batch] + 1e-16)
        r_read = jax.ops.segment_sum(a[:, None] * out, batch, num_segments=B)
        q_star = jnp.concatenate([q, r_read], axis=-1)
    o = jax.nn.relu(q_star @ W1 + b1)
    o = o @ W2 + b2
    return o.reshape(-1)


def reference(x, edge_index, edge_attr, batch, W0, b0, We1, be1, We2, be2, Wr, br,
              Wih, Whh, bih, bhh, Wih_s, Whh_s, bih_s, bhh_s, W1, b1, W2, b2):
    return _forward(x, edge_attr, W0, b0, We1, be1, We2, be2, Wr, br, Wih, Whh,
                    bih, bhh, Wih_s, Whh_s, bih_s, bhh_s, W1, b1, W2, b2,
                    edge_index, batch)

if __name__ == "__main__":
    import jax
    _d = setup_inputs()
    print(jax.jit(kernel)(*tuple(_d.values())))

</pallas_src>

<mosaic_0001>
#map = affine_map<(d0, d1) -> (0, 0)>
module attributes {stable_mosaic.version = 14 : i64} {
  func.func @_sc_gather_body(%arg0: i32, %arg1: i32, %arg2: memref<10000x32xf32, #tpu.memory_space<hbm>>, %arg3: memref<2x160000xi32, #tpu.memory_space<hbm>>, %arg4: memref<160000x32xf32, #tpu.memory_space<hbm>>, %arg5: memref<128xi32, #tpu.memory_space<vmem>>, %arg6: memref<128x32xf32, #tpu.memory_space<vmem>>, %arg7: memref<8xi32, #tpu.memory_space<vmem>>, %arg8: memref<8x32xf32, #tpu.memory_space<vmem>>, %arg9: memref<!tpu.dma_semaphore, #tpu.memory_space<semaphore_mem>>) attributes {dimension_semantics = [#tpu.dimension_semantics<core_parallel>, #tpu.dimension_semantics<subcore_parallel>], iteration_bounds = array<i64: 2, 16>, scalar_prefetch = 0 : i64, scratch_operands = 5 : i64, tpu.core_type = #tpu.core_type<sc_vector_subcore>, window_params = [{transform_indices = #map}, {transform_indices = #map}, {transform_indices = #map}]} {
    %mul3A = arith.constant 2 : i32
    %mul3A_0 = arith.muli %arg1, %mul3A : i32
    %add3A = arith.addi %mul3A_0, %arg0 : i32
    %mul3A_1 = arith.constant 5000 : i32
    %mul3A_2 = arith.muli %add3A, %mul3A_1 : i32
    %scan3A = arith.constant 0 : i32
    %scan3A_3 = arith.constant 0 : i32
    %scan3A_4 = arith.constant 39 : i32
    %scan3A_5 = arith.addi %scan3A_3, %scan3A_4 : i32
    %scan3A_6 = arith.constant 1 : i32
    scf.for %scan3A_14 = %scan3A_3 to %scan3A_5 step %scan3A_6  : i32 {
      %mul3A_15 = arith.constant 128 : i32
      %mul3A_16 = arith.muli %scan3A_14, %mul3A_15 : i32
      %add3A_17 = arith.addi %mul3A_2, %mul3A_16 : i32
      %run_scoped3A_18 = arith.constant 0 : i32
      "tpu.region"() ({
        %run_scoped3A_25 = tpu.sem_alloc : memref<!tpu.dma_semaphore, #tpu.memory_space<semaphore_mem>>
        %dma_start3A_26 = tpu.memref_slice %arg3[%run_scoped3A_18, %add3A_17] : memref<2x160000xi32, #tpu.memory_space<hbm>> -> memref<1x128xi32, #tpu.memory_space<hbm>>
        %dma_start3A_27 = tpu.memref_squeeze %dma_start3A_26 : memref<1x128xi32, #tpu.memory_space<hbm>> -> memref<128xi32, #tpu.memory_space<hbm>>
        %dma_start3A_28 = tpu.memref_slice %arg3[%run_scoped3A_18, %add3A_17] : memref<2x160000xi32, #tpu.memory_space<hbm>> -> memref<1x128xi32, #tpu.memory_space<hbm>>
        %dma_start3A_29 = tpu.memref_squeeze %dma_start3A_28 : memref<1x128xi32, #tpu.memory_space<hbm>> -> memref<128xi32, #tpu.memory_space<hbm>>
        tpu.enqueue_dma source(%dma_start3A_29 : memref<128xi32, #tpu.memory_space<hbm>>) target(%arg5 : memref<128xi32, #tpu.memory_space<vmem>>) target_semaphore(%run_scoped3A_25 : memref<!tpu.dma_semaphore, #tpu.memory_space<semaphore_mem>>)
        %dma_wait3A_30 = tpu.memref_slice %arg3[%run_scoped3A_18, %add3A_17] : memref<2x160000xi32, #tpu.memory_space<hbm>> -> memref<1x128xi32, #tpu.memory_space<hbm>>
        %dma_wait3A_31 = tpu.memref_squeeze %dma_wait3A_30 : memref<1x128xi32, #tpu.memory_space<hbm>> -> memref<128xi32, #tpu.memory_space<hbm>>
        %dma_wait3A_32 = tpu.memref_slice %arg3[%run_scoped3A_18, %add3A_17] : memref<2x160000xi32, #tpu.memory_space<hbm>> -> memref<1x128xi32, #tpu.memory_space<hbm>>
        %dma_wait3A_33 = tpu.memref_squeeze %dma_wait3A_32 : memref<1x128xi32, #tpu.memory_space<hbm>> -> memref<128xi32, #tpu.memory_space<hbm>>
        tpu.wait_dma2 semaphore(%run_scoped3A_25 : memref<!tpu.dma_semaphore, #tpu.memory_space<semaphore_mem>>) src(%dma_wait3A_33 : memref<128xi32, #tpu.memory_space<hbm>>) dst(%arg5 : memref<128xi32, #tpu.memory_space<vmem>>)
        tpu.yield
      }) : () -> ()
      %dma_start3A_19 = arith.constant 0 : i32
      %dma_start3A_20 = arith.constant 0 : i32
      %dma_start3A_21 = tpu.memref_slice %arg2[%dma_start3A_19, %dma_start3A_20] : memref<10000x32xf32, #tpu.memory_space<hbm>> -> memref<10000x32xf32, #tpu.memory_space<hbm>>
      tpu.enqueue_indirect_dma source(%dma_start3A_21 : memref<10000x32xf32, #tpu.memory_space<hbm>>) target(%arg6 : memref<128x32xf32, #tpu.memory_space<vmem>>) offsets(%arg5 : memref<128xi32, #tpu.memory_space<vmem>>) semaphore(%arg9 : memref<!tpu.dma_semaphore, #tpu.memory_space<semaphore_mem>>)
      %dma_wait3A_22 = arith.constant 0 : i32
      %dma_wait3A_23 = arith.constant 0 : i32
      %dma_wait3A_24 = tpu.memref_slice %arg2[%dma_wait3A_22, %dma_wait3A_23] : memref<10000x32xf32, #tpu.memory_space<hbm>> -> memref<10000x32xf32, #tpu.memory_space<hbm>>
      tpu.wait_indirect_dma semaphore(%arg9 : memref<!tpu.dma_semaphore, #tpu.memory_space<semaphore_mem>>) src(%dma_wait3A_24 : memref<10000x32xf32, #tpu.memory_space<hbm>>) dst(%arg6 : memref<128x32xf32, #tpu.memory_space<vmem>>)
      "tpu.region"() ({
        %run_scoped3A_25 = tpu.sem_alloc : memref<!tpu.dma_semaphore, #tpu.memory_space<semaphore_mem>>
        %dma_start3A_26 = arith.constant 0 : i32
        %dma_start3A_27 = tpu.memref_slice %arg4[%add3A_17, %dma_start3A_26] : memref<160000x32xf32, #tpu.memory_space<hbm>> -> memref<128x32xf32, #tpu.memory_space<hbm>>
        %dma_start3A_28 = arith.constant 0 : i32
        %dma_start3A_29 = tpu.memref_slice %arg4[%add3A_17, %dma_start3A_28] : memref<160000x32xf32, #tpu.memory_space<hbm>> -> memref<128x32xf32, #tpu.memory_space<hbm>>
        tpu.enqueue_dma source(%arg6 : memref<128x32xf32, #tpu.memory_space<vmem>>) target(%dma_start3A_29 : memref<128x32xf32, #tpu.memory_space<hbm>>) target_semaphore(%run_scoped3A_25 : memref<!tpu.dma_semaphore, #tpu.memory_space<semaphore_mem>>)
        %dma_wait3A_30 = arith.constant 0 : i32
        %dma_wait3A_31 = tpu.memref_slice %arg4[%add3A_17, %dma_wait3A_30] : memref<160000x32xf32, #tpu.memory_space<hbm>> -> memref<128x32xf32, #tpu.memory_space<hbm>>
        %dma_wait3A_32 = arith.constant 0 : i32
        %dma_wait3A_33 = tpu.memref_slice %arg4[%add3A_17, %dma_wait3A_32] : memref<160000x32xf32, #tpu.memory_space<hbm>> -> memref<128x32xf32, #tpu.memory_space<hbm>>
        tpu.wait_dma2 semaphore(%run_scoped3A_25 : memref<!tpu.dma_semaphore, #tpu.memory_space<semaphore_mem>>) src(%arg6 : memref<128x32xf32, #tpu.memory_space<vmem>>) dst(%dma_wait3A_33 : memref<128x32xf32, #tpu.memory_space<hbm>>)
        tpu.yield
      }) : () -> ()
    }
    %scan3A_7 = arith.constant 39 : i32
    %add3A_8 = arith.constant 4992 : i32
    %add3A_9 = arith.addi %mul3A_2, %add3A_8 : i32
    %run_scoped3A = arith.constant 0 : i32
    "tpu.region"() ({
      %run_scoped3A_14 = tpu.sem_alloc : memref<!tpu.dma_semaphore, #tpu.memory_space<semaphore_mem>>
      %dma_start3A_15 = tpu.memref_slice %arg3[%run_scoped3A, %add3A_9] : memref<2x160000xi32, #tpu.memory_space<hbm>> -> memref<1x8xi32, #tpu.memory_space<hbm>>
      %dma_start3A_16 = tpu.memref_squeeze %dma_start3A_15 : memref<1x8xi32, #tpu.memory_space<hbm>> -> memref<8xi32, #tpu.memory_space<hbm>>
      %dma_start3A_17 = tpu.memref_slice %arg3[%run_scoped3A, %add3A_9] : memref<2x160000xi32, #tpu.memory_space<hbm>> -> memref<1x8xi32, #tpu.memory_space<hbm>>
      %dma_start3A_18 = tpu.memref_squeeze %dma_start3A_17 : memref<1x8xi32, #tpu.memory_space<hbm>> -> memref<8xi32, #tpu.memory_space<hbm>>
      tpu.enqueue_dma source(%dma_start3A_18 : memref<8xi32, #tpu.memory_space<hbm>>) target(%arg7 : memref<8xi32, #tpu.memory_space<vmem>>) target_semaphore(%run_scoped3A_14 : memref<!tpu.dma_semaphore, #tpu.memory_space<semaphore_mem>>)
      %dma_wait3A_19 = tpu.memref_slice %arg3[%run_scoped3A, %add3A_9] : memref<2x160000xi32, #tpu.memory_space<hbm>> -> memref<1x8xi32, #tpu.memory_space<hbm>>
      %dma_wait3A_20 = tpu.memref_squeeze %dma_wait3A_19 : memref<1x8xi32, #tpu.memory_space<hbm>> -> memref<8xi32, #tpu.memory_space<hbm>>
      %dma_wait3A_21 = tpu.memref_slice %arg3[%run_scoped3A, %add3A_9] : memref<2x160000xi32, #tpu.memory_space<hbm>> -> memref<1x8xi32, #tpu.memory_space<hbm>>
      %dma_wait3A_22 = tpu.memref_squeeze %dma_wait3A_21 : memref<1x8xi32, #tpu.memory_space<hbm>> -> memref<8xi32, #tpu.memory_space<hbm>>
      tpu.wait_dma2 semaphore(%run_scoped3A_14 : memref<!tpu.dma_semaphore, #tpu.memory_space<semaphore_mem>>) src(%dma_wait3A_22 : memref<8xi32, #tpu.memory_space<hbm>>) dst(%arg7 : memref<8xi32, #tpu.memory_space<vmem>>)
      tpu.yield
    }) : () -> ()
    %dma_start3A = arith.constant 0 : i32
    %dma_start3A_10 = arith.constant 0 : i32
    %dma_start3A_11 = tpu.memref_slice %arg2[%dma_start3A, %dma_start3A_10] : memref<10000x32xf32, #tpu.memory_space<hbm>> -> memref<10000x32xf32, #tpu.memory_space<hbm>>
    tpu.enqueue_indirect_dma source(%dma_start3A_11 : memref<10000x32xf32, #tpu.memory_space<hbm>>) target(%arg8 : memref<8x32xf32, #tpu.memory_space<vmem>>) offsets(%arg7 : memref<8xi32, #tpu.memory_space<vmem>>) semaphore(%arg9 : memref<!tpu.dma_semaphore, #tpu.memory_space<semaphore_mem>>)
    %dma_wait3A = arith.constant 0 : i32
    %dma_wait3A_12 = arith.constant 0 : i32
    %dma_wait3A_13 = tpu.memref_slice %arg2[%dma_wait3A, %dma_wait3A_12] : memref<10000x32xf32, #tpu.memory_space<hbm>> -> memref<10000x32xf32, #tpu.memory_space<hbm>>
    tpu.wait_indirect_dma semaphore(%arg9 : memref<!tpu.dma_semaphore, #tpu.memory_space<semaphore_mem>>) src(%dma_wait3A_13 : memref<10000x32xf32, #tpu.memory_space<hbm>>) dst(%arg8 : memref<8x32xf32, #tpu.memory_space<vmem>>)
    "tpu.region"() ({
      %run_scoped3A_14 = tpu.sem_alloc : memref<!tpu.dma_semaphore, #tpu.memory_space<semaphore_mem>>
      %dma_start3A_15 = arith.constant 0 : i32
      %dma_start3A_16 = tpu.memref_slice %arg4[%add3A_9, %dma_start3A_15] : memref<160000x32xf32, #tpu.memory_space<hbm>> -> memref<8x32xf32, #tpu.memory_space<hbm>>
      %dma_start3A_17 = arith.constant 0 : i32
      %dma_start3A_18 = tpu.memref_slice %arg4[%add3A_9, %dma_start3A_17] : memref<160000x32xf32, #tpu.memory_space<hbm>> -> memref<8x32xf32, #tpu.memory_space<hbm>>
      tpu.enqueue_dma source(%arg8 : memref<8x32xf32, #tpu.memory_space<vmem>>) target(%dma_start3A_18 : memref<8x32xf32, #tpu.memory_space<hbm>>) target_semaphore(%run_scoped3A_14 : memref<!tpu.dma_semaphore, #tpu.memory_space<semaphore_mem>>)
      %dma_wait3A_19 = arith.constant 0 : i32
      %dma_wait3A_20 = tpu.memref_slice %arg4[%add3A_9, %dma_wait3A_19] : memref<160000x32xf32, #tpu.memory_space<hbm>> -> memref<8x32xf32, #tpu.memory_space<hbm>>
      %dma_wait3A_21 = arith.constant 0 : i32
      %dma_wait3A_22 = tpu.memref_slice %arg4[%add3A_9, %dma_wait3A_21] : memref<160000x32xf32, #tpu.memory_space<hbm>> -> memref<8x32xf32, #tpu.memory_space<hbm>>
      tpu.wait_dma2 semaphore(%run_scoped3A_14 : memref<!tpu.dma_semaphore, #tpu.memory_space<semaphore_mem>>) src(%arg8 : memref<8x32xf32, #tpu.memory_space<vmem>>) dst(%dma_wait3A_22 : memref<8x32xf32, #tpu.memory_space<hbm>>)
      tpu.yield
    }) : () -> ()
    return
  }
}

#map = affine_map<(d0, d1) -> (0, 0)>
module attributes {stable_mosaic.version = 14 : i64} {
  func.func @_sc_gather_body(%arg0: i32, %arg1: i32, %arg2: memref<10000x32xf32, #tpu.memory_space<hbm>>, %arg3: memref<2x160000xi32, #tpu.memory_space<hbm>>, %arg4: memref<160000x32xf32, #tpu.memory_space<hbm>>, %arg5: memref<128xi32, #tpu.memory_space<vmem>>, %arg6: memref<128x32xf32, #tpu.memory_space<vmem>>, %arg7: memref<8xi32, #tpu.memory_space<vmem>>, %arg8: memref<8x32xf32, #tpu.memory_space<vmem>>, %arg9: memref<!tpu.dma_semaphore, #tpu.memory_space<semaphore_mem>>) attributes {dimension_semantics = [#tpu.dimension_semantics<core_parallel>, #tpu.dimension_semantics<subcore_parallel>], iteration_bounds = array<i64: 2, 16>, scalar_prefetch = 0 : i64, scratch_operands = 5 : i64, tpu.core_type = #tpu.core_type<sc_vector_subcore>, window_params = [{transform_indices = #map}, {transform_indices = #map}, {transform_indices = #map}]} {
    %mul3A = arith.constant 2 : i32
    %mul3A_0 = arith.muli %arg1, %mul3A : i32
    %add3A = arith.addi %mul3A_0, %arg0 : i32
    %mul3A_1 = arith.constant 5000 : i32
    %mul3A_2 = arith.muli %add3A, %mul3A_1 : i32
    %scan3A = arith.constant 0 : i32
    %scan3A_3 = arith.constant 0 : i32
    %scan3A_4 = arith.constant 39 : i32
    %scan3A_5 = arith.addi %scan3A_3, %scan3A_4 : i32
    %scan3A_6 = arith.constant 1 : i32
    scf.for %scan3A_14 = %scan3A_3 to %scan3A_5 step %scan3A_6  : i32 {
      %mul3A_15 = arith.constant 128 : i32
      %mul3A_16 = arith.muli %scan3A_14, %mul3A_15 : i32
      %add3A_17 = arith.addi %mul3A_2, %mul3A_16 : i32
      %run_scoped3A_18 = arith.constant 0 : i32
      "tpu.region"() ({
        %run_scoped3A_25 = tpu.sem_alloc : memref<!tpu.dma_semaphore, #tpu.memory_space<semaphore_mem>>
        %dma_start3A_26 = tpu.memref_slice %arg3[%run_scoped3A_18, %add3A_17] : memref<2x160000xi32, #tpu.memory_space<hbm>> -> memref<1x128xi32, #tpu.memory_space<hbm>>
        %dma_start3A_27 = tpu.memref_squeeze %dma_start3A_26 : memref<1x128xi32, #tpu.memory_space<hbm>> -> memref<128xi32, #tpu.memory_space<hbm>>
        %dma_start3A_28 = tpu.memref_slice %arg3[%run_scoped3A_18, %add3A_17] : memref<2x160000xi32, #tpu.memory_space<hbm>> -> memref<1x128xi32, #tpu.memory_space<hbm>>
        %dma_start3A_29 = tpu.memref_squeeze %dma_start3A_28 : memref<1x128xi32, #tpu.memory_space<hbm>> -> memref<128xi32, #tpu.memory_space<hbm>>
        tpu.enqueue_dma source(%dma_start3A_29 : memref<128xi32, #tpu.memory_space<hbm>>) target(%arg5 : memref<128xi32, #tpu.memory_space<vmem>>) target_semaphore(%run_scoped3A_25 : memref<!tpu.dma_semaphore, #tpu.memory_space<semaphore_mem>>)
        %dma_wait3A_30 = tpu.memref_slice %arg3[%run_scoped3A_18, %add3A_17] : memref<2x160000xi32, #tpu.memory_space<hbm>> -> memref<1x128xi32, #tpu.memory_space<hbm>>
        %dma_wait3A_31 = tpu.memref_squeeze %dma_wait3A_30 : memref<1x128xi32, #tpu.memory_space<hbm>> -> memref<128xi32, #tpu.memory_space<hbm>>
        %dma_wait3A_32 = tpu.memref_slice %arg3[%run_scoped3A_18, %add3A_17] : memref<2x160000xi32, #tpu.memory_space<hbm>> -> memref<1x128xi32, #tpu.memory_space<hbm>>
        %dma_wait3A_33 = tpu.memref_squeeze %dma_wait3A_32 : memref<1x128xi32, #tpu.memory_space<hbm>> -> memref<128xi32, #tpu.memory_space<hbm>>
        tpu.wait_dma2 semaphore(%run_scoped3A_25 : memref<!tpu.dma_semaphore, #tpu.memory_space<semaphore_mem>>) src(%dma_wait3A_33 : memref<128xi32, #tpu.memory_space<hbm>>) dst(%arg5 : memref<128xi32, #tpu.memory_space<vmem>>)
        tpu.yield
      }) : () -> ()
      %dma_start3A_19 = arith.constant 0 : i32
      %dma_start3A_20 = arith.constant 0 : i32
      %dma_start3A_21 = tpu.memref_slice %arg2[%dma_start3A_19, %dma_start3A_20] : memref<10000x32xf32, #tpu.memory_space<hbm>> -> memref<10000x32xf32, #tpu.memory_space<hbm>>
      tpu.enqueue_indirect_dma source(%dma_start3A_21 : memref<10000x32xf32, #tpu.memory_space<hbm>>) target(%arg6 : memref<128x32xf32, #tpu.memory_space<vmem>>) offsets(%arg5 : memref<128xi32, #tpu.memory_space<vmem>>) semaphore(%arg9 : memref<!tpu.dma_semaphore, #tpu.memory_space<semaphore_mem>>)
      %dma_wait3A_22 = arith.constant 0 : i32
      %dma_wait3A_23 = arith.constant 0 : i32
      %dma_wait3A_24 = tpu.memref_slice %arg2[%dma_wait3A_22, %dma_wait3A_23] : memref<10000x32xf32, #tpu.memory_space<hbm>> -> memref<10000x32xf32, #tpu.memory_space<hbm>>
      tpu.wait_indirect_dma semaphore(%arg9 : memref<!tpu.dma_semaphore, #tpu.memory_space<semaphore_mem>>) src(%dma_wait3A_24 : memref<10000x32xf32, #tpu.memory_space<hbm>>) dst(%arg6 : memref<128x32xf32, #tpu.memory_space<vmem>>)
      "tpu.region"() ({
        %run_scoped3A_25 = tpu.sem_alloc : memref<!tpu.dma_semaphore, #tpu.memory_space<semaphore_mem>>
        %dma_start3A_26 = arith.constant 0 : i32
        %dma_start3A_27 = tpu.memref_slice %arg4[%add3A_17, %dma_start3A_26] : memref<160000x32xf32, #tpu.memory_space<hbm>> -> memref<128x32xf32, #tpu.memory_space<hbm>>
        %dma_start3A_28 = arith.constant 0 : i32
        %dma_start3A_29 = tpu.memref_slice %arg4[%add3A_17, %dma_start3A_28] : memref<160000x32xf32, #tpu.memory_space<hbm>> -> memref<128x32xf32, #tpu.memory_space<hbm>>
        tpu.enqueue_dma source(%arg6 : memref<128x32xf32, #tpu.memory_space<vmem>>) target(%dma_start3A_29 : memref<128x32xf32, #tpu.memory_space<hbm>>) target_semaphore(%run_scoped3A_25 : memref<!tpu.dma_semaphore, #tpu.memory_space<semaphore_mem>>)
        %dma_wait3A_30 = arith.constant 0 : i32
        %dma_wait3A_31 = tpu.memref_slice %arg4[%add3A_17, %dma_wait3A_30] : memref<160000x32xf32, #tpu.memory_space<hbm>> -> memref<128x32xf32, #tpu.memory_space<hbm>>
        %dma_wait3A_32 = arith.constant 0 : i32
        %dma_wait3A_33 = tpu.memref_slice %arg4[%add3A_17, %dma_wait3A_32] : memref<160000x32xf32, #tpu.memory_space<hbm>> -> memref<128x32xf32, #tpu.memory_space<hbm>>
        tpu.wait_dma2 semaphore(%run_scoped3A_25 : memref<!tpu.dma_semaphore, #tpu.memory_space<semaphore_mem>>) src(%arg6 : memref<128x32xf32, #tpu.memory_space<vmem>>) dst(%dma_wait3A_33 : memref<128x32xf32, #tpu.memory_space<hbm>>)
        tpu.yield
      }) : () -> ()
    }
    %scan3A_7 = arith.constant 39 : i32
    %add3A_8 = arith.constant 4992 : i32
    %add3A_9 = arith.addi %mul3A_2, %add3A_8 : i32
    %run_scoped3A = arith.constant 0 : i32
    "tpu.region"() ({
      %run_scoped3A_14 = tpu.sem_alloc : memref<!tpu.dma_semaphore, #tpu.memory_space<semaphore_mem>>
      %dma_start3A_15 = tpu.memref_slice %arg3[%run_scoped3A, %add3A_9] : memref<2x160000xi32, #tpu.memory_space<hbm>> -> memref<1x8xi32, #tpu.memory_space<hbm>>
      %dma_start3A_16 = tpu.memref_squeeze %dma_start3A_15 : memref<1x8xi32, #tpu.memory_space<hbm>> -> memref<8xi32, #tpu.memory_space<hbm>>
      %dma_start3A_17 = tpu.memref_slice %arg3[%run_scoped3A, %add3A_9] : memref<2x160000xi32, #tpu.memory_space<hbm>> -> memref<1x8xi32, #tpu.memory_space<hbm>>
      %dma_start3A_18 = tpu.memref_squeeze %dma_start3A_17 : memref<1x8xi32, #tpu.memory_space<hbm>> -> memref<8xi32, #tpu.memory_space<hbm>>
      tpu.enqueue_dma source(%dma_start3A_18 : memref<8xi32, #tpu.memory_space<hbm>>) target(%arg7 : memref<8xi32, #tpu.memory_space<vmem>>) target_semaphore(%run_scoped3A_14 : memref<!tpu.dma_semaphore, #tpu.memory_space<semaphore_mem>>)
      %dma_wait3A_19 = tpu.memref_slice %arg3[%run_scoped3A, %add3A_9] : memref<2x160000xi32, #tpu.memory_space<hbm>> -> memref<1x8xi32, #tpu.memory_space<hbm>>
      %dma_wait3A_20 = tpu.memref_squeeze %dma_wait3A_19 : memref<1x8xi32, #tpu.memory_space<hbm>> -> memref<8xi32, #tpu.memory_space<hbm>>
      %dma_wait3A_21 = tpu.memref_slice %arg3[%run_scoped3A, %add3A_9] : memref<2x160000xi32, #tpu.memory_space<hbm>> -> memref<1x8xi32, #tpu.memory_space<hbm>>
      %dma_wait3A_22 = tpu.memref_squeeze %dma_wait3A_21 : memref<1x8xi32, #tpu.memory_space<hbm>> -> memref<8xi32, #tpu.memory_space<hbm>>
      tpu.wait_dma2 semaphore(%run_scoped3A_14 : memref<!tpu.dma_semaphore, #tpu.memory_space<semaphore_mem>>) src(%dma_wait3A_22 : memref<8xi32, #tpu.memory_space<hbm>>) dst(%arg7 : memref<8xi32, #tpu.memory_space<vmem>>)
      tpu.yield
    }) : () -> ()
    %dma_start3A = arith.constant 0 : i32
    %dma_start3A_10 = arith.constant 0 : i32
    %dma_start3A_11 = tpu.memref_slice %arg2[%dma_start3A, %dma_start3A_10] : memref<10000x32xf32, #tpu.memory_space<hbm>> -> memref<10000x32xf32, #tpu.memory_space<hbm>>
    tpu.enqueue_indirect_dma source(%dma_start3A_11 : memref<10000x32xf32, #tpu.memory_space<hbm>>) target(%arg8 : memref<8x32xf32, #tpu.memory_space<vmem>>) offsets(%arg7 : memref<8xi32, #tpu.memory_space<vmem>>) semaphore(%arg9 : memref<!tpu.dma_semaphore, #tpu.memory_space<semaphore_mem>>)
    %dma_wait3A = arith.constant 0 : i32
    %dma_wait3A_12 = arith.constant 0 : i32
    %dma_wait3A_13 = tpu.memref_slice %arg2[%dma_wait3A, %dma_wait3A_12] : memref<10000x32xf32, #tpu.memory_space<hbm>> -> memref<10000x32xf32, #tpu.memory_space<hbm>>
    tpu.wait_indirect_dma semaphore(%arg9 : memref<!tpu.dma_semaphore, #tpu.memory_space<semaphore_mem>>) src(%dma_wait3A_13 : memref<10000x32xf32, #tpu.memory_space<hbm>>) dst(%arg8 : memref<8x32xf32, #tpu.memory_space<vmem>>)
    "tpu.region"() ({
      %run_scoped3A_14 = tpu.sem_alloc : memref<!tpu.dma_semaphore, #tpu.memory_space<semaphore_mem>>
      %dma_start3A_15 = arith.constant 0 : i32
      %dma_start3A_16 = tpu.memref_slice %arg4[%add3A_9, %dma_start3A_15] : memref<160000x32xf32, #tpu.memory_space<hbm>> -> memref<8x32xf32, #tpu.memory_space<hbm>>
      %dma_start3A_17 = arith.constant 0 : i32
      %dma_start3A_18 = tpu.memref_slice %arg4[%add3A_9, %dma_start3A_17] : memref<160000x32xf32, #tpu.memory_space<hbm>> -> memref<8x32xf32, #tpu.memory_space<hbm>>
      tpu.enqueue_dma source(%arg8 : memref<8x32xf32, #tpu.memory_space<vmem>>) target(%dma_start3A_18 : memref<8x32xf32, #tpu.memory_space<hbm>>) target_semaphore(%run_scoped3A_14 : memref<!tpu.dma_semaphore, #tpu.memory_space<semaphore_mem>>)
      %dma_wait3A_19 = arith.constant 0 : i32
      %dma_wait3A_20 = tpu.memref_slice %arg4[%add3A_9, %dma_wait3A_19] : memref<160000x32xf32, #tpu.memory_space<hbm>> -> memref<8x32xf32, #tpu.memory_space<hbm>>
      %dma_wait3A_21 = arith.constant 0 : i32
      %dma_wait3A_22 = tpu.memref_slice %arg4[%add3A_9, %dma_wait3A_21] : memref<160000x32xf32, #tpu.memory_space<hbm>> -> memref<8x32xf32, #tpu.memory_space<hbm>>
      tpu.wait_dma2 semaphore(%run_scoped3A_14 : memref<!tpu.dma_semaphore, #tpu.memory_space<semaphore_mem>>) src(%arg8 : memref<8x32xf32, #tpu.memory_space<vmem>>) dst(%dma_wait3A_22 : memref<8x32xf32, #tpu.memory_space<hbm>>)
      tpu.yield
    }) : () -> ()
    return
  }
}

#map = affine_map<(d0, d1) -> (0, 0)>
#map1 = affine_map<(d0, d1) -> (0, 0, 0)>
module attributes {stable_mosaic.version = 14 : i64} {
  func.func @_sc_scatter_body(%arg0: i32, %arg1: i32, %arg2: memref<160000x32xf32, #tpu.memory_space<hbm>>, %arg3: memref<2x160000xi32, #tpu.memory_space<hbm>>, %arg4: memref<10000x32xf32, #tpu.memory_space<hbm>>, %arg5: memref<2x10000x32xf32, #tpu.memory_space<hbm>>, %arg6: memref<128xi32, #tpu.memory_space<vmem>>, %arg7: memref<128x32xf32, #tpu.memory_space<vmem>>, %arg8: memref<8xi32, #tpu.memory_space<vmem>>, %arg9: memref<8x32xf32, #tpu.memory_space<vmem>>, %arg10: memref<10000x32xf32, #tpu.memory_space<vmem_shared>>) attributes {dimension_semantics = [#tpu.dimension_semantics<core_parallel>, #tpu.dimension_semantics<subcore_parallel>], iteration_bounds = array<i64: 2, 16>, scalar_prefetch = 0 : i64, scratch_operands = 5 : i64, tpu.core_type = #tpu.core_type<sc_vector_subcore>, window_params = [{transform_indices = #map}, {transform_indices = #map}, {transform_indices = #map}, {transform_indices = #map1}]} {
    %mul3A = arith.constant 2 : i32
    %mul3A_0 = arith.muli %arg1, %mul3A : i32
    %add3A = arith.addi %mul3A_0, %arg0 : i32
    %eq3A = arith.constant 0 : i32
    %eq3A_1 = arith.cmpi eq, %arg1, %eq3A : i32
    %convert_element_type3A = arith.extui %eq3A_1 : i1 to i32
    %cond3A = arith.constant 0 : i32
    %cond3A_2 = arith.cmpi ne, %convert_element_type3A, %cond3A : i32
    scf.if %cond3A_2 {
      "tpu.region"() ({
        %run_scoped3A_18 = tpu.sem_alloc : memref<!tpu.dma_semaphore, #tpu.memory_space<semaphore_mem>>
        tpu.enqueue_dma source(%arg4 : memref<10000x32xf32, #tpu.memory_space<hbm>>) target(%arg10 : memref<10000x32xf32, #tpu.memory_space<vmem_shared>>) target_semaphore(%run_scoped3A_18 : memref<!tpu.dma_semaphore, #tpu.memory_space<semaphore_mem>>)
        tpu.wait_dma2 semaphore(%run_scoped3A_18 : memref<!tpu.dma_semaphore, #tpu.memory_space<semaphore_mem>>) src(%arg4 : memref<10000x32xf32, #tpu.memory_space<hbm>>) dst(%arg10 : memref<10000x32xf32, #tpu.memory_space<vmem_shared>>)
        tpu.yield
      }) : () -> ()
    } else {
    }
    %barrier3A = arith.constant 0 : index
    tpu.barrier barrier_id(%barrier3A)
    %scan3A = arith.constant 0 : i32
    %scan3A_3 = arith.constant 0 : i32
    %scan3A_4 = arith.constant 39 : i32
    %scan3A_5 = arith.addi %scan3A_3, %scan3A_4 : i32
    %scan3A_6 = arith.constant 1 : i32
    scf.for %scan3A_18 = %scan3A_3 to %scan3A_5 step %scan3A_6  : i32 {
      %mul3A_19 = arith.constant 5000 : i32
      %mul3A_20 = arith.muli %add3A, %mul3A_19 : i32
      %mul3A_21 = arith.constant 128 : i32
      %mul3A_22 = arith.muli %scan3A_18, %mul3A_21 : i32
      %add3A_23 = arith.addi %mul3A_20, %mul3A_22 : i32
      %run_scoped3A_24 = arith.constant 1 : i32
      "tpu.region"() ({
        %run_scoped3A_25 = tpu.sem_alloc : memref<!tpu.dma_semaphore, #tpu.memory_space<semaphore_mem>>
        %dma_start3A = tpu.memref_slice %arg3[%run_scoped3A_24, %add3A_23] : memref<2x160000xi32, #tpu.memory_space<hbm>> -> memref<1x128xi32, #tpu.memory_space<hbm>>
        %dma_start3A_26 = tpu.memref_squeeze %dma_start3A : memref<1x128xi32, #tpu.memory_space<hbm>> -> memref<128xi32, #tpu.memory_space<hbm>>
        %dma_start3A_27 = tpu.memref_slice %arg3[%run_scoped3A_24, %add3A_23] : memref<2x160000xi32, #tpu.memory_space<hbm>> -> memref<1x128xi32, #tpu.memory_space<hbm>>
        %dma_start3A_28 = tpu.memref_squeeze %dma_start3A_27 : memref<1x128xi32, #tpu.memory_space<hbm>> -> memref<128xi32, #tpu.memory_space<hbm>>
        tpu.enqueue_dma source(%dma_start3A_28 : memref<128xi32, #tpu.memory_space<hbm>>) target(%arg6 : memref<128xi32, #tpu.memory_space<vmem>>) target_semaphore(%run_scoped3A_25 : memref<!tpu.dma_semaphore, #tpu.memory_space<semaphore_mem>>)
        %dma_wait3A = tpu.memref_slice %arg3[%run_scoped3A_24, %add3A_23] : memref<2x160000xi32, #tpu.memory_space<hbm>> -> memref<1x128xi32, #tpu.memory_space<hbm>>
        %dma_wait3A_29 = tpu.memref_squeeze %dma_wait3A : memref<1x128xi32, #tpu.memory_space<hbm>> -> memref<128xi32, #tpu.memory_space<hbm>>
        %dma_wait3A_30 = tpu.memref_slice %arg3[%run_scoped3A_24, %add3A_23] : memref<2x160000xi32, #tpu.memory_space<hbm>> -> memref<1x128xi32, #tpu.memory_space<hbm>>
        %dma_wait3A_31 = tpu.memref_squeeze %dma_wait3A_30 : memref<1x128xi32, #tpu.memory_space<hbm>> -> memref<128xi32, #tpu.memory_space<hbm>>
        tpu.wait_dma2 semaphore(%run_scoped3A_25 : memref<!tpu.dma_semaphore, #tpu.memory_space<semaphore_mem>>) src(%dma_wait3A_31 : memref<128xi32, #tpu.memory_space<hbm>>) dst(%arg6 : memref<128xi32, #tpu.memory_space<vmem>>)
        tpu.yield
      }) : () -> ()
      "tpu.region"() ({
        %run_scoped3A_25 = tpu.sem_alloc : memref<!tpu.dma_semaphore, #tpu.memory_space<semaphore_mem>>
        %dma_start3A = arith.constant 0 : i32
        %dma_start3A_26 = tpu.memref_slice %arg2[%add3A_23, %dma_start3A] : memref<160000x32xf32, #tpu.memory_space<hbm>> -> memref<128x32xf32, #tpu.memory_space<hbm>>
        %dma_start3A_27 = arith.constant 0 : i32
        %dma_start3A_28 = tpu.memref_slice %arg2[%add3A_23, %dma_start3A_27] : memref<160000x32xf32, #tpu.memory_space<hbm>> -> memref<128x32xf32, #tpu.memory_space<hbm>>
        tpu.enqueue_dma source(%dma_start3A_28 : memref<128x32xf32, #tpu.memory_space<hbm>>) target(%arg7 : memref<128x32xf32, #tpu.memory_space<vmem>>) target_semaphore(%run_scoped3A_25 : memref<!tpu.dma_semaphore, #tpu.memory_space<semaphore_mem>>)
        %dma_wait3A = arith.constant 0 : i32
        %dma_wait3A_29 = tpu.memref_slice %arg2[%add3A_23, %dma_wait3A] : memref<160000x32xf32, #tpu.memory_space<hbm>> -> memref<128x32xf32, #tpu.memory_space<hbm>>
        %dma_wait3A_30 = arith.constant 0 : i32
        %dma_wait3A_31 = tpu.memref_slice %arg2[%add3A_23, %dma_wait3A_30] : memref<160000x32xf32, #tpu.memory_space<hbm>> -> memref<128x32xf32, #tpu.memory_space<hbm>>
        tpu.wait_dma2 semaphore(%run_scoped3A_25 : memref<!tpu.dma_semaphore, #tpu.memory_space<semaphore_mem>>) src(%dma_wait3A_31 : memref<128x32xf32, #tpu.memory_space<hbm>>) dst(%arg7 : memref<128x32xf32, #tpu.memory_space<vmem>>)
        tpu.yield
      }) : () -> ()
      "tpu.region"() ({
        %run_scoped3A_25 = tpu.sem_alloc : memref<!tpu.dma_semaphore, #tpu.memory_space<semaphore_mem>>
        %dma_start3A = arith.constant 0 : i32
        %dma_start3A_26 = arith.constant 0 : i32
        %dma_start3A_27 = tpu.memref_slice %arg10[%dma_start3A, %dma_start3A_26] : memref<10000x32xf32, #tpu.memory_space<vmem_shared>> -> memref<10000x32xf32, #tpu.memory_space<vmem_shared>>
        tpu.enqueue_indirect_dma source(%arg7 : memref<128x32xf32, #tpu.memory_space<vmem>>) target(%dma_start3A_27 : memref<10000x32xf32, #tpu.memory_space<vmem_shared>>) offsets(%arg6 : memref<128xi32, #tpu.memory_space<vmem>>) semaphore(%run_scoped3A_25 : memref<!tpu.dma_semaphore, #tpu.memory_space<semaphore_mem>>) {add = true}
        %dma_wait3A = arith.constant 0 : i32
        %dma_wait3A_28 = arith.constant 0 : i32
        %dma_wait3A_29 = tpu.memref_slice %arg10[%dma_wait3A, %dma_wait3A_28] : memref<10000x32xf32, #tpu.memory_space<vmem_shared>> -> memref<10000x32xf32, #tpu.memory_space<vmem_shared>>
        tpu.wait_indirect_dma semaphore(%run_scoped3A_25 : memref<!tpu.dma_semaphore, #tpu.memory_space<semaphore_mem>>) src(%arg7 : memref<128x32xf32, #tpu.memory_space<vmem>>) dst(%dma_wait3A_29 : memref<10000x32xf32, #tpu.memory_space<vmem_shared>>)
        tpu.yield
      }) : () -> ()
    }
    %scan3A_7 = arith.constant 39 : i32
    %mul3A_8 = arith.constant 5000 : i32
    %mul3A_9 = arith.muli %add3A, %mul3A_8 : i32
    %add3A_10 = arith.constant 4992 : i32
    %add3A_11 = arith.addi %mul3A_9, %add3A_10 : i32
    %run_scoped3A = arith.constant 1 : i32
    "tpu.region"() ({
      %run_scoped3A_18 = tpu.sem_alloc : memref<!tpu.dma_semaphore, #tpu.memory_space<semaphore_mem>>
      %dma_start3A = tpu.memref_slice %arg3[%run_scoped3A, %add3A_11] : memref<2x160000xi32, #tpu.memory_space<hbm>> -> memref<1x8xi32, #tpu.memory_space<hbm>>
      %dma_start3A_19 = tpu.memref_squeeze %dma_start3A : memref<1x8xi32, #tpu.memory_space<hbm>> -> memref<8xi32, #tpu.memory_space<hbm>>
      %dma_start3A_20 = tpu.memref_slice %arg3[%run_scoped3A, %add3A_11] : memref<2x160000xi32, #tpu.memory_space<hbm>> -> memref<1x8xi32, #tpu.memory_space<hbm>>
      %dma_start3A_21 = tpu.memref_squeeze %dma_start3A_20 : memref<1x8xi32, #tpu.memory_space<hbm>> -> memref<8xi32, #tpu.memory_space<hbm>>
      tpu.enqueue_dma source(%dma_start3A_21 : memref<8xi32, #tpu.memory_space<hbm>>) target(%arg8 : memref<8xi32, #tpu.memory_space<vmem>>) target_semaphore(%run_scoped3A_18 : memref<!tpu.dma_semaphore, #tpu.memory_space<semaphore_mem>>)
      %dma_wait3A = tpu.memref_slice %arg3[%run_scoped3A, %add3A_11] : memref<2x160000xi32, #tpu.memory_space<hbm>> -> memref<1x8xi32, #tpu.memory_space<hbm>>
      %dma_wait3A_22 = tpu.memref_squeeze %dma_wait3A : memref<1x8xi32, #tpu.memory_space<hbm>> -> memref<8xi32, #tpu.memory_space<hbm>>
      %dma_wait3A_23 = tpu.memref_slice %arg3[%run_scoped3A, %add3A_11] : memref<2x160000xi32, #tpu.memory_space<hbm>> -> memref<1x8xi32, #tpu.memory_space<hbm>>
      %dma_wait3A_24 = tpu.memref_squeeze %dma_wait3A_23 : memref<1x8xi32, #tpu.memory_space<hbm>> -> memref<8xi32, #tpu.memory_space<hbm>>
      tpu.wait_dma2 semaphore(%run_scoped3A_18 : memref<!tpu.dma_semaphore, #tpu.memory_space<semaphore_mem>>) src(%dma_wait3A_24 : memref<8xi32, #tpu.memory_space<hbm>>) dst(%arg8 : memref<8xi32, #tpu.memory_space<vmem>>)
      tpu.yield
    }) : () -> ()
    "tpu.region"() ({
      %run_scoped3A_18 = tpu.sem_alloc : memref<!tpu.dma_semaphore, #tpu.memory_space<semaphore_mem>>
      %dma_start3A = arith.constant 0 : i32
      %dma_start3A_19 = tpu.memref_slice %arg2[%add3A_11, %dma_start3A] : memref<160000x32xf32, #tpu.memory_space<hbm>> -> memref<8x32xf32, #tpu.memory_space<hbm>>
      %dma_start3A_20 = arith.constant 0 : i32
      %dma_start3A_21 = tpu.memref_slice %arg2[%add3A_11, %dma_start3A_20] : memref<160000x32xf32, #tpu.memory_space<hbm>> -> memref<8x32xf32, #tpu.memory_space<hbm>>
      tpu.enqueue_dma source(%dma_start3A_21 : memref<8x32xf32, #tpu.memory_space<hbm>>) target(%arg9 : memref<8x32xf32, #tpu.memory_space<vmem>>) target_semaphore(%run_scoped3A_18 : memref<!tpu.dma_semaphore, #tpu.memory_space<semaphore_mem>>)
      %dma_wait3A = arith.constant 0 : i32
      %dma_wait3A_22 = tpu.memref_slice %arg2[%add3A_11, %dma_wait3A] : memref<160000x32xf32, #tpu.memory_space<hbm>> -> memref<8x32xf32, #tpu.memory_space<hbm>>
      %dma_wait3A_23 = arith.constant 0 : i32
      %dma_wait3A_24 = tpu.memref_slice %arg2[%add3A_11, %dma_wait3A_23] : memref<160000x32xf32, #tpu.memory_space<hbm>> -> memref<8x32xf32, #tpu.memory_space<hbm>>
      tpu.wait_dma2 semaphore(%run_scoped3A_18 : memref<!tpu.dma_semaphore, #tpu.memory_space<semaphore_mem>>) src(%dma_wait3A_24 : memref<8x32xf32, #tpu.memory_space<hbm>>) dst(%arg9 : memref<8x32xf32, #tpu.memory_space<vmem>>)
      tpu.yield
    }) : () -> ()
    "tpu.region"() ({
      %run_scoped3A_18 = tpu.sem_alloc : memref<!tpu.dma_semaphore, #tpu.memory_space<semaphore_mem>>
      %dma_start3A = arith.constant 0 : i32
      %dma_start3A_19 = arith.constant 0 : i32
      %dma_start3A_20 = tpu.memref_slice %arg10[%dma_start3A, %dma_start3A_19] : memref<10000x32xf32, #tpu.memory_space<vmem_shared>> -> memref<10000x32xf32, #tpu.memory_space<vmem_shared>>
      tpu.enqueue_indirect_dma source(%arg9 : memref<8x32xf32, #tpu.memory_space<vmem>>) target(%dma_start3A_20 : memref<10000x32xf32, #tpu.memory_space<vmem_shared>>) offsets(%arg8 : memref<8xi32, #tpu.memory_space<vmem>>) semaphore(%run_scoped3A_18 : memref<!tpu.dma_semaphore, #tpu.memory_space<semaphore_mem>>) {add = true}
      %dma_wait3A = arith.constant 0 : i32
      %dma_wait3A_21 = arith.constant 0 : i32
      %dma_wait3A_22 = tpu.memref_slice %arg10[%dma_wait3A, %dma_wait3A_21] : memref<10000x32xf32, #tpu.memory_space<vmem_shared>> -> memref<10000x32xf32, #tpu.memory_space<vmem_shared>>
      tpu.wait_indirect_dma semaphore(%run_scoped3A_18 : memref<!tpu.dma_semaphore, #tpu.memory_space<semaphore_mem>>) src(%arg9 : memref<8x32xf32, #tpu.memory_space<vmem>>) dst(%dma_wait3A_22 : memref<10000x32xf32, #tpu.memory_space<vmem_shared>>)
      tpu.yield
    }) : () -> ()
    %barrier3A_12 = arith.constant 0 : index
    tpu.barrier barrier_id(%barrier3A_12)
    %eq3A_13 = arith.constant 0 : i32
    %eq3A_14 = arith.cmpi eq, %arg1, %eq3A_13 : i32
    %convert_element_type3A_15 = arith.extui %eq3A_14 : i1 to i32
    %cond3A_16 = arith.constant 0 : i32
    %cond3A_17 = arith.cmpi ne, %convert_element_type3A_15, %cond3A_16 : i32
    scf.if %cond3A_17 {
      "tpu.region"() ({
        %run_scoped3A_18 = tpu.sem_alloc : memref<!tpu.dma_semaphore, #tpu.memory_space<semaphore_mem>>
        %dma_start3A = arith.constant 0 : i32
        %dma_start3A_19 = arith.constant 0 : i32
        %dma_start3A_20 = tpu.memref_slice %arg5[%arg0, %dma_start3A, %dma_start3A_19] : memref<2x10000x32xf32, #tpu.memory_space<hbm>> -> memref<1x10000x32xf32, #tpu.memory_space<hbm>>
        %dma_start3A_21 = tpu.memref_squeeze %dma_start3A_20 : memref<1x10000x32xf32, #tpu.memory_space<hbm>> -> memref<10000x32xf32, #tpu.memory_space<hbm>>
        tpu.enqueue_dma source(%arg10 : memref<10000x32xf32, #tpu.memory_space<vmem_shared>>) target(%dma_start3A_21 : memref<10000x32xf32, #tpu.memory_space<hbm>>) target_semaphore(%run_scoped3A_18 : memref<!tpu.dma_semaphore, #tpu.memory_space<semaphore_mem>>)
        %dma_wait3A = arith.constant 0 : i32
        %dma_wait3A_22 = arith.constant 0 : i32
        %dma_wait3A_23 = tpu.memref_slice %arg5[%arg0, %dma_wait3A, %dma_wait3A_22] : memref<2x10000x32xf32, #tpu.memory_space<hbm>> -> memref<1x10000x32xf32, #tpu.memory_space<hbm>>
        %dma_wait3A_24 = tpu.memref_squeeze %dma_wait3A_23 : memref<1x10000x32xf32, #tpu.memory_space<hbm>> -> memref<10000x32xf32, #tpu.memory_space<hbm>>
        tpu.wait_dma2 semaphore(%run_scoped3A_18 : memref<!tpu.dma_semaphore, #tpu.memory_space<semaphore_mem>>) src(%arg10 : memref<10000x32xf32, #tpu.memory_space<vmem_shared>>) dst(%dma_wait3A_24 : memref<10000x32xf32, #tpu.memory_space<hbm>>)
        tpu.yield
      }) : () -> ()
    } else {
    }
    return
  }
}

#map = affine_map<(d0, d1) -> (0, 0)>
#map1 = affine_map<(d0, d1) -> (0, 0, 0)>
module attributes {stable_mosaic.version = 14 : i64} {
  func.func @_sc_scatter_body(%arg0: i32, %arg1: i32, %arg2: memref<160000x16xf32, #tpu.memory_space<hbm>>, %arg3: memref<2x160000xi32, #tpu.memory_space<hbm>>, %arg4: memref<10000x16xf32, #tpu.memory_space<hbm>>, %arg5: memref<2x10000x16xf32, #tpu.memory_space<hbm>>, %arg6: memref<128xi32, #tpu.memory_space<vmem>>, %arg7: memref<128x16xf32, #tpu.memory_space<vmem>>, %arg8: memref<8xi32, #tpu.memory_space<vmem>>, %arg9: memref<8x16xf32, #tpu.memory_space<vmem>>, %arg10: memref<10000x16xf32, #tpu.memory_space<vmem_shared>>) attributes {dimension_semantics = [#tpu.dimension_semantics<core_parallel>, #tpu.dimension_semantics<subcore_parallel>], iteration_bounds = array<i64: 2, 16>, scalar_prefetch = 0 : i64, scratch_operands = 5 : i64, tpu.core_type = #tpu.core_type<sc_vector_subcore>, window_params = [{transform_indices = #map}, {transform_indices = #map}, {transform_indices = #map}, {transform_indices = #map1}]} {
    %mul3A = arith.constant 2 : i32
    %mul3A_0 = arith.muli %arg1, %mul3A : i32
    %add3A = arith.addi %mul3A_0, %arg0 : i32
    %eq3A = arith.constant 0 : i32
    %eq3A_1 = arith.cmpi eq, %arg1, %eq3A : i32
    %convert_element_type3A = arith.extui %eq3A_1 : i1 to i32
    %cond3A = arith.constant 0 : i32
    %cond3A_2 = arith.cmpi ne, %convert_element_type3A, %cond3A : i32
    scf.if %cond3A_2 {
      "tpu.region"() ({
        %run_scoped3A_18 = tpu.sem_alloc : memref<!tpu.dma_semaphore, #tpu.memory_space<semaphore_mem>>
        tpu.enqueue_dma source(%arg4 : memref<10000x16xf32, #tpu.memory_space<hbm>>) target(%arg10 : memref<10000x16xf32, #tpu.memory_space<vmem_shared>>) target_semaphore(%run_scoped3A_18 : memref<!tpu.dma_semaphore, #tpu.memory_space<semaphore_mem>>)
        tpu.wait_dma2 semaphore(%run_scoped3A_18 : memref<!tpu.dma_semaphore, #tpu.memory_space<semaphore_mem>>) src(%arg4 : memref<10000x16xf32, #tpu.memory_space<hbm>>) dst(%arg10 : memref<10000x16xf32, #tpu.memory_space<vmem_shared>>)
        tpu.yield
      }) : () -> ()
    } else {
    }
    %barrier3A = arith.constant 0 : index
    tpu.barrier barrier_id(%barrier3A)
    %scan3A = arith.constant 0 : i32
    %scan3A_3 = arith.constant 0 : i32
    %scan3A_4 = arith.constant 39 : i32
    %scan3A_5 = arith.addi %scan3A_3, %scan3A_4 : i32
    %scan3A_6 = arith.constant 1 : i32
    scf.for %scan3A_18 = %scan3A_3 to %scan3A_5 step %scan3A_6  : i32 {
      %mul3A_19 = arith.constant 5000 : i32
      %mul3A_20 = arith.muli %add3A, %mul3A_19 : i32
      %mul3A_21 = arith.constant 128 : i32
      %mul3A_22 = arith.muli %scan3A_18, %mul3A_21 : i32
      %add3A_23 = arith.addi %mul3A_20, %mul3A_22 : i32
      %run_scoped3A_24 = arith.constant 1 : i32
      "tpu.region"() ({
        %run_scoped3A_25 = tpu.sem_alloc : memref<!tpu.dma_semaphore, #tpu.memory_space<semaphore_mem>>
        %dma_start3A = tpu.memref_slice %arg3[%run_scoped3A_24, %add3A_23] : memref<2x160000xi32, #tpu.memory_space<hbm>> -> memref<1x128xi32, #tpu.memory_space<hbm>>
        %dma_start3A_26 = tpu.memref_squeeze %dma_start3A : memref<1x128xi32, #tpu.memory_space<hbm>> -> memref<128xi32, #tpu.memory_space<hbm>>
        %dma_start3A_27 = tpu.memref_slice %arg3[%run_scoped3A_24, %add3A_23] : memref<2x160000xi32, #tpu.memory_space<hbm>> -> memref<1x128xi32, #tpu.memory_space<hbm>>
        %dma_start3A_28 = tpu.memref_squeeze %dma_start3A_27 : memref<1x128xi32, #tpu.memory_space<hbm>> -> memref<128xi32, #tpu.memory_space<hbm>>
        tpu.enqueue_dma source(%dma_start3A_28 : memref<128xi32, #tpu.memory_space<hbm>>) target(%arg6 : memref<128xi32, #tpu.memory_space<vmem>>) target_semaphore(%run_scoped3A_25 : memref<!tpu.dma_semaphore, #tpu.memory_space<semaphore_mem>>)
        %dma_wait3A = tpu.memref_slice %arg3[%run_scoped3A_24, %add3A_23] : memref<2x160000xi32, #tpu.memory_space<hbm>> -> memref<1x128xi32, #tpu.memory_space<hbm>>
        %dma_wait3A_29 = tpu.memref_squeeze %dma_wait3A : memref<1x128xi32, #tpu.memory_space<hbm>> -> memref<128xi32, #tpu.memory_space<hbm>>
        %dma_wait3A_30 = tpu.memref_slice %arg3[%run_scoped3A_24, %add3A_23] : memref<2x160000xi32, #tpu.memory_space<hbm>> -> memref<1x128xi32, #tpu.memory_space<hbm>>
        %dma_wait3A_31 = tpu.memref_squeeze %dma_wait3A_30 : memref<1x128xi32, #tpu.memory_space<hbm>> -> memref<128xi32, #tpu.memory_space<hbm>>
        tpu.wait_dma2 semaphore(%run_scoped3A_25 : memref<!tpu.dma_semaphore, #tpu.memory_space<semaphore_mem>>) src(%dma_wait3A_31 : memref<128xi32, #tpu.memory_space<hbm>>) dst(%arg6 : memref<128xi32, #tpu.memory_space<vmem>>)
        tpu.yield
      }) : () -> ()
      "tpu.region"() ({
        %run_scoped3A_25 = tpu.sem_alloc : memref<!tpu.dma_semaphore, #tpu.memory_space<semaphore_mem>>
        %dma_start3A = arith.constant 0 : i32
        %dma_start3A_26 = tpu.memref_slice %arg2[%add3A_23, %dma_start3A] : memref<160000x16xf32, #tpu.memory_space<hbm>> -> memref<128x16xf32, #tpu.memory_space<hbm>>
        %dma_start3A_27 = arith.constant 0 : i32
        %dma_start3A_28 = tpu.memref_slice %arg2[%add3A_23, %dma_start3A_27] : memref<160000x16xf32, #tpu.memory_space<hbm>> -> memref<128x16xf32, #tpu.memory_space<hbm>>
        tpu.enqueue_dma source(%dma_start3A_28 : memref<128x16xf32, #tpu.memory_space<hbm>>) target(%arg7 : memref<128x16xf32, #tpu.memory_space<vmem>>) target_semaphore(%run_scoped3A_25 : memref<!tpu.dma_semaphore, #tpu.memory_space<semaphore_mem>>)
        %dma_wait3A = arith.constant 0 : i32
        %dma_wait3A_29 = tpu.memref_slice %arg2[%add3A_23, %dma_wait3A] : memref<160000x16xf32, #tpu.memory_space<hbm>> -> memref<128x16xf32, #tpu.memory_space<hbm>>
        %dma_wait3A_30 = arith.constant 0 : i32
        %dma_wait3A_31 = tpu.memref_slice %arg2[%add3A_23, %dma_wait3A_30] : memref<160000x16xf32, #tpu.memory_space<hbm>> -> memref<128x16xf32, #tpu.memory_space<hbm>>
        tpu.wait_dma2 semaphore(%run_scoped3A_25 : memref<!tpu.dma_semaphore, #tpu.memory_space<semaphore_mem>>) src(%dma_wait3A_31 : memref<128x16xf32, #tpu.memory_space<hbm>>) dst(%arg7 : memref<128x16xf32, #tpu.memory_space<vmem>>)
        tpu.yield
      }) : () -> ()
      "tpu.region"() ({
        %run_scoped3A_25 = tpu.sem_alloc : memref<!tpu.dma_semaphore, #tpu.memory_space<semaphore_mem>>
        %dma_start3A = arith.constant 0 : i32
        %dma_start3A_26 = arith.constant 0 : i32
        %dma_start3A_27 = tpu.memref_slice %arg10[%dma_start3A, %dma_start3A_26] : memref<10000x16xf32, #tpu.memory_space<vmem_shared>> -> memref<10000x16xf32, #tpu.memory_space<vmem_shared>>
        tpu.enqueue_indirect_dma source(%arg7 : memref<128x16xf32, #tpu.memory_space<vmem>>) target(%dma_start3A_27 : memref<10000x16xf32, #tpu.memory_space<vmem_shared>>) offsets(%arg6 : memref<128xi32, #tpu.memory_space<vmem>>) semaphore(%run_scoped3A_25 : memref<!tpu.dma_semaphore, #tpu.memory_space<semaphore_mem>>) {add = true}
        %dma_wait3A = arith.constant 0 : i32
        %dma_wait3A_28 = arith.constant 0 : i32
        %dma_wait3A_29 = tpu.memref_slice %arg10[%dma_wait3A, %dma_wait3A_28] : memref<10000x16xf32, #tpu.memory_space<vmem_shared>> -> memref<10000x16xf32, #tpu.memory_space<vmem_shared>>
        tpu.wait_indirect_dma semaphore(%run_scoped3A_25 : memref<!tpu.dma_semaphore, #tpu.memory_space<semaphore_mem>>) src(%arg7 : memref<128x16xf32, #tpu.memory_space<vmem>>) dst(%dma_wait3A_29 : memref<10000x16xf32, #tpu.memory_space<vmem_shared>>)
        tpu.yield
      }) : () -> ()
    }
    %scan3A_7 = arith.constant 39 : i32
    %mul3A_8 = arith.constant 5000 : i32
    %mul3A_9 = arith.muli %add3A, %mul3A_8 : i32
    %add3A_10 = arith.constant 4992 : i32
    %add3A_11 = arith.addi %mul3A_9, %add3A_10 : i32
    %run_scoped3A = arith.constant 1 : i32
    "tpu.region"() ({
      %run_scoped3A_18 = tpu.sem_alloc : memref<!tpu.dma_semaphore, #tpu.memory_space<semaphore_mem>>
      %dma_start3A = tpu.memref_slice %arg3[%run_scoped3A, %add3A_11] : memref<2x160000xi32, #tpu.memory_space<hbm>> -> memref<1x8xi32, #tpu.memory_space<hbm>>
      %dma_start3A_19 = tpu.memref_squeeze %dma_start3A : memref<1x8xi32, #tpu.memory_space<hbm>> -> memref<8xi32, #tpu.memory_space<hbm>>
      %dma_start3A_20 = tpu.memref_slice %arg3[%run_scoped3A, %add3A_11] : memref<2x160000xi32, #tpu.memory_space<hbm>> -> memref<1x8xi32, #tpu.memory_space<hbm>>
      %dma_start3A_21 = tpu.memref_squeeze %dma_start3A_20 : memref<1x8xi32, #tpu.memory_space<hbm>> -> memref<8xi32, #tpu.memory_space<hbm>>
      tpu.enqueue_dma source(%dma_start3A_21 : memref<8xi32, #tpu.memory_space<hbm>>) target(%arg8 : memref<8xi32, #tpu.memory_space<vmem>>) target_semaphore(%run_scoped3A_18 : memref<!tpu.dma_semaphore, #tpu.memory_space<semaphore_mem>>)
      %dma_wait3A = tpu.memref_slice %arg3[%run_scoped3A, %add3A_11] : memref<2x160000xi32, #tpu.memory_space<hbm>> -> memref<1x8xi32, #tpu.memory_space<hbm>>
      %dma_wait3A_22 = tpu.memref_squeeze %dma_wait3A : memref<1x8xi32, #tpu.memory_space<hbm>> -> memref<8xi32, #tpu.memory_space<hbm>>
      %dma_wait3A_23 = tpu.memref_slice %arg3[%run_scoped3A, %add3A_11] : memref<2x160000xi32, #tpu.memory_space<hbm>> -> memref<1x8xi32, #tpu.memory_space<hbm>>
      %dma_wait3A_24 = tpu.memref_squeeze %dma_wait3A_23 : memref<1x8xi32, #tpu.memory_space<hbm>> -> memref<8xi32, #tpu.memory_space<hbm>>
      tpu.wait_dma2 semaphore(%run_scoped3A_18 : memref<!tpu.dma_semaphore, #tpu.memory_space<semaphore_mem>>) src(%dma_wait3A_24 : memref<8xi32, #tpu.memory_space<hbm>>) dst(%arg8 : memref<8xi32, #tpu.memory_space<vmem>>)
      tpu.yield
    }) : () -> ()
    "tpu.region"() ({
      %run_scoped3A_18 = tpu.sem_alloc : memref<!tpu.dma_semaphore, #tpu.memory_space<semaphore_mem>>
      %dma_start3A = arith.constant 0 : i32
      %dma_start3A_19 = tpu.memref_slice %arg2[%add3A_11, %dma_start3A] : memref<160000x16xf32, #tpu.memory_space<hbm>> -> memref<8x16xf32, #tpu.memory_space<hbm>>
      %dma_start3A_20 = arith.constant 0 : i32
      %dma_start3A_21 = tpu.memref_slice %arg2[%add3A_11, %dma_start3A_20] : memref<160000x16xf32, #tpu.memory_space<hbm>> -> memref<8x16xf32, #tpu.memory_space<hbm>>
      tpu.enqueue_dma source(%dma_start3A_21 : memref<8x16xf32, #tpu.memory_space<hbm>>) target(%arg9 : memref<8x16xf32, #tpu.memory_space<vmem>>) target_semaphore(%run_scoped3A_18 : memref<!tpu.dma_semaphore, #tpu.memory_space<semaphore_mem>>)
      %dma_wait3A = arith.constant 0 : i32
      %dma_wait3A_22 = tpu.memref_slice %arg2[%add3A_11, %dma_wait3A] : memref<160000x16xf32, #tpu.memory_space<hbm>> -> memref<8x16xf32, #tpu.memory_space<hbm>>
      %dma_wait3A_23 = arith.constant 0 : i32
      %dma_wait3A_24 = tpu.memref_slice %arg2[%add3A_11, %dma_wait3A_23] : memref<160000x16xf32, #tpu.memory_space<hbm>> -> memref<8x16xf32, #tpu.memory_space<hbm>>
      tpu.wait_dma2 semaphore(%run_scoped3A_18 : memref<!tpu.dma_semaphore, #tpu.memory_space<semaphore_mem>>) src(%dma_wait3A_24 : memref<8x16xf32, #tpu.memory_space<hbm>>) dst(%arg9 : memref<8x16xf32, #tpu.memory_space<vmem>>)
      tpu.yield
    }) : () -> ()
    "tpu.region"() ({
      %run_scoped3A_18 = tpu.sem_alloc : memref<!tpu.dma_semaphore, #tpu.memory_space<semaphore_mem>>
      %dma_start3A = arith.constant 0 : i32
      %dma_start3A_19 = arith.constant 0 : i32
      %dma_start3A_20 = tpu.memref_slice %arg10[%dma_start3A, %dma_start3A_19] : memref<10000x16xf32, #tpu.memory_space<vmem_shared>> -> memref<10000x16xf32, #tpu.memory_space<vmem_shared>>
      tpu.enqueue_indirect_dma source(%arg9 : memref<8x16xf32, #tpu.memory_space<vmem>>) target(%dma_start3A_20 : memref<10000x16xf32, #tpu.memory_space<vmem_shared>>) offsets(%arg8 : memref<8xi32, #tpu.memory_space<vmem>>) semaphore(%run_scoped3A_18 : memref<!tpu.dma_semaphore, #tpu.memory_space<semaphore_mem>>) {add = true}
      %dma_wait3A = arith.constant 0 : i32
      %dma_wait3A_21 = arith.constant 0 : i32
      %dma_wait3A_22 = tpu.memref_slice %arg10[%dma_wait3A, %dma_wait3A_21] : memref<10000x16xf32, #tpu.memory_space<vmem_shared>> -> memref<10000x16xf32, #tpu.memory_space<vmem_shared>>
      tpu.wait_indirect_dma semaphore(%run_scoped3A_18 : memref<!tpu.dma_semaphore, #tpu.memory_space<semaphore_mem>>) src(%arg9 : memref<8x16xf32, #tpu.memory_space<vmem>>) dst(%dma_wait3A_22 : memref<10000x16xf32, #tpu.memory_space<vmem_shared>>)
      tpu.yield
    }) : () -> ()
    %barrier3A_12 = arith.constant 0 : index
    tpu.barrier barrier_id(%barrier3A_12)
    %eq3A_13 = arith.constant 0 : i32
    %eq3A_14 = arith.cmpi eq, %arg1, %eq3A_13 : i32
    %convert_element_type3A_15 = arith.extui %eq3A_14 : i1 to i32
    %cond3A_16 = arith.constant 0 : i32
    %cond3A_17 = arith.cmpi ne, %convert_element_type3A_15, %cond3A_16 : i32
    scf.if %cond3A_17 {
      "tpu.region"() ({
        %run_scoped3A_18 = tpu.sem_alloc : memref<!tpu.dma_semaphore, #tpu.memory_space<semaphore_mem>>
        %dma_start3A = arith.constant 0 : i32
        %dma_start3A_19 = arith.constant 0 : i32
        %dma_start3A_20 = tpu.memref_slice %arg5[%arg0, %dma_start3A, %dma_start3A_19] : memref<2x10000x16xf32, #tpu.memory_space<hbm>> -> memref<1x10000x16xf32, #tpu.memory_space<hbm>>
        %dma_start3A_21 = tpu.memref_squeeze %dma_start3A_20 : memref<1x10000x16xf32, #tpu.memory_space<hbm>> -> memref<10000x16xf32, #tpu.memory_space<hbm>>
        tpu.enqueue_dma source(%arg10 : memref<10000x16xf32, #tpu.memory_space<vmem_shared>>) target(%dma_start3A_21 : memref<10000x16xf32, #tpu.memory_space<hbm>>) target_semaphore(%run_scoped3A_18 : memref<!tpu.dma_semaphore, #tpu.memory_space<semaphore_mem>>)
        %dma_wait3A = arith.constant 0 : i32
        %dma_wait3A_22 = arith.constant 0 : i32
        %dma_wait3A_23 = tpu.memref_slice %arg5[%arg0, %dma_wait3A, %dma_wait3A_22] : memref<2x10000x16xf32, #tpu.memory_space<hbm>> -> memref<1x10000x16xf32, #tpu.memory_space<hbm>>
        %dma_wait3A_24 = tpu.memref_squeeze %dma_wait3A_23 : memref<1x10000x16xf32, #tpu.memory_space<hbm>> -> memref<10000x16xf32, #tpu.memory_space<hbm>>
        tpu.wait_dma2 semaphore(%run_scoped3A_18 : memref<!tpu.dma_semaphore, #tpu.memory_space<semaphore_mem>>) src(%arg10 : memref<10000x16xf32, #tpu.memory_space<vmem_shared>>) dst(%dma_wait3A_24 : memref<10000x16xf32, #tpu.memory_space<hbm>>)
        tpu.yield
      }) : () -> ()
    } else {
    }
    return
  }
}

#map = affine_map<(d0, d1) -> (0, 0)>
#map1 = affine_map<(d0, d1) -> (0, 0, 0)>
module attributes {stable_mosaic.version = 14 : i64} {
  func.func @_sc_scatter_body(%arg0: i32, %arg1: i32, %arg2: memref<160000x32xf32, #tpu.memory_space<hbm>>, %arg3: memref<2x160000xi32, #tpu.memory_space<hbm>>, %arg4: memref<10000x32xf32, #tpu.memory_space<hbm>>, %arg5: memref<2x10000x32xf32, #tpu.memory_space<hbm>>, %arg6: memref<128xi32, #tpu.memory_space<vmem>>, %arg7: memref<128x32xf32, #tpu.memory_space<vmem>>, %arg8: memref<8xi32, #tpu.memory_space<vmem>>, %arg9: memref<8x32xf32, #tpu.memory_space<vmem>>, %arg10: memref<10000x32xf32, #tpu.memory_space<vmem_shared>>) attributes {dimension_semantics = [#tpu.dimension_semantics<core_parallel>, #tpu.dimension_semantics<subcore_parallel>], iteration_bounds = array<i64: 2, 16>, scalar_prefetch = 0 : i64, scratch_operands = 5 : i64, tpu.core_type = #tpu.core_type<sc_vector_subcore>, window_params = [{transform_indices = #map}, {transform_indices = #map}, {transform_indices = #map}, {transform_indices = #map1}]} {
    %mul3A = arith.constant 2 : i32
    %mul3A_0 = arith.muli %arg1, %mul3A : i32
    %add3A = arith.addi %mul3A_0, %arg0 : i32
    %eq3A = arith.constant 0 : i32
    %eq3A_1 = arith.cmpi eq, %arg1, %eq3A : i32
    %convert_element_type3A = arith.extui %eq3A_1 : i1 to i32
    %cond3A = arith.constant 0 : i32
    %cond3A_2 = arith.cmpi ne, %convert_element_type3A, %cond3A : i32
    scf.if %cond3A_2 {
      "tpu.region"() ({
        %run_scoped3A_18 = tpu.sem_alloc : memref<!tpu.dma_semaphore, #tpu.memory_space<semaphore_mem>>
        tpu.enqueue_dma source(%arg4 : memref<10000x32xf32, #tpu.memory_space<hbm>>) target(%arg10 : memref<10000x32xf32, #tpu.memory_space<vmem_shared>>) target_semaphore(%run_scoped3A_18 : memref<!tpu.dma_semaphore, #tpu.memory_space<semaphore_mem>>)
        tpu.wait_dma2 semaphore(%run_scoped3A_18 : memref<!tpu.dma_semaphore, #tpu.memory_space<semaphore_mem>>) src(%arg4 : memref<10000x32xf32, #tpu.memory_space<hbm>>) dst(%arg10 : memref<10000x32xf32, #tpu.memory_space<vmem_shared>>)
        tpu.yield
      }) : () -> ()
    } else {
    }
    %barrier3A = arith.constant 0 : index
    tpu.barrier barrier_id(%barrier3A)
    %scan3A = arith.constant 0 : i32
    %scan3A_3 = arith.constant 0 : i32
    %scan3A_4 = arith.constant 39 : i32
    %scan3A_5 = arith.addi %scan3A_3, %scan3A_4 : i32
    %scan3A_6 = arith.constant 1 : i32
    scf.for %scan3A_18 = %scan3A_3 to %scan3A_5 step %scan3A_6  : i32 {
      %mul3A_19 = arith.constant 5000 : i32
      %mul3A_20 = arith.muli %add3A, %mul3A_19 : i32
      %mul3A_21 = arith.constant 128 : i32
      %mul3A_22 = arith.muli %scan3A_18, %mul3A_21 : i32
      %add3A_23 = arith.addi %mul3A_20, %mul3A_22 : i32
      %run_scoped3A_24 = arith.constant 1 : i32
      "tpu.region"() ({
        %run_scoped3A_25 = tpu.sem_alloc : memref<!tpu.dma_semaphore, #tpu.memory_space<semaphore_mem>>
        %dma_start3A = tpu.memref_slice %arg3[%run_scoped3A_24, %add3A_23] : memref<2x160000xi32, #tpu.memory_space<hbm>> -> memref<1x128xi32, #tpu.memory_space<hbm>>
        %dma_start3A_26 = tpu.memref_squeeze %dma_start3A : memref<1x128xi32, #tpu.memory_space<hbm>> -> memref<128xi32, #tpu.memory_space<hbm>>
        %dma_start3A_27 = tpu.memref_slice %arg3[%run_scoped3A_24, %add3A_23] : memref<2x160000xi32, #tpu.memory_space<hbm>> -> memref<1x128xi32, #tpu.memory_space<hbm>>
        %dma_start3A_28 = tpu.memref_squeeze %dma_start3A_27 : memref<1x128xi32, #tpu.memory_space<hbm>> -> memref<128xi32, #tpu.memory_space<hbm>>
        tpu.enqueue_dma source(%dma_start3A_28 : memref<128xi32, #tpu.memory_space<hbm>>) target(%arg6 : memref<128xi32, #tpu.memory_space<vmem>>) target_semaphore(%run_scoped3A_25 : memref<!tpu.dma_semaphore, #tpu.memory_space<semaphore_mem>>)
        %dma_wait3A = tpu.memref_slice %arg3[%run_scoped3A_24, %add3A_23] : memref<2x160000xi32, #tpu.memory_space<hbm>> -> memref<1x128xi32, #tpu.memory_space<hbm>>
        %dma_wait3A_29 = tpu.memref_squeeze %dma_wait3A : memref<1x128xi32, #tpu.memory_space<hbm>> -> memref<128xi32, #tpu.memory_space<hbm>>
        %dma_wait3A_30 = tpu.memref_slice %arg3[%run_scoped3A_24, %add3A_23] : memref<2x160000xi32, #tpu.memory_space<hbm>> -> memref<1x128xi32, #tpu.memory_space<hbm>>
        %dma_wait3A_31 = tpu.memref_squeeze %dma_wait3A_30 : memref<1x128xi32, #tpu.memory_space<hbm>> -> memref<128xi32, #tpu.memory_space<hbm>>
        tpu.wait_dma2 semaphore(%run_scoped3A_25 : memref<!tpu.dma_semaphore, #tpu.memory_space<semaphore_mem>>) src(%dma_wait3A_31 : memref<128xi32, #tpu.memory_space<hbm>>) dst(%arg6 : memref<128xi32, #tpu.memory_space<vmem>>)
        tpu.yield
      }) : () -> ()
      "tpu.region"() ({
        %run_scoped3A_25 = tpu.sem_alloc : memref<!tpu.dma_semaphore, #tpu.memory_space<semaphore_mem>>
        %dma_start3A = arith.constant 0 : i32
        %dma_start3A_26 = tpu.memref_slice %arg2[%add3A_23, %dma_start3A] : memref<160000x32xf32, #tpu.memory_space<hbm>> -> memref<128x32xf32, #tpu.memory_space<hbm>>
        %dma_start3A_27 = arith.constant 0 : i32
        %dma_start3A_28 = tpu.memref_slice %arg2[%add3A_23, %dma_start3A_27] : memref<160000x32xf32, #tpu.memory_space<hbm>> -> memref<128x32xf32, #tpu.memory_space<hbm>>
        tpu.enqueue_dma source(%dma_start3A_28 : memref<128x32xf32, #tpu.memory_space<hbm>>) target(%arg7 : memref<128x32xf32, #tpu.memory_space<vmem>>) target_semaphore(%run_scoped3A_25 : memref<!tpu.dma_semaphore, #tpu.memory_space<semaphore_mem>>)
        %dma_wait3A = arith.constant 0 : i32
        %dma_wait3A_29 = tpu.memref_slice %arg2[%add3A_23, %dma_wait3A] : memref<160000x32xf32, #tpu.memory_space<hbm>> -> memref<128x32xf32, #tpu.memory_space<hbm>>
        %dma_wait3A_30 = arith.constant 0 : i32
        %dma_wait3A_31 = tpu.memref_slice %arg2[%add3A_23, %dma_wait3A_30] : memref<160000x32xf32, #tpu.memory_space<hbm>> -> memref<128x32xf32, #tpu.memory_space<hbm>>
        tpu.wait_dma2 semaphore(%run_scoped3A_25 : memref<!tpu.dma_semaphore, #tpu.memory_space<semaphore_mem>>) src(%dma_wait3A_31 : memref<128x32xf32, #tpu.memory_space<hbm>>) dst(%arg7 : memref<128x32xf32, #tpu.memory_space<vmem>>)
        tpu.yield
      }) : () -> ()
      "tpu.region"() ({
        %run_scoped3A_25 = tpu.sem_alloc : memref<!tpu.dma_semaphore, #tpu.memory_space<semaphore_mem>>
        %dma_start3A = arith.constant 0 : i32
        %dma_start3A_26 = arith.constant 0 : i32
        %dma_start3A_27 = tpu.memref_slice %arg10[%dma_start3A, %dma_start3A_26] : memref<10000x32xf32, #tpu.memory_space<vmem_shared>> -> memref<10000x32xf32, #tpu.memory_space<vmem_shared>>
        tpu.enqueue_indirect_dma source(%arg7 : memref<128x32xf32, #tpu.memory_space<vmem>>) target(%dma_start3A_27 : memref<10000x32xf32, #tpu.memory_space<vmem_shared>>) offsets(%arg6 : memref<128xi32, #tpu.memory_space<vmem>>) semaphore(%run_scoped3A_25 : memref<!tpu.dma_semaphore, #tpu.memory_space<semaphore_mem>>) {add = true}
        %dma_wait3A = arith.constant 0 : i32
        %dma_wait3A_28 = arith.constant 0 : i32
        %dma_wait3A_29 = tpu.memref_slice %arg10[%dma_wait3A, %dma_wait3A_28] : memref<10000x32xf32, #tpu.memory_space<vmem_shared>> -> memref<10000x32xf32, #tpu.memory_space<vmem_shared>>
        tpu.wait_indirect_dma semaphore(%run_scoped3A_25 : memref<!tpu.dma_semaphore, #tpu.memory_space<semaphore_mem>>) src(%arg7 : memref<128x32xf32, #tpu.memory_space<vmem>>) dst(%dma_wait3A_29 : memref<10000x32xf32, #tpu.memory_space<vmem_shared>>)
        tpu.yield
      }) : () -> ()
    }
    %scan3A_7 = arith.constant 39 : i32
    %mul3A_8 = arith.constant 5000 : i32
    %mul3A_9 = arith.muli %add3A, %mul3A_8 : i32
    %add3A_10 = arith.constant 4992 : i32
    %add3A_11 = arith.addi %mul3A_9, %add3A_10 : i32
    %run_scoped3A = arith.constant 1 : i32
    "tpu.region"() ({
      %run_scoped3A_18 = tpu.sem_alloc : memref<!tpu.dma_semaphore, #tpu.memory_space<semaphore_mem>>
      %dma_start3A = tpu.memref_slice %arg3[%run_scoped3A, %add3A_11] : memref<2x160000xi32, #tpu.memory_space<hbm>> -> memref<1x8xi32, #tpu.memory_space<hbm>>
      %dma_start3A_19 = tpu.memref_squeeze %dma_start3A : memref<1x8xi32, #tpu.memory_space<hbm>> -> memref<8xi32, #tpu.memory_space<hbm>>
      %dma_start3A_20 = tpu.memref_slice %arg3[%run_scoped3A, %add3A_11] : memref<2x160000xi32, #tpu.memory_space<hbm>> -> memref<1x8xi32, #tpu.memory_space<hbm>>
      %dma_start3A_21 = tpu.memref_squeeze %dma_start3A_20 : memref<1x8xi32, #tpu.memory_space<hbm>> -> memref<8xi32, #tpu.memory_space<hbm>>
      tpu.enqueue_dma source(%dma_start3A_21 : memref<8xi32, #tpu.memory_space<hbm>>) target(%arg8 : memref<8xi32, #tpu.memory_space<vmem>>) target_semaphore(%run_scoped3A_18 : memref<!tpu.dma_semaphore, #tpu.memory_space<semaphore_mem>>)
      %dma_wait3A = tpu.memref_slice %arg3[%run_scoped3A, %add3A_11] : memref<2x160000xi32, #tpu.memory_space<hbm>> -> memref<1x8xi32, #tpu.memory_space<hbm>>
      %dma_wait3A_22 = tpu.memref_squeeze %dma_wait3A : memref<1x8xi32, #tpu.memory_space<hbm>> -> memref<8xi32, #tpu.memory_space<hbm>>
      %dma_wait3A_23 = tpu.memref_slice %arg3[%run_scoped3A, %add3A_11] : memref<2x160000xi32, #tpu.memory_space<hbm>> -> memref<1x8xi32, #tpu.memory_space<hbm>>
      %dma_wait3A_24 = tpu.memref_squeeze %dma_wait3A_23 : memref<1x8xi32, #tpu.memory_space<hbm>> -> memref<8xi32, #tpu.memory_space<hbm>>
      tpu.wait_dma2 semaphore(%run_scoped3A_18 : memref<!tpu.dma_semaphore, #tpu.memory_space<semaphore_mem>>) src(%dma_wait3A_24 : memref<8xi32, #tpu.memory_space<hbm>>) dst(%arg8 : memref<8xi32, #tpu.memory_space<vmem>>)
      tpu.yield
    }) : () -> ()
    "tpu.region"() ({
      %run_scoped3A_18 = tpu.sem_alloc : memref<!tpu.dma_semaphore, #tpu.memory_space<semaphore_mem>>
      %dma_start3A = arith.constant 0 : i32
      %dma_start3A_19 = tpu.memref_slice %arg2[%add3A_11, %dma_start3A] : memref<160000x32xf32, #tpu.memory_space<hbm>> -> memref<8x32xf32, #tpu.memory_space<hbm>>
      %dma_start3A_20 = arith.constant 0 : i32
      %dma_start3A_21 = tpu.memref_slice %arg2[%add3A_11, %dma_start3A_20] : memref<160000x32xf32, #tpu.memory_space<hbm>> -> memref<8x32xf32, #tpu.memory_space<hbm>>
      tpu.enqueue_dma source(%dma_start3A_21 : memref<8x32xf32, #tpu.memory_space<hbm>>) target(%arg9 : memref<8x32xf32, #tpu.memory_space<vmem>>) target_semaphore(%run_scoped3A_18 : memref<!tpu.dma_semaphore, #tpu.memory_space<semaphore_mem>>)
      %dma_wait3A = arith.constant 0 : i32
      %dma_wait3A_22 = tpu.memref_slice %arg2[%add3A_11, %dma_wait3A] : memref<160000x32xf32, #tpu.memory_space<hbm>> -> memref<8x32xf32, #tpu.memory_space<hbm>>
      %dma_wait3A_23 = arith.constant 0 : i32
      %dma_wait3A_24 = tpu.memref_slice %arg2[%add3A_11, %dma_wait3A_23] : memref<160000x32xf32, #tpu.memory_space<hbm>> -> memref<8x32xf32, #tpu.memory_space<hbm>>
      tpu.wait_dma2 semaphore(%run_scoped3A_18 : memref<!tpu.dma_semaphore, #tpu.memory_space<semaphore_mem>>) src(%dma_wait3A_24 : memref<8x32xf32, #tpu.memory_space<hbm>>) dst(%arg9 : memref<8x32xf32, #tpu.memory_space<vmem>>)
      tpu.yield
    }) : () -> ()
    "tpu.region"() ({
      %run_scoped3A_18 = tpu.sem_alloc : memref<!tpu.dma_semaphore, #tpu.memory_space<semaphore_mem>>
      %dma_start3A = arith.constant 0 : i32
      %dma_start3A_19 = arith.constant 0 : i32
      %dma_start3A_20 = tpu.memref_slice %arg10[%dma_start3A, %dma_start3A_19] : memref<10000x32xf32, #tpu.memory_space<vmem_shared>> -> memref<10000x32xf32, #tpu.memory_space<vmem_shared>>
      tpu.enqueue_indirect_dma source(%arg9 : memref<8x32xf32, #tpu.memory_space<vmem>>) target(%dma_start3A_20 : memref<10000x32xf32, #tpu.memory_space<vmem_shared>>) offsets(%arg8 : memref<8xi32, #tpu.memory_space<vmem>>) semaphore(%run_scoped3A_18 : memref<!tpu.dma_semaphore, #tpu.memory_space<semaphore_mem>>) {add = true}
      %dma_wait3A = arith.constant 0 : i32
      %dma_wait3A_21 = arith.constant 0 : i32
      %dma_wait3A_22 = tpu.memref_slice %arg10[%dma_wait3A, %dma_wait3A_21] : memref<10000x32xf32, #tpu.memory_space<vmem_shared>> -> memref<10000x32xf32, #tpu.memory_space<vmem_shared>>
      tpu.wait_indirect_dma semaphore(%run_scoped3A_18 : memref<!tpu.dma_semaphore, #tpu.memory_space<semaphore_mem>>) src(%arg9 : memref<8x32xf32, #tpu.memory_space<vmem>>) dst(%dma_wait3A_22 : memref<10000x32xf32, #tpu.memory_space<vmem_shared>>)
      tpu.yield
    }) : () -> ()
    %barrier3A_12 = arith.constant 0 : index
    tpu.barrier barrier_id(%barrier3A_12)
    %eq3A_13 = arith.constant 0 : i32
    %eq3A_14 = arith.cmpi eq, %arg1, %eq3A_13 : i32
    %convert_element_type3A_15 = arith.extui %eq3A_14 : i1 to i32
    %cond3A_16 = arith.constant 0 : i32
    %cond3A_17 = arith.cmpi ne, %convert_element_type3A_15, %cond3A_16 : i32
    scf.if %cond3A_17 {
      "tpu.region"() ({
        %run_scoped3A_18 = tpu.sem_alloc : memref<!tpu.dma_semaphore, #tpu.memory_space<semaphore_mem>>
        %dma_start3A = arith.constant 0 : i32
        %dma_start3A_19 = arith.constant 0 : i32
        %dma_start3A_20 = tpu.memref_slice %arg5[%arg0, %dma_start3A, %dma_start3A_19] : memref<2x10000x32xf32, #tpu.memory_space<hbm>> -> memref<1x10000x32xf32, #tpu.memory_space<hbm>>
        %dma_start3A_21 = tpu.memref_squeeze %dma_start3A_20 : memref<1x10000x32xf32, #tpu.memory_space<hbm>> -> memref<10000x32xf32, #tpu.memory_space<hbm>>
        tpu.enqueue_dma source(%arg10 : memref<10000x32xf32, #tpu.memory_space<vmem_shared>>) target(%dma_start3A_21 : memref<10000x32xf32, #tpu.memory_space<hbm>>) target_semaphore(%run_scoped3A_18 : memref<!tpu.dma_semaphore, #tpu.memory_space<semaphore_mem>>)
        %dma_wait3A = arith.constant 0 : i32
        %dma_wait3A_22 = arith.constant 0 : i32
        %dma_wait3A_23 = tpu.memref_slice %arg5[%arg0, %dma_wait3A, %dma_wait3A_22] : memref<2x10000x32xf32, #tpu.memory_space<hbm>> -> memref<1x10000x32xf32, #tpu.memory_space<hbm>>
        %dma_wait3A_24 = tpu.memref_squeeze %dma_wait3A_23 : memref<1x10000x32xf32, #tpu.memory_space<hbm>> -> memref<10000x32xf32, #tpu.memory_space<hbm>>
        tpu.wait_dma2 semaphore(%run_scoped3A_18 : memref<!tpu.dma_semaphore, #tpu.memory_space<semaphore_mem>>) src(%arg10 : memref<10000x32xf32, #tpu.memory_space<vmem_shared>>) dst(%dma_wait3A_24 : memref<10000x32xf32, #tpu.memory_space<hbm>>)
        tpu.yield
      }) : () -> ()
    } else {
    }
    return
  }
}

#map = affine_map<(d0, d1) -> (0, 0)>
module attributes {stable_mosaic.version = 14 : i64} {
  func.func @_sc_gather_body(%arg0: i32, %arg1: i32, %arg2: memref<10000x32xf32, #tpu.memory_space<hbm>>, %arg3: memref<2x160000xi32, #tpu.memory_space<hbm>>, %arg4: memref<160000x32xf32, #tpu.memory_space<hbm>>, %arg5: memref<128xi32, #tpu.memory_space<vmem>>, %arg6: memref<128x32xf32, #tpu.memory_space<vmem>>, %arg7: memref<8xi32, #tpu.memory_space<vmem>>, %arg8: memref<8x32xf32, #tpu.memory_space<vmem>>, %arg9: memref<!tpu.dma_semaphore, #tpu.memory_space<semaphore_mem>>) attributes {dimension_semantics = [#tpu.dimension_semantics<core_parallel>, #tpu.dimension_semantics<subcore_parallel>], iteration_bounds = array<i64: 2, 16>, scalar_prefetch = 0 : i64, scratch_operands = 5 : i64, tpu.core_type = #tpu.core_type<sc_vector_subcore>, window_params = [{transform_indices = #map}, {transform_indices = #map}, {transform_indices = #map}]} {
    %mul3A = arith.constant 2 : i32
    %mul3A_0 = arith.muli %arg1, %mul3A : i32
    %add3A = arith.addi %mul3A_0, %arg0 : i32
    %mul3A_1 = arith.constant 5000 : i32
    %mul3A_2 = arith.muli %add3A, %mul3A_1 : i32
    %scan3A = arith.constant 0 : i32
    %scan3A_3 = arith.constant 0 : i32
    %scan3A_4 = arith.constant 39 : i32
    %scan3A_5 = arith.addi %scan3A_3, %scan3A_4 : i32
    %scan3A_6 = arith.constant 1 : i32
    scf.for %scan3A_14 = %scan3A_3 to %scan3A_5 step %scan3A_6  : i32 {
      %mul3A_15 = arith.constant 128 : i32
      %mul3A_16 = arith.muli %scan3A_14, %mul3A_15 : i32
      %add3A_17 = arith.addi %mul3A_2, %mul3A_16 : i32
      %run_scoped3A_18 = arith.constant 0 : i32
      "tpu.region"() ({
        %run_scoped3A_25 = tpu.sem_alloc : memref<!tpu.dma_semaphore, #tpu.memory_space<semaphore_mem>>
        %dma_start3A_26 = tpu.memref_slice %arg3[%run_scoped3A_18, %add3A_17] : memref<2x160000xi32, #tpu.memory_space<hbm>> -> memref<1x128xi32, #tpu.memory_space<hbm>>
        %dma_start3A_27 = tpu.memref_squeeze %dma_start3A_26 : memref<1x128xi32, #tpu.memory_space<hbm>> -> memref<128xi32, #tpu.memory_space<hbm>>
        %dma_start3A_28 = tpu.memref_slice %arg3[%run_scoped3A_18, %add3A_17] : memref<2x160000xi32, #tpu.memory_space<hbm>> -> memref<1x128xi32, #tpu.memory_space<hbm>>
        %dma_start3A_29 = tpu.memref_squeeze %dma_start3A_28 : memref<1x128xi32, #tpu.memory_space<hbm>> -> memref<128xi32, #tpu.memory_space<hbm>>
        tpu.enqueue_dma source(%dma_start3A_29 : memref<128xi32, #tpu.memory_space<hbm>>) target(%arg5 : memref<128xi32, #tpu.memory_space<vmem>>) target_semaphore(%run_scoped3A_25 : memref<!tpu.dma_semaphore, #tpu.memory_space<semaphore_mem>>)
        %dma_wait3A_30 = tpu.memref_slice %arg3[%run_scoped3A_18, %add3A_17] : memref<2x160000xi32, #tpu.memory_space<hbm>> -> memref<1x128xi32, #tpu.memory_space<hbm>>
        %dma_wait3A_31 = tpu.memref_squeeze %dma_wait3A_30 : memref<1x128xi32, #tpu.memory_space<hbm>> -> memref<128xi32, #tpu.memory_space<hbm>>
        %dma_wait3A_32 = tpu.memref_slice %arg3[%run_scoped3A_18, %add3A_17] : memref<2x160000xi32, #tpu.memory_space<hbm>> -> memref<1x128xi32, #tpu.memory_space<hbm>>
        %dma_wait3A_33 = tpu.memref_squeeze %dma_wait3A_32 : memref<1x128xi32, #tpu.memory_space<hbm>> -> memref<128xi32, #tpu.memory_space<hbm>>
        tpu.wait_dma2 semaphore(%run_scoped3A_25 : memref<!tpu.dma_semaphore, #tpu.memory_space<semaphore_mem>>) src(%dma_wait3A_33 : memref<128xi32, #tpu.memory_space<hbm>>) dst(%arg5 : memref<128xi32, #tpu.memory_space<vmem>>)
        tpu.yield
      }) : () -> ()
      %dma_start3A_19 = arith.constant 0 : i32
      %dma_start3A_20 = arith.constant 0 : i32
      %dma_start3A_21 = tpu.memref_slice %arg2[%dma_start3A_19, %dma_start3A_20] : memref<10000x32xf32, #tpu.memory_space<hbm>> -> memref<10000x32xf32, #tpu.memory_space<hbm>>
      tpu.enqueue_indirect_dma source(%dma_start3A_21 : memref<10000x32xf32, #tpu.memory_space<hbm>>) target(%arg6 : memref<128x32xf32, #tpu.memory_space<vmem>>) offsets(%arg5 : memref<128xi32, #tpu.memory_space<vmem>>) semaphore(%arg9 : memref<!tpu.dma_semaphore, #tpu.memory_space<semaphore_mem>>)
      %dma_wait3A_22 = arith.constant 0 : i32
      %dma_wait3A_23 = arith.constant 0 : i32
      %dma_wait3A_24 = tpu.memref_slice %arg2[%dma_wait3A_22, %dma_wait3A_23] : memref<10000x32xf32, #tpu.memory_space<hbm>> -> memref<10000x32xf32, #tpu.memory_space<hbm>>
      tpu.wait_indirect_dma semaphore(%arg9 : memref<!tpu.dma_semaphore, #tpu.memory_space<semaphore_mem>>) src(%dma_wait3A_24 : memref<10000x32xf32, #tpu.memory_space<hbm>>) dst(%arg6 : memref<128x32xf32, #tpu.memory_space<vmem>>)
      "tpu.region"() ({
        %run_scoped3A_25 = tpu.sem_alloc : memref<!tpu.dma_semaphore, #tpu.memory_space<semaphore_mem>>
        %dma_start3A_26 = arith.constant 0 : i32
        %dma_start3A_27 = tpu.memref_slice %arg4[%add3A_17, %dma_start3A_26] : memref<160000x32xf32, #tpu.memory_space<hbm>> -> memref<128x32xf32, #tpu.memory_space<hbm>>
        %dma_start3A_28 = arith.constant 0 : i32
        %dma_start3A_29 = tpu.memref_slice %arg4[%add3A_17, %dma_start3A_28] : memref<160000x32xf32, #tpu.memory_space<hbm>> -> memref<128x32xf32, #tpu.memory_space<hbm>>
        tpu.enqueue_dma source(%arg6 : memref<128x32xf32, #tpu.memory_space<vmem>>) target(%dma_start3A_29 : memref<128x32xf32, #tpu.memory_space<hbm>>) target_semaphore(%run_scoped3A_25 : memref<!tpu.dma_semaphore, #tpu.memory_space<semaphore_mem>>)
        %dma_wait3A_30 = arith.constant 0 : i32
        %dma_wait3A_31 = tpu.memref_slice %arg4[%add3A_17, %dma_wait3A_30] : memref<160000x32xf32, #tpu.memory_space<hbm>> -> memref<128x32xf32, #tpu.memory_space<hbm>>
        %dma_wait3A_32 = arith.constant 0 : i32
        %dma_wait3A_33 = tpu.memref_slice %arg4[%add3A_17, %dma_wait3A_32] : memref<160000x32xf32, #tpu.memory_space<hbm>> -> memref<128x32xf32, #tpu.memory_space<hbm>>
        tpu.wait_dma2 semaphore(%run_scoped3A_25 : memref<!tpu.dma_semaphore, #tpu.memory_space<semaphore_mem>>) src(%arg6 : memref<128x32xf32, #tpu.memory_space<vmem>>) dst(%dma_wait3A_33 : memref<128x32xf32, #tpu.memory_space<hbm>>)
        tpu.yield
      }) : () -> ()
    }
    %scan3A_7 = arith.constant 39 : i32
    %add3A_8 = arith.constant 4992 : i32
    %add3A_9 = arith.addi %mul3A_2, %add3A_8 : i32
    %run_scoped3A = arith.constant 0 : i32
    "tpu.region"() ({
      %run_scoped3A_14 = tpu.sem_alloc : memref<!tpu.dma_semaphore, #tpu.memory_space<semaphore_mem>>
      %dma_start3A_15 = tpu.memref_slice %arg3[%run_scoped3A, %add3A_9] : memref<2x160000xi32, #tpu.memory_space<hbm>> -> memref<1x8xi32, #tpu.memory_space<hbm>>
      %dma_start3A_16 = tpu.memref_squeeze %dma_start3A_15 : memref<1x8xi32, #tpu.memory_space<hbm>> -> memref<8xi32, #tpu.memory_space<hbm>>
      %dma_start3A_17 = tpu.memref_slice %arg3[%run_scoped3A, %add3A_9] : memref<2x160000xi32, #tpu.memory_space<hbm>> -> memref<1x8xi32, #tpu.memory_space<hbm>>
      %dma_start3A_18 = tpu.memref_squeeze %dma_start3A_17 : memref<1x8xi32, #tpu.memory_space<hbm>> -> memref<8xi32, #tpu.memory_space<hbm>>
      tpu.enqueue_dma source(%dma_start3A_18 : memref<8xi32, #tpu.memory_space<hbm>>) target(%arg7 : memref<8xi32, #tpu.memory_space<vmem>>) target_semaphore(%run_scoped3A_14 : memref<!tpu.dma_semaphore, #tpu.memory_space<semaphore_mem>>)
      %dma_wait3A_19 = tpu.memref_slice %arg3[%run_scoped3A, %add3A_9] : memref<2x160000xi32, #tpu.memory_space<hbm>> -> memref<1x8xi32, #tpu.memory_space<hbm>>
      %dma_wait3A_20 = tpu.memref_squeeze %dma_wait3A_19 : memref<1x8xi32, #tpu.memory_space<hbm>> -> memref<8xi32, #tpu.memory_space<hbm>>
      %dma_wait3A_21 = tpu.memref_slice %arg3[%run_scoped3A, %add3A_9] : memref<2x160000xi32, #tpu.memory_space<hbm>> -> memref<1x8xi32, #tpu.memory_space<hbm>>
      %dma_wait3A_22 = tpu.memref_squeeze %dma_wait3A_21 : memref<1x8xi32, #tpu.memory_space<hbm>> -> memref<8xi32, #tpu.memory_space<hbm>>
      tpu.wait_dma2 semaphore(%run_scoped3A_14 : memref<!tpu.dma_semaphore, #tpu.memory_space<semaphore_mem>>) src(%dma_wait3A_22 : memref<8xi32, #tpu.memory_space<hbm>>) dst(%arg7 : memref<8xi32, #tpu.memory_space<vmem>>)
      tpu.yield
    }) : () -> ()
    %dma_start3A = arith.constant 0 : i32
    %dma_start3A_10 = arith.constant 0 : i32
    %dma_start3A_11 = tpu.memref_slice %arg2[%dma_start3A, %dma_start3A_10] : memref<10000x32xf32, #tpu.memory_space<hbm>> -> memref<10000x32xf32, #tpu.memory_space<hbm>>
    tpu.enqueue_indirect_dma source(%dma_start3A_11 : memref<10000x32xf32, #tpu.memory_space<hbm>>) target(%arg8 : memref<8x32xf32, #tpu.memory_space<vmem>>) offsets(%arg7 : memref<8xi32, #tpu.memory_space<vmem>>) semaphore(%arg9 : memref<!tpu.dma_semaphore, #tpu.memory_space<semaphore_mem>>)
    %dma_wait3A = arith.constant 0 : i32
    %dma_wait3A_12 = arith.constant 0 : i32
    %dma_wait3A_13 = tpu.memref_slice %arg2[%dma_wait3A, %dma_wait3A_12] : memref<10000x32xf32, #tpu.memory_space<hbm>> -> memref<10000x32xf32, #tpu.memory_space<hbm>>
    tpu.wait_indirect_dma semaphore(%arg9 : memref<!tpu.dma_semaphore, #tpu.memory_space<semaphore_mem>>) src(%dma_wait3A_13 : memref<10000x32xf32, #tpu.memory_space<hbm>>) dst(%arg8 : memref<8x32xf32, #tpu.memory_space<vmem>>)
    "tpu.region"() ({
      %run_scoped3A_14 = tpu.sem_alloc : memref<!tpu.dma_semaphore, #tpu.memory_space<semaphore_mem>>
      %dma_start3A_15 = arith.constant 0 : i32
      %dma_start3A_16 = tpu.memref_slice %arg4[%add3A_9, %dma_start3A_15] : memref<160000x32xf32, #tpu.memory_space<hbm>> -> memref<8x32xf32, #tpu.memory_space<hbm>>
      %dma_start3A_17 = arith.constant 0 : i32
      %dma_start3A_18 = tpu.memref_slice %arg4[%add3A_9, %dma_start3A_17] : memref<160000x32xf32, #tpu.memory_space<hbm>> -> memref<8x32xf32, #tpu.memory_space<hbm>>
      tpu.enqueue_dma source(%arg8 : memref<8x32xf32, #tpu.memory_space<vmem>>) target(%dma_start3A_18 : memref<8x32xf32, #tpu.memory_space<hbm>>) target_semaphore(%run_scoped3A_14 : memref<!tpu.dma_semaphore, #tpu.memory_space<semaphore_mem>>)
      %dma_wait3A_19 = arith.constant 0 : i32
      %dma_wait3A_20 = tpu.memref_slice %arg4[%add3A_9, %dma_wait3A_19] : memref<160000x32xf32, #tpu.memory_space<hbm>> -> memref<8x32xf32, #tpu.memory_space<hbm>>
      %dma_wait3A_21 = arith.constant 0 : i32
      %dma_wait3A_22 = tpu.memref_slice %arg4[%add3A_9, %dma_wait3A_21] : memref<160000x32xf32, #tpu.memory_space<hbm>> -> memref<8x32xf32, #tpu.memory_space<hbm>>
      tpu.wait_dma2 semaphore(%run_scoped3A_14 : memref<!tpu.dma_semaphore, #tpu.memory_space<semaphore_mem>>) src(%arg8 : memref<8x32xf32, #tpu.memory_space<vmem>>) dst(%dma_wait3A_22 : memref<8x32xf32, #tpu.memory_space<hbm>>)
      tpu.yield
    }) : () -> ()
    return
  }
}

#map = affine_map<(d0, d1) -> (0, 0)>
#map1 = affine_map<(d0, d1) -> (0, 0, 0)>
module attributes {stable_mosaic.version = 14 : i64} {
  func.func @_sc_scatter_body(%arg0: i32, %arg1: i32, %arg2: memref<160000x32xf32, #tpu.memory_space<hbm>>, %arg3: memref<2x160000xi32, #tpu.memory_space<hbm>>, %arg4: memref<10000x32xf32, #tpu.memory_space<hbm>>, %arg5: memref<2x10000x32xf32, #tpu.memory_space<hbm>>, %arg6: memref<128xi32, #tpu.memory_space<vmem>>, %arg7: memref<128x32xf32, #tpu.memory_space<vmem>>, %arg8: memref<8xi32, #tpu.memory_space<vmem>>, %arg9: memref<8x32xf32, #tpu.memory_space<vmem>>, %arg10: memref<10000x32xf32, #tpu.memory_space<vmem_shared>>) attributes {dimension_semantics = [#tpu.dimension_semantics<core_parallel>, #tpu.dimension_semantics<subcore_parallel>], iteration_bounds = array<i64: 2, 16>, scalar_prefetch = 0 : i64, scratch_operands = 5 : i64, tpu.core_type = #tpu.core_type<sc_vector_subcore>, window_params = [{transform_indices = #map}, {transform_indices = #map}, {transform_indices = #map}, {transform_indices = #map1}]} {
    %mul3A = arith.constant 2 : i32
    %mul3A_0 = arith.muli %arg1, %mul3A : i32
    %add3A = arith.addi %mul3A_0, %arg0 : i32
    %eq3A = arith.constant 0 : i32
    %eq3A_1 = arith.cmpi eq, %arg1, %eq3A : i32
    %convert_element_type3A = arith.extui %eq3A_1 : i1 to i32
    %cond3A = arith.constant 0 : i32
    %cond3A_2 = arith.cmpi ne, %convert_element_type3A, %cond3A : i32
    scf.if %cond3A_2 {
      "tpu.region"() ({
        %run_scoped3A_18 = tpu.sem_alloc : memref<!tpu.dma_semaphore, #tpu.memory_space<semaphore_mem>>
        tpu.enqueue_dma source(%arg4 : memref<10000x32xf32, #tpu.memory_space<hbm>>) target(%arg10 : memref<10000x32xf32, #tpu.memory_space<vmem_shared>>) target_semaphore(%run_scoped3A_18 : memref<!tpu.dma_semaphore, #tpu.memory_space<semaphore_mem>>)
        tpu.wait_dma2 semaphore(%run_scoped3A_18 : memref<!tpu.dma_semaphore, #tpu.memory_space<semaphore_mem>>) src(%arg4 : memref<10000x32xf32, #tpu.memory_space<hbm>>) dst(%arg10 : memref<10000x32xf32, #tpu.memory_space<vmem_shared>>)
        tpu.yield
      }) : () -> ()
    } else {
    }
    %barrier3A = arith.constant 0 : index
    tpu.barrier barrier_id(%barrier3A)
    %scan3A = arith.constant 0 : i32
    %scan3A_3 = arith.constant 0 : i32
    %scan3A_4 = arith.constant 39 : i32
    %scan3A_5 = arith.addi %scan3A_3, %scan3A_4 : i32
    %scan3A_6 = arith.constant 1 : i32
    scf.for %scan3A_18 = %scan3A_3 to %scan3A_5 step %scan3A_6  : i32 {
      %mul3A_19 = arith.constant 5000 : i32
      %mul3A_20 = arith.muli %add3A, %mul3A_19 : i32
      %mul3A_21 = arith.constant 128 : i32
      %mul3A_22 = arith.muli %scan3A_18, %mul3A_21 : i32
      %add3A_23 = arith.addi %mul3A_20, %mul3A_22 : i32
      %run_scoped3A_24 = arith.constant 1 : i32
      "tpu.region"() ({
        %run_scoped3A_25 = tpu.sem_alloc : memref<!tpu.dma_semaphore, #tpu.memory_space<semaphore_mem>>
        %dma_start3A = tpu.memref_slice %arg3[%run_scoped3A_24, %add3A_23] : memref<2x160000xi32, #tpu.memory_space<hbm>> -> memref<1x128xi32, #tpu.memory_space<hbm>>
        %dma_start3A_26 = tpu.memref_squeeze %dma_start3A : memref<1x128xi32, #tpu.memory_space<hbm>> -> memref<128xi32, #tpu.memory_space<hbm>>
        %dma_start3A_27 = tpu.memref_slice %arg3[%run_scoped3A_24, %add3A_23] : memref<2x160000xi32, #tpu.memory_space<hbm>> -> memref<1x128xi32, #tpu.memory_space<hbm>>
        %dma_start3A_28 = tpu.memref_squeeze %dma_start3A_27 : memref<1x128xi32, #tpu.memory_space<hbm>> -> memref<128xi32, #tpu.memory_space<hbm>>
        tpu.enqueue_dma source(%dma_start3A_28 : memref<128xi32, #tpu.memory_space<hbm>>) target(%arg6 : memref<128xi32, #tpu.memory_space<vmem>>) target_semaphore(%run_scoped3A_25 : memref<!tpu.dma_semaphore, #tpu.memory_space<semaphore_mem>>)
        %dma_wait3A = tpu.memref_slice %arg3[%run_scoped3A_24, %add3A_23] : memref<2x160000xi32, #tpu.memory_space<hbm>> -> memref<1x128xi32, #tpu.memory_space<hbm>>
        %dma_wait3A_29 = tpu.memref_squeeze %dma_wait3A : memref<1x128xi32, #tpu.memory_space<hbm>> -> memref<128xi32, #tpu.memory_space<hbm>>
        %dma_wait3A_30 = tpu.memref_slice %arg3[%run_scoped3A_24, %add3A_23] : memref<2x160000xi32, #tpu.memory_space<hbm>> -> memref<1x128xi32, #tpu.memory_space<hbm>>
        %dma_wait3A_31 = tpu.memref_squeeze %dma_wait3A_30 : memref<1x128xi32, #tpu.memory_space<hbm>> -> memref<128xi32, #tpu.memory_space<hbm>>
        tpu.wait_dma2 semaphore(%run_scoped3A_25 : memref<!tpu.dma_semaphore, #tpu.memory_space<semaphore_mem>>) src(%dma_wait3A_31 : memref<128xi32, #tpu.memory_space<hbm>>) dst(%arg6 : memref<128xi32, #tpu.memory_space<vmem>>)
        tpu.yield
      }) : () -> ()
      "tpu.region"() ({
        %run_scoped3A_25 = tpu.sem_alloc : memref<!tpu.dma_semaphore, #tpu.memory_space<semaphore_mem>>
        %dma_start3A = arith.constant 0 : i32
        %dma_start3A_26 = tpu.memref_slice %arg2[%add3A_23, %dma_start3A] : memref<160000x32xf32, #tpu.memory_space<hbm>> -> memref<128x32xf32, #tpu.memory_space<hbm>>
        %dma_start3A_27 = arith.constant 0 : i32
        %dma_start3A_28 = tpu.memref_slice %arg2[%add3A_23, %dma_start3A_27] : memref<160000x32xf32, #tpu.memory_space<hbm>> -> memref<128x32xf32, #tpu.memory_space<hbm>>
        tpu.enqueue_dma source(%dma_start3A_28 : memref<128x32xf32, #tpu.memory_space<hbm>>) target(%arg7 : memref<128x32xf32, #tpu.memory_space<vmem>>) target_semaphore(%run_scoped3A_25 : memref<!tpu.dma_semaphore, #tpu.memory_space<semaphore_mem>>)
        %dma_wait3A = arith.constant 0 : i32
        %dma_wait3A_29 = tpu.memref_slice %arg2[%add3A_23, %dma_wait3A] : memref<160000x32xf32, #tpu.memory_space<hbm>> -> memref<128x32xf32, #tpu.memory_space<hbm>>
        %dma_wait3A_30 = arith.constant 0 : i32
        %dma_wait3A_31 = tpu.memref_slice %arg2[%add3A_23, %dma_wait3A_30] : memref<160000x32xf32, #tpu.memory_space<hbm>> -> memref<128x32xf32, #tpu.memory_space<hbm>>
        tpu.wait_dma2 semaphore(%run_scoped3A_25 : memref<!tpu.dma_semaphore, #tpu.memory_space<semaphore_mem>>) src(%dma_wait3A_31 : memref<128x32xf32, #tpu.memory_space<hbm>>) dst(%arg7 : memref<128x32xf32, #tpu.memory_space<vmem>>)
        tpu.yield
      }) : () -> ()
      "tpu.region"() ({
        %run_scoped3A_25 = tpu.sem_alloc : memref<!tpu.dma_semaphore, #tpu.memory_space<semaphore_mem>>
        %dma_start3A = arith.constant 0 : i32
        %dma_start3A_26 = arith.constant 0 : i32
        %dma_start3A_27 = tpu.memref_slice %arg10[%dma_start3A, %dma_start3A_26] : memref<10000x32xf32, #tpu.memory_space<vmem_shared>> -> memref<10000x32xf32, #tpu.memory_space<vmem_shared>>
        tpu.enqueue_indirect_dma source(%arg7 : memref<128x32xf32, #tpu.memory_space<vmem>>) target(%dma_start3A_27 : memref<10000x32xf32, #tpu.memory_space<vmem_shared>>) offsets(%arg6 : memref<128xi32, #tpu.memory_space<vmem>>) semaphore(%run_scoped3A_25 : memref<!tpu.dma_semaphore, #tpu.memory_space<semaphore_mem>>) {add = true}
        %dma_wait3A = arith.constant 0 : i32
        %dma_wait3A_28 = arith.constant 0 : i32
        %dma_wait3A_29 = tpu.memref_slice %arg10[%dma_wait3A, %dma_wait3A_28] : memref<10000x32xf32, #tpu.memory_space<vmem_shared>> -> memref<10000x32xf32, #tpu.memory_space<vmem_shared>>
        tpu.wait_indirect_dma semaphore(%run_scoped3A_25 : memref<!tpu.dma_semaphore, #tpu.memory_space<semaphore_mem>>) src(%arg7 : memref<128x32xf32, #tpu.memory_space<vmem>>) dst(%dma_wait3A_29 : memref<10000x32xf32, #tpu.memory_space<vmem_shared>>)
        tpu.yield
      }) : () -> ()
    }
    %scan3A_7 = arith.constant 39 : i32
    %mul3A_8 = arith.constant 5000 : i32
    %mul3A_9 = arith.muli %add3A, %mul3A_8 : i32
    %add3A_10 = arith.constant 4992 : i32
    %add3A_11 = arith.addi %mul3A_9, %add3A_10 : i32
    %run_scoped3A = arith.constant 1 : i32
    "tpu.region"() ({
      %run_scoped3A_18 = tpu.sem_alloc : memref<!tpu.dma_semaphore, #tpu.memory_space<semaphore_mem>>
      %dma_start3A = tpu.memref_slice %arg3[%run_scoped3A, %add3A_11] : memref<2x160000xi32, #tpu.memory_space<hbm>> -> memref<1x8xi32, #tpu.memory_space<hbm>>
      %dma_start3A_19 = tpu.memref_squeeze %dma_start3A : memref<1x8xi32, #tpu.memory_space<hbm>> -> memref<8xi32, #tpu.memory_space<hbm>>
      %dma_start3A_20 = tpu.memref_slice %arg3[%run_scoped3A, %add3A_11] : memref<2x160000xi32, #tpu.memory_space<hbm>> -> memref<1x8xi32, #tpu.memory_space<hbm>>
      %dma_start3A_21 = tpu.memref_squeeze %dma_start3A_20 : memref<1x8xi32, #tpu.memory_space<hbm>> -> memref<8xi32, #tpu.memory_space<hbm>>
      tpu.enqueue_dma source(%dma_start3A_21 : memref<8xi32, #tpu.memory_space<hbm>>) target(%arg8 : memref<8xi32, #tpu.memory_space<vmem>>) target_semaphore(%run_scoped3A_18 : memref<!tpu.dma_semaphore, #tpu.memory_space<semaphore_mem>>)
      %dma_wait3A = tpu.memref_slice %arg3[%run_scoped3A, %add3A_11] : memref<2x160000xi32, #tpu.memory_space<hbm>> -> memref<1x8xi32, #tpu.memory_space<hbm>>
      %dma_wait3A_22 = tpu.memref_squeeze %dma_wait3A : memref<1x8xi32, #tpu.memory_space<hbm>> -> memref<8xi32, #tpu.memory_space<hbm>>
      %dma_wait3A_23 = tpu.memref_slice %arg3[%run_scoped3A, %add3A_11] : memref<2x160000xi32, #tpu.memory_space<hbm>> -> memref<1x8xi32, #tpu.memory_space<hbm>>
      %dma_wait3A_24 = tpu.memref_squeeze %dma_wait3A_23 : memref<1x8xi32, #tpu.memory_space<hbm>> -> memref<8xi32, #tpu.memory_space<hbm>>
      tpu.wait_dma2 semaphore(%run_scoped3A_18 : memref<!tpu.dma_semaphore, #tpu.memory_space<semaphore_mem>>) src(%dma_wait3A_24 : memref<8xi32, #tpu.memory_space<hbm>>) dst(%arg8 : memref<8xi32, #tpu.memory_space<vmem>>)
      tpu.yield
    }) : () -> ()
    "tpu.region"() ({
      %run_scoped3A_18 = tpu.sem_alloc : memref<!tpu.dma_semaphore, #tpu.memory_space<semaphore_mem>>
      %dma_start3A = arith.constant 0 : i32
      %dma_start3A_19 = tpu.memref_slice %arg2[%add3A_11, %dma_start3A] : memref<160000x32xf32, #tpu.memory_space<hbm>> -> memref<8x32xf32, #tpu.memory_space<hbm>>
      %dma_start3A_20 = arith.constant 0 : i32
      %dma_start3A_21 = tpu.memref_slice %arg2[%add3A_11, %dma_start3A_20] : memref<160000x32xf32, #tpu.memory_space<hbm>> -> memref<8x32xf32, #tpu.memory_space<hbm>>
      tpu.enqueue_dma source(%dma_start3A_21 : memref<8x32xf32, #tpu.memory_space<hbm>>) target(%arg9 : memref<8x32xf32, #tpu.memory_space<vmem>>) target_semaphore(%run_scoped3A_18 : memref<!tpu.dma_semaphore, #tpu.memory_space<semaphore_mem>>)
      %dma_wait3A = arith.constant 0 : i32
      %dma_wait3A_22 = tpu.memref_slice %arg2[%add3A_11, %dma_wait3A] : memref<160000x32xf32, #tpu.memory_space<hbm>> -> memref<8x32xf32, #tpu.memory_space<hbm>>
      %dma_wait3A_23 = arith.constant 0 : i32
      %dma_wait3A_24 = tpu.memref_slice %arg2[%add3A_11, %dma_wait3A_23] : memref<160000x32xf32, #tpu.memory_space<hbm>> -> memref<8x32xf32, #tpu.memory_space<hbm>>
      tpu.wait_dma2 semaphore(%run_scoped3A_18 : memref<!tpu.dma_semaphore, #tpu.memory_space<semaphore_mem>>) src(%dma_wait3A_24 : memref<8x32xf32, #tpu.memory_space<hbm>>) dst(%arg9 : memref<8x32xf32, #tpu.memory_space<vmem>>)
      tpu.yield
    }) : () -> ()
    "tpu.region"() ({
      %run_scoped3A_18 = tpu.sem_alloc : memref<!tpu.dma_semaphore, #tpu.memory_space<semaphore_mem>>
      %dma_start3A = arith.constant 0 : i32
      %dma_start3A_19 = arith.constant 0 : i32
      %dma_start3A_20 = tpu.memref_slice %arg10[%dma_start3A, %dma_start3A_19] : memref<10000x32xf32, #tpu.memory_space<vmem_shared>> -> memref<10000x32xf32, #tpu.memory_space<vmem_shared>>
      tpu.enqueue_indirect_dma source(%arg9 : memref<8x32xf32, #tpu.memory_space<vmem>>) target(%dma_start3A_20 : memref<10000x32xf32, #tpu.memory_space<vmem_shared>>) offsets(%arg8 : memref<8xi32, #tpu.memory_space<vmem>>) semaphore(%run_scoped3A_18 : memref<!tpu.dma_semaphore, #tpu.memory_space<semaphore_mem>>) {add = true}
      %dma_wait3A = arith.constant 0 : i32
      %dma_wait3A_21 = arith.constant 0 : i32
      %dma_wait3A_22 = tpu.memref_slice %arg10[%dma_wait3A, %dma_wait3A_21] : memref<10000x32xf32, #tpu.memory_space<vmem_shared>> -> memref<10000x32xf32, #tpu.memory_space<vmem_shared>>
      tpu.wait_indirect_dma semaphore(%run_scoped3A_18 : memref<!tpu.dma_semaphore, #tpu.memory_space<semaphore_mem>>) src(%arg9 : memref<8x32xf32, #tpu.memory_space<vmem>>) dst(%dma_wait3A_22 : memref<10000x32xf32, #tpu.memory_space<vmem_shared>>)
      tpu.yield
    }) : () -> ()
    %barrier3A_12 = arith.constant 0 : index
    tpu.barrier barrier_id(%barrier3A_12)
    %eq3A_13 = arith.constant 0 : i32
    %eq3A_14 = arith.cmpi eq, %arg1, %eq3A_13 : i32
    %convert_element_type3A_15 = arith.extui %eq3A_14 : i1 to i32
    %cond3A_16 = arith.constant 0 : i32
    %cond3A_17 = arith.cmpi ne, %convert_element_type3A_15, %cond3A_16 : i32
    scf.if %cond3A_17 {
      "tpu.region"() ({
        %run_scoped3A_18 = tpu.sem_alloc : memref<!tpu.dma_semaphore, #tpu.memory_space<semaphore_mem>>
        %dma_start3A = arith.constant 0 : i32
        %dma_start3A_19 = arith.constant 0 : i32
        %dma_start3A_20 = tpu.memref_slice %arg5[%arg0, %dma_start3A, %dma_start3A_19] : memref<2x10000x32xf32, #tpu.memory_space<hbm>> -> memref<1x10000x32xf32, #tpu.memory_space<hbm>>
        %dma_start3A_21 = tpu.memref_squeeze %dma_start3A_20 : memref<1x10000x32xf32, #tpu.memory_space<hbm>> -> memref<10000x32xf32, #tpu.memory_space<hbm>>
        tpu.enqueue_dma source(%arg10 : memref<10000x32xf32, #tpu.memory_space<vmem_shared>>) target(%dma_start3A_21 : memref<10000x32xf32, #tpu.memory_space<hbm>>) target_semaphore(%run_scoped3A_18 : memref<!tpu.dma_semaphore, #tpu.memory_space<semaphore_mem>>)
        %dma_wait3A = arith.constant 0 : i32
        %dma_wait3A_22 = arith.constant 0 : i32
        %dma_wait3A_23 = tpu.memref_slice %arg5[%arg0, %dma_wait3A, %dma_wait3A_22] : memref<2x10000x32xf32, #tpu.memory_space<hbm>> -> memref<1x10000x32xf32, #tpu.memory_space<hbm>>
        %dma_wait3A_24 = tpu.memref_squeeze %dma_wait3A_23 : memref<1x10000x32xf32, #tpu.memory_space<hbm>> -> memref<10000x32xf32, #tpu.memory_space<hbm>>
        tpu.wait_dma2 semaphore(%run_scoped3A_18 : memref<!tpu.dma_semaphore, #tpu.memory_space<semaphore_mem>>) src(%arg10 : memref<10000x32xf32, #tpu.memory_space<vmem_shared>>) dst(%dma_wait3A_24 : memref<10000x32xf32, #tpu.memory_space<hbm>>)
        tpu.yield
      }) : () -> ()
    } else {
    }
    return
  }
}

module attributes {stable_mosaic.version = 14 : i64} {
  func.func @_lin0_body(%arg0: memref<10000x128xf32, #tpu.memory_space<vmem>>, %arg1: memref<128x32xf32, #tpu.memory_space<vmem>>, %arg2: memref<1x32xf32, #tpu.memory_space<vmem>>, %arg3: memref<10000x32xf32, #tpu.memory_space<vmem>>) attributes {dimension_semantics = [], scalar_prefetch = 0 : i64, scratch_operands = 0 : i64, tpu.core_type = #tpu.core_type<tc>} {
    %get3A = arith.constant 0 : index
    %get3A_0 = arith.constant 0 : index
    %get3A_1 = vector.load %arg0[%get3A, %get3A_0] : memref<10000x128xf32, #tpu.memory_space<vmem>>, vector<10000x128xf32>
    %get3A_2 = arith.constant 0 : index
    %get3A_3 = arith.constant 0 : index
    %get3A_4 = vector.load %arg1[%get3A_2, %get3A_3] : memref<128x32xf32, #tpu.memory_space<vmem>>, vector<128x32xf32>
    %dot_general3A = arith.constant dense<0.000000e+00> : vector<10000x32xf32>
    %dot_general3A_5 = tpu.matmul %get3A_1, %get3A_4, %dot_general3A {dimension_numbers = #tpu.dot_dimension_numbers<[1], [0], [0], [1], [0, 0, 1, 1], [], []>, precision = #tpu.contract_precision<fp32>, transpose_lhs_hint = false} : vector<10000x128xf32>, vector<128x32xf32>, vector<10000x32xf32> -> vector<10000x32xf32>
    %get3A_6 = arith.constant 0 : index
    %get3A_7 = arith.constant 0 : index
    %get3A_8 = vector.load %arg2[%get3A_6, %get3A_7] : memref<1x32xf32, #tpu.memory_space<vmem>>, vector<1x32xf32>
    %add3A = vector.broadcast %get3A_8 : vector<1x32xf32> to vector<10000x32xf32>
    %add3A_9 = arith.addf %dot_general3A_5, %add3A : vector<10000x32xf32>
    %max3A = arith.constant 0.000000e+00 : f32
    %max3A_10 = vector.broadcast %max3A : f32 to vector<10000x32xf32>
    %max3A_11 = arith.maximumf %add3A_9, %max3A_10 : vector<10000x32xf32>
    %swap3A = arith.constant 0 : index
    %swap3A_12 = arith.constant 0 : index
    %swap3A_13 = vector.load %arg3[%swap3A, %swap3A_12] : memref<10000x32xf32, #tpu.memory_space<vmem>>, vector<10000x32xf32>
    tpu.vector_store %arg3[%swap3A, %swap3A_12], %max3A_11 {strides = array<i32>} : memref<10000x32xf32, #tpu.memory_space<vmem>>, vector<10000x32xf32>,
    return
  }
}

module attributes {stable_mosaic.version = 14 : i64} {
  func.func @_edge_ht_body(%arg0: i32, %arg1: memref<128x8xf32, #tpu.memory_space<vmem>>, %arg2: memref<8x16000xf32, #tpu.memory_space<vmem>>, %arg3: memref<128x1xf32, #tpu.memory_space<vmem>>, %arg4: memref<128x16000xf32, #tpu.memory_space<vmem>>) attributes {dimension_semantics = [#tpu.dimension_semantics<arbitrary>], iteration_bounds = array<i64: 10>, scalar_prefetch = 0 : i64, scratch_operands = 0 : i64, tpu.core_type = #tpu.core_type<tc>, window_params = [{pipeline_mode = #tpu.pipeline_mode<synchronous>, transform_indices = @transform_0, window_bounds = array<i64: 128, 8>}, {transform_indices = @transform_1, window_bounds = array<i64: 8, 16000>}, {pipeline_mode = #tpu.pipeline_mode<synchronous>, transform_indices = @transform_2, window_bounds = array<i64: 128, 1>}, {transform_indices = @transform_3, window_bounds = array<i64: 128, 16000>}]} {
    %get3A = arith.constant 0 : index
    %get3A_0 = arith.constant 0 : index
    %get3A_1 = vector.load %arg1[%get3A, %get3A_0] : memref<128x8xf32, #tpu.memory_space<vmem>>, vector<128x8xf32>
    %get3A_2 = arith.constant 0 : index
    %get3A_3 = arith.constant 0 : index
    %get3A_4 = vector.load %arg2[%get3A_2, %get3A_3] : memref<8x16000xf32, #tpu.memory_space<vmem>>, vector<8x16000xf32>
    %dot_general3A = arith.constant dense<0.000000e+00> : vector<128x16000xf32>
    %dot_general3A_5 = tpu.matmul %get3A_1, %get3A_4, %dot_general3A {dimension_numbers = #tpu.dot_dimension_numbers<[1], [0], [0], [1], [0, 0, 1, 1], [], []>, precision = #tpu.contract_precision<fp32>, transpose_lhs_hint = false} : vector<128x8xf32>, vector<8x16000xf32>, vector<128x16000xf32> -> vector<128x16000xf32>
    %get3A_6 = arith.constant 0 : index
    %get3A_7 = arith.constant 0 : index
    %get3A_8 = vector.load %arg3[%get3A_6, %get3A_7] : memref<128x1xf32, #tpu.memory_space<vmem>>, vector<128x1xf32>
    %add3A = vector.broadcast %get3A_8 : vector<128x1xf32> to vector<128x16000xf32>
    %add3A_9 = arith.addf %dot_general3A_5, %add3A : vector<128x16000xf32>
    %max3A = arith.constant 0.000000e+00 : f32
    %max3A_10 = vector.broadcast %max3A : f32 to vector<128x16000xf32>
    %max3A_11 = arith.maximumf %add3A_9, %max3A_10 : vector<128x16000xf32>
    %swap3A = arith.constant 0 : index
    %swap3A_12 = arith.constant 0 : index
    %swap3A_13 = vector.load %arg4[%swap3A, %swap3A_12] : memref<128x16000xf32, #tpu.memory_space<vmem>>, vector<128x16000xf32>
    tpu.vector_store %arg4[%swap3A, %swap3A_12], %max3A_11 {strides = array<i32>} : memref<128x16000xf32, #tpu.memory_space<vmem>>, vector<128x16000xf32>,
    return
  }
  func.func @transform_0(%arg0: i32) -> (i32, i32) {
    %c0_i32 = arith.constant 0 : i32
    %c0_i32_0 = arith.constant 0 : i32
    %c0_i32_1 = arith.constant 0 : i32
    return %c0_i32, %c0_i32_0 : i32, i32
  }
  func.func @transform_1(%arg0: i32) -> (i32, i32) {
    %c0_i32 = arith.constant 0 : i32
    %c0_i32_0 = arith.constant 0 : i32
    return %c0_i32, %arg0 : i32, i32
  }
  func.func @transform_2(%arg0: i32) -> (i32, i32) {
    %c0_i32 = arith.constant 0 : i32
    %c0_i32_0 = arith.constant 0 : i32
    %c0_i32_1 = arith.constant 0 : i32
    return %c0_i32, %c0_i32_0 : i32, i32
  }
  func.func @transform_3(%arg0: i32) -> (i32, i32) {
    %c0_i32 = arith.constant 0 : i32
    %c0_i32_0 = arith.constant 0 : i32
    return %c0_i32, %arg0 : i32, i32
  }
}

module attributes {stable_mosaic.version = 14 : i64} {
  func.func @_wet_body(%arg0: i32, %arg1: memref<1024x128xf32, #tpu.memory_space<vmem>>, %arg2: memref<128x3200xf32, #tpu.memory_space<vmem>>, %arg3: memref<1024x1xf32, #tpu.memory_space<vmem>>, %arg4: memref<1024x3200xbf16, #tpu.memory_space<vmem>>) attributes {dimension_semantics = [#tpu.dimension_semantics<arbitrary>], iteration_bounds = array<i64: 50>, scalar_prefetch = 0 : i64, scratch_operands = 0 : i64, tpu.core_type = #tpu.core_type<tc>, window_params = [{pipeline_mode = #tpu.pipeline_mode<synchronous>, transform_indices = @transform_0, window_bounds = array<i64: 1024, 128>}, {transform_indices = @transform_1, window_bounds = array<i64: 128, 3200>}, {pipeline_mode = #tpu.pipeline_mode<synchronous>, transform_indices = @transform_2, window_bounds = array<i64: 1024, 1>}, {transform_indices = @transform_3, window_bounds = array<i64: 1024, 3200>}]} {
    %get3A = arith.constant 0 : index
    %get3A_0 = arith.constant 0 : index
    %get3A_1 = vector.load %arg1[%get3A, %get3A_0] : memref<1024x128xf32, #tpu.memory_space<vmem>>, vector<1024x128xf32>
    %get3A_2 = arith.constant 0 : index
    %get3A_3 = arith.constant 0 : index
    %get3A_4 = vector.load %arg2[%get3A_2, %get3A_3] : memref<128x3200xf32, #tpu.memory_space<vmem>>, vector<128x3200xf32>
    %dot_general3A = arith.constant dense<0.000000e+00> : vector<1024x3200xf32>
    %dot_general3A_5 = tpu.matmul %get3A_1, %get3A_4, %dot_general3A {dimension_numbers = #tpu.dot_dimension_numbers<[1], [0], [0], [1], [0, 0, 1, 1], [], []>, transpose_lhs_hint = false} : vector<1024x128xf32>, vector<128x3200xf32>, vector<1024x3200xf32> -> vector<1024x3200xf32>
    %get3A_6 = arith.constant 0 : index
    %get3A_7 = arith.constant 0 : index
    %get3A_8 = vector.load %arg3[%get3A_6, %get3A_7] : memref<1024x1xf32, #tpu.memory_space<vmem>>, vector<1024x1xf32>
    %add3A = vector.broadcast %get3A_8 : vector<1024x1xf32> to vector<1024x3200xf32>
    %add3A_9 = arith.addf %dot_general3A_5, %add3A : vector<1024x3200xf32>
    %convert_element_type3A = arith.truncf %add3A_9 : vector<1024x3200xf32> to vector<1024x3200xbf16>
    %swap3A = arith.constant 0 : index
    %swap3A_10 = arith.constant 0 : index
    %swap3A_11 = vector.load %arg4[%swap3A, %swap3A_10] : memref<1024x3200xbf16, #tpu.memory_space<vmem>>, vector<1024x3200xbf16>
    tpu.vector_store %arg4[%swap3A, %swap3A_10], %convert_element_type3A {strides = array<i32>} : memref<1024x3200xbf16, #tpu.memory_space<vmem>>, vector<1024x3200xbf16>,
    return
  }
  func.func @transform_0(%arg0: i32) -> (i32, i32) {
    %c0_i32 = arith.constant 0 : i32
    %c0_i32_0 = arith.constant 0 : i32
    %c0_i32_1 = arith.constant 0 : i32
    return %c0_i32, %c0_i32_0 : i32, i32
  }
  func.func @transform_1(%arg0: i32) -> (i32, i32) {
    %c0_i32 = arith.constant 0 : i32
    %c0_i32_0 = arith.constant 0 : i32
    return %c0_i32, %arg0 : i32, i32
  }
  func.func @transform_2(%arg0: i32) -> (i32, i32) {
    %c0_i32 = arith.constant 0 : i32
    %c0_i32_0 = arith.constant 0 : i32
    %c0_i32_1 = arith.constant 0 : i32
    return %c0_i32, %c0_i32_0 : i32, i32
  }
  func.func @transform_3(%arg0: i32) -> (i32, i32) {
    %c0_i32 = arith.constant 0 : i32
    %c0_i32_0 = arith.constant 0 : i32
    return %c0_i32, %arg0 : i32, i32
  }
}

module attributes {stable_mosaic.version = 14 : i64} {
  func.func @_msg_body(%arg0: i32, %arg1: memref<3200x32xf32, #tpu.memory_space<vmem>>, %arg2: memref<1024x3200xbf16, #tpu.memory_space<vmem>>, %arg3: memref<3200x32xf32, #tpu.memory_space<vmem>>) attributes {dimension_semantics = [#tpu.dimension_semantics<arbitrary>], iteration_bounds = array<i64: 50>, scalar_prefetch = 0 : i64, scratch_operands = 0 : i64, tpu.core_type = #tpu.core_type<tc>, window_params = [{transform_indices = @transform_0, window_bounds = array<i64: 3200, 32>}, {transform_indices = @transform_1, window_bounds = array<i64: 1024, 3200>}, {transform_indices = @transform_2, window_bounds = array<i64: 3200, 32>}]} {
    %get3A = arith.constant 0 : index
    %get3A_0 = arith.constant 0 : index
    %get3A_1 = vector.load %arg1[%get3A, %get3A_0] : memref<3200x32xf32, #tpu.memory_space<vmem>>, vector<3200x32xf32>
    %transpose3A = tpu.transpose %get3A_1, [1, 0] : vector<3200x32xf32> -> vector<32x3200xf32>
    %get3A_2 = arith.constant 0 : index
    %get3A_3 = arith.constant 0 : index
    %get3A_4 = vector.load %arg2[%get3A_2, %get3A_3] : memref<1024x3200xbf16, #tpu.memory_space<vmem>>, vector<1024x3200xbf16>
    %convert_element_type3A = arith.extf %get3A_4 : vector<1024x3200xbf16> to vector<1024x3200xf32>
    %slice3A = vector.extract_strided_slice %transpose3A {offsets = [0, 0], sizes = [1, 3200], strides = [1, 1]} : vector<32x3200xf32> to vector<1x3200xf32>
    %slice3A_5 = vector.extract_strided_slice %convert_element_type3A {offsets = [0, 0], sizes = [32, 3200], strides = [1, 1]} : vector<1024x3200xf32> to vector<32x3200xf32>
    %mul3A = vector.broadcast %slice3A : vector<1x3200xf32> to vector<32x3200xf32>
    %mul3A_6 = arith.mulf %mul3A, %slice3A_5 : vector<32x3200xf32>
    %slice3A_7 = vector.extract_strided_slice %transpose3A {offsets = [1, 0], sizes = [1, 3200], strides = [1, 1]} : vector<32x3200xf32> to vector<1x3200xf32>
    %slice3A_8 = vector.extract_strided_slice %convert_element_type3A {offsets = [32, 0], sizes = [32, 3200], strides = [1, 1]} : vector<1024x3200xf32> to vector<32x3200xf32>
    %mul3A_9 = vector.broadcast %slice3A_7 : vector<1x3200xf32> to vector<32x3200xf32>
    %mul3A_10 = arith.mulf %mul3A_9, %slice3A_8 : vector<32x3200xf32>
    %add3A = arith.addf %mul3A_6, %mul3A_10 : vector<32x3200xf32>
    %slice3A_11 = vector.extract_strided_slice %transpose3A {offsets = [2, 0], sizes = [1, 3200], strides = [1, 1]} : vector<32x3200xf32> to vector<1x3200xf32>
    %slice3A_12 = vector.extract_strided_slice %convert_element_type3A {offsets = [64, 0], sizes = [32, 3200], strides = [1, 1]} : vector<1024x3200xf32> to vector<32x3200xf32>
    %mul3A_13 = vector.broadcast %slice3A_11 : vector<1x3200xf32> to vector<32x3200xf32>
    %mul3A_14 = arith.mulf %mul3A_13, %slice3A_12 : vector<32x3200xf32>
    %add3A_15 = arith.addf %add3A, %mul3A_14 : vector<32x3200xf32>
    %slice3A_16 = vector.extract_strided_slice %transpose3A {offsets = [3, 0], sizes = [1, 3200], strides = [1, 1]} : vector<32x3200xf32> to vector<1x3200xf32>
    %slice3A_17 = vector.extract_strided_slice %convert_element_type3A {offsets = [96, 0], sizes = [32, 3200], strides = [1, 1]} : vector<1024x3200xf32> to vector<32x3200xf32>
    %mul3A_18 = vector.broadcast %slice3A_16 : vector<1x3200xf32> to vector<32x3200xf32>
    %mul3A_19 = arith.mulf %mul3A_18, %slice3A_17 : vector<32x3200xf32>
    %add3A_20 = arith.addf %add3A_15, %mul3A_19 : vector<32x3200xf32>
    %slice3A_21 = vector.extract_strided_slice %transpose3A {offsets = [4, 0], sizes = [1, 3200], strides = [1, 1]} : vector<32x3200xf32> to vector<1x3200xf32>
    %slice3A_22 = vector.extract_strided_slice %convert_element_type3A {offsets = [128, 0], sizes = [32, 3200], strides = [1, 1]} : vector<1024x3200xf32> to vector<32x3200xf32>
    %mul3A_23 = vector.broadcast %slice3A_21 : vector<1x3200xf32> to vector<32x3200xf32>
    %mul3A_24 = arith.mulf %mul3A_23, %slice3A_22 : vector<32x3200xf32>
    %add3A_25 = arith.addf %add3A_20, %mul3A_24 : vector<32x3200xf32>
    %slice3A_26 = vector.extract_strided_slice %transpose3A {offsets = [5, 0], sizes = [1, 3200], strides = [1, 1]} : vector<32x3200xf32> to vector<1x3200xf32>
    %slice3A_27 = vector.extract_strided_slice %convert_element_type3A {offsets = [160, 0], sizes = [32, 3200], strides = [1, 1]} : vector<1024x3200xf32> to vector<32x3200xf32>
    %mul3A_28 = vector.broadcast %slice3A_26 : vector<1x3200xf32> to vector<32x3200xf32>
    %mul3A_29 = arith.mulf %mul3A_28, %slice3A_27 : vector<32x3200xf32>
    %add3A_30 = arith.addf %add3A_25, %mul3A_29 : vector<32x3200xf32>
    %slice3A_31 = vector.extract_strided_slice %transpose3A {offsets = [6, 0], sizes = [1, 3200], strides = [1, 1]} : vector<32x3200xf32> to vector<1x3200xf32>
    %slice3A_32 = vector.extract_strided_slice %convert_element_type3A {offsets = [192, 0], sizes = [32, 3200], strides = [1, 1]} : vector<1024x3200xf32> to vector<32x3200xf32>
    %mul3A_33 = vector.broadcast %slice3A_31 : vector<1x3200xf32> to vector<32x3200xf32>
    %mul3A_34 = arith.mulf %mul3A_33, %slice3A_32 : vector<32x3200xf32>
    %add3A_35 = arith.addf %add3A_30, %mul3A_34 : vector<32x3200xf32>
    %slice3A_36 = vector.extract_strided_slice %transpose3A {offsets = [7, 0], sizes = [1, 3200], strides = [1, 1]} : vector<32x3200xf32> to vector<1x3200xf32>
    %slice3A_37 = vector.extract_strided_slice %convert_element_type3A {offsets = [224, 0], sizes = [32, 3200], strides = [1, 1]} : vector<1024x3200xf32> to vector<32x3200xf32>
    %mul3A_38 = vector.broadcast %slice3A_36 : vector<1x3200xf32> to vector<32x3200xf32>
    %mul3A_39 = arith.mulf %mul3A_38, %slice3A_37 : vector<32x3200xf32>
    %add3A_40 = arith.addf %add3A_35, %mul3A_39 : vector<32x3200xf32>
    %slice3A_41 = vector.extract_strided_slice %transpose3A {offsets = [8, 0], sizes = [1, 3200], strides = [1, 1]} : vector<32x3200xf32> to vector<1x3200xf32>
    %slice3A_42 = vector.extract_strided_slice %convert_element_type3A {offsets = [256, 0], sizes = [32, 3200], strides = [1, 1]} : vector<1024x3200xf32> to vector<32x3200xf32>
    %mul3A_43 = vector.broadcast %slice3A_41 : vector<1x3200xf32> to vector<32x3200xf32>
    %mul3A_44 = arith.mulf %mul3A_43, %slice3A_42 : vector<32x3200xf32>
    %add3A_45 = arith.addf %add3A_40, %mul3A_44 : vector<32x3200xf32>
    %slice3A_46 = vector.extract_strided_slice %transpose3A {offsets = [9, 0], sizes = [1, 3200], strides = [1, 1]} : vector<32x3200xf32> to vector<1x3200xf32>
    %slice3A_47 = vector.extract_strided_slice %convert_element_type3A {offsets = [288, 0], sizes = [32, 3200], strides = [1, 1]} : vector<1024x3200xf32> to vector<32x3200xf32>
    %mul3A_48 = vector.broadcast %slice3A_46 : vector<1x3200xf32> to vector<32x3200xf32>
    %mul3A_49 = arith.mulf %mul3A_48, %slice3A_47 : vector<32x3200xf32>
    %add3A_50 = arith.addf %add3A_45, %mul3A_49 : vector<32x3200xf32>
    %slice3A_51 = vector.extract_strided_slice %transpose3A {offsets = [10, 0], sizes = [1, 3200], strides = [1, 1]} : vector<32x3200xf32> to vector<1x3200xf32>
    %slice3A_52 = vector.extract_strided_slice %convert_element_type3A {offsets = [320, 0], sizes = [32, 3200], strides = [1, 1]} : vector<1024x3200xf32> to vector<32x3200xf32>
    %mul3A_53 = vector.broadcast %slice3A_51 : vector<1x3200xf32> to vector<32x3200xf32>
    %mul3A_54 = arith.mulf %mul3A_53, %slice3A_52 : vector<32x3200xf32>
    %add3A_55 = arith.addf %add3A_50, %mul3A_54 : vector<32x3200xf32>
    %slice3A_56 = vector.extract_strided_slice %transpose3A {offsets = [11, 0], sizes = [1, 3200], strides = [1, 1]} : vector<32x3200xf32> to vector<1x3200xf32>
    %slice3A_57 = vector.extract_strided_slice %convert_element_type3A {offsets = [352, 0], sizes = [32, 3200], strides = [1, 1]} : vector<1024x3200xf32> to vector<32x3200xf32>
    %mul3A_58 = vector.broadcast %slice3A_56 : vector<1x3200xf32> to vector<32x3200xf32>
    %mul3A_59 = arith.mulf %mul3A_58, %slice3A_57 : vector<32x3200xf32>
    %add3A_60 = arith.addf %add3A_55, %mul3A_59 : vector<32x3200xf32>
    %slice3A_61 = vector.extract_strided_slice %transpose3A {offsets = [12, 0], sizes = [1, 3200], strides = [1, 1]} : vector<32x3200xf32> to vector<1x3200xf32>
    %slice3A_62 = vector.extract_strided_slice %convert_element_type3A {offsets = [384, 0], sizes = [32, 3200], strides = [1, 1]} : vector<1024x3200xf32> to vector<32x3200xf32>
    %mul3A_63 = vector.broadcast %slice3A_61 : vector<1x3200xf32> to vector<32x3200xf32>
    %mul3A_64 = arith.mulf %mul3A_63, %slice3A_62 : vector<32x3200xf32>
    %add3A_65 = arith.addf %add3A_60, %mul3A_64 : vector<32x3200xf32>
    %slice3A_66 = vector.extract_strided_slice %transpose3A {offsets = [13, 0], sizes = [1, 3200], strides = [1, 1]} : vector<32x3200xf32> to vector<1x3200xf32>
    %slice3A_67 = vector.extract_strided_slice %convert_element_type3A {offsets = [416, 0], sizes = [32, 3200], strides = [1, 1]} : vector<1024x3200xf32> to vector<32x3200xf32>
    %mul3A_68 = vector.broadcast %slice3A_66 : vector<1x3200xf32> to vector<32x3200xf32>
    %mul3A_69 = arith.mulf %mul3A_68, %slice3A_67 : vector<32x3200xf32>
    %add3A_70 = arith.addf %add3A_65, %mul3A_69 : vector<32x3200xf32>
    %slice3A_71 = vector.extract_strided_slice %transpose3A {offsets = [14, 0], sizes = [1, 3200], strides = [1, 1]} : vector<32x3200xf32> to vector<1x3200xf32>
    %slice3A_72 = vector.extract_strided_slice %convert_element_type3A {offsets = [448, 0], sizes = [32, 3200], strides = [1, 1]} : vector<1024x3200xf32> to vector<32x3200xf32>
    %mul3A_73 = vector.broadcast %slice3A_71 : vector<1x3200xf32> to vector<32x3200xf32>
    %mul3A_74 = arith.mulf %mul3A_73, %slice3A_72 : vector<32x3200xf32>
    %add3A_75 = arith.addf %add3A_70, %mul3A_74 : vector<32x3200xf32>
    %slice3A_76 = vector.extract_strided_slice %transpose3A {offsets = [15, 0], sizes = [1, 3200], strides = [1, 1]} : vector<32x3200xf32> to vector<1x3200xf32>
    %slice3A_77 = vector.extract_strided_slice %convert_element_type3A {offsets = [480, 0], sizes = [32, 3200], strides = [1, 1]} : vector<1024x3200xf32> to vector<32x3200xf32>
    %mul3A_78 = vector.broadcast %slice3A_76 : vector<1x3200xf32> to vector<32x3200xf32>
    %mul3A_79 = arith.mulf %mul3A_78, %slice3A_77 : vector<32x3200xf32>
    %add3A_80 = arith.addf %add3A_75, %mul3A_79 : vector<32x3200xf32>
    %slice3A_81 = vector.extract_strided_slice %transpose3A {offsets = [16, 0], sizes = [1, 3200], strides = [1, 1]} : vector<32x3200xf32> to vector<1x3200xf32>
    %slice3A_82 = vector.extract_strided_slice %convert_element_type3A {offsets = [512, 0], sizes = [32, 3200], strides = [1, 1]} : vector<1024x3200xf32> to vector<32x3200xf32>
    %mul3A_83 = vector.broadcast %slice3A_81 : vector<1x3200xf32> to vector<32x3200xf32>
    %mul3A_84 = arith.mulf %mul3A_83, %slice3A_82 : vector<32x3200xf32>
    %add3A_85 = arith.addf %add3A_80, %mul3A_84 : vector<32x3200xf32>
    %slice3A_86 = vector.extract_strided_slice %transpose3A {offsets = [17, 0], sizes = [1, 3200], strides = [1, 1]} : vector<32x3200xf32> to vector<1x3200xf32>
    %slice3A_87 = vector.extract_strided_slice %convert_element_type3A {offsets = [544, 0], sizes = [32, 3200], strides = [1, 1]} : vector<1024x3200xf32> to vector<32x3200xf32>
    %mul3A_88 = vector.broadcast %slice3A_86 : vector<1x3200xf32> to vector<32x3200xf32>
    %mul3A_89 = arith.mulf %mul3A_88, %slice3A_87 : vector<32x3200xf32>
    %add3A_90 = arith.addf %add3A_85, %mul3A_89 : vector<32x3200xf32>
    %slice3A_91 = vector.extract_strided_slice %transpose3A {offsets = [18, 0], sizes = [1, 3200], strides = [1, 1]} : vector<32x3200xf32> to vector<1x3200xf32>
    %slice3A_92 = vector.extract_strided_slice %convert_element_type3A {offsets = [576, 0], sizes = [32, 3200], strides = [1, 1]} : vector<1024x3200xf32> to vector<32x3200xf32>
    %mul3A_93 = vector.broadcast %slice3A_91 : vector<1x3200xf32> to vector<32x3200xf32>
    %mul3A_94 = arith.mulf %mul3A_93, %slice3A_92 : vector<32x3200xf32>
    %add3A_95 = arith.addf %add3A_90, %mul3A_94 : vector<32x3200xf32>
    %slice3A_96 = vector.extract_strided_slice %transpose3A {offsets = [19, 0], sizes = [1, 3200], strides = [1, 1]} : vector<32x3200xf32> to vector<1x3200xf32>
    %slice3A_97 = vector.extract_strided_slice %convert_element_type3A {offsets = [608, 0], sizes = [32, 3200], strides = [1, 1]} : vector<1024x3200xf32> to vector<32x3200xf32>
    %mul3A_98 = vector.broadcast %slice3A_96 : vector<1x3200xf32> to vector<32x3200xf32>
    %mul3A_99 = arith.mulf %mul3A_98, %slice3A_97 : vector<32x3200xf32>
    %add3A_100 = arith.addf %add3A_95, %mul3A_99 : vector<32x3200xf32>
    %slice3A_101 = vector.extract_strided_slice %transpose3A {offsets = [20, 0], sizes = [1, 3200], strides = [1, 1]} : vector<32x3200xf32> to vector<1x3200xf32>
    %slice3A_102 = vector.extract_strided_slice %convert_element_type3A {offsets = [640, 0], sizes = [32, 3200], strides = [1, 1]} : vector<1024x3200xf32> to vector<32x3200xf32>
    %mul3A_103 = vector.broadcast %slice3A_101 : vector<1x3200xf32> to vector<32x3200xf32>
    %mul3A_104 = arith.mulf %mul3A_103, %slice3A_102 : vector<32x3200xf32>
    %add3A_105 = arith.addf %add3A_100, %mul3A_104 : vector<32x3200xf32>
    %slice3A_106 = vector.extract_strided_slice %transpose3A {offsets = [21, 0], sizes = [1, 3200], strides = [1, 1]} : vector<32x3200xf32> to vector<1x3200xf32>
    %slice3A_107 = vector.extract_strided_slice %convert_element_type3A {offsets = [672, 0], sizes = [32, 3200], strides = [1, 1]} : vector<1024x3200xf32> to vector<32x3200xf32>
    %mul3A_108 = vector.broadcast %slice3A_106 : vector<1x3200xf32> to vector<32x3200xf32>
    %mul3A_109 = arith.mulf %mul3A_108, %slice3A_107 : vector<32x3200xf32>
    %add3A_110 = arith.addf %add3A_105, %mul3A_109 : vector<32x3200xf32>
    %slice3A_111 = vector.extract_strided_slice %transpose3A {offsets = [22, 0], sizes = [1, 3200], strides = [1, 1]} : vector<32x3200xf32> to vector<1x3200xf32>
    %slice3A_112 = vector.extract_strided_slice %convert_element_type3A {offsets = [704, 0], sizes = [32, 3200], strides = [1, 1]} : vector<1024x3200xf32> to vector<32x3200xf32>
    %mul3A_113 = vector.broadcast %slice3A_111 : vector<1x3200xf32> to vector<32x3200xf32>
    %mul3A_114 = arith.mulf %mul3A_113, %slice3A_112 : vector<32x3200xf32>
    %add3A_115 = arith.addf %add3A_110, %mul3A_114 : vector<32x3200xf32>
    %slice3A_116 = vector.extract_strided_slice %transpose3A {offsets = [23, 0], sizes = [1, 3200], strides = [1, 1]} : vector<32x3200xf32> to vector<1x3200xf32>
    %slice3A_117 = vector.extract_strided_slice %convert_element_type3A {offsets = [736, 0], sizes = [32, 3200], strides = [1, 1]} : vector<1024x3200xf32> to vector<32x3200xf32>
    %mul3A_118 = vector.broadcast %slice3A_116 : vector<1x3200xf32> to vector<32x3200xf32>
    %mul3A_119 = arith.mulf %mul3A_118, %slice3A_117 : vector<32x3200xf32>
    %add3A_120 = arith.addf %add3A_115, %mul3A_119 : vector<32x3200xf32>
    %slice3A_121 = vector.extract_strided_slice %transpose3A {offsets = [24, 0], sizes = [1, 3200], strides = [1, 1]} : vector<32x3200xf32> to vector<1x3200xf32>
    %slice3A_122 = vector.extract_strided_slice %convert_element_type3A {offsets = [768, 0], sizes = [32, 3200], strides = [1, 1]} : vector<1024x3200xf32> to vector<32x3200xf32>
    %mul3A_123 = vector.broadcast %slice3A_121 : vector<1x3200xf32> to vector<32x3200xf32>
    %mul3A_124 = arith.mulf %mul3A_123, %slice3A_122 : vector<32x3200xf32>
    %add3A_125 = arith.addf %add3A_120, %mul3A_124 : vector<32x3200xf32>
    %slice3A_126 = vector.extract_strided_slice %transpose3A {offsets = [25, 0], sizes = [1, 3200], strides = [1, 1]} : vector<32x3200xf32> to vector<1x3200xf32>
    %slice3A_127 = vector.extract_strided_slice %convert_element_type3A {offsets = [800, 0], sizes = [32, 3200], strides = [1, 1]} : vector<1024x3200xf32> to vector<32x3200xf32>
    %mul3A_128 = vector.broadcast %slice3A_126 : vector<1x3200xf32> to vector<32x3200xf32>
    %mul3A_129 = arith.mulf %mul3A_128, %slice3A_127 : vector<32x3200xf32>
    %add3A_130 = arith.addf %add3A_125, %mul3A_129 : vector<32x3200xf32>
    %slice3A_131 = vector.extract_strided_slice %transpose3A {offsets = [26, 0], sizes = [1, 3200], strides = [1, 1]} : vector<32x3200xf32> to vector<1x3200xf32>
    %slice3A_132 = vector.extract_strided_slice %convert_element_type3A {offsets = [832, 0], sizes = [32, 3200], strides = [1, 1]} : vector<1024x3200xf32> to vector<32x3200xf32>
    %mul3A_133 = vector.broadcast %slice3A_131 : vector<1x3200xf32> to vector<32x3200xf32>
    %mul3A_134 = arith.mulf %mul3A_133, %slice3A_132 : vector<32x3200xf32>
    %add3A_135 = arith.addf %add3A_130, %mul3A_134 : vector<32x3200xf32>
    %slice3A_136 = vector.extract_strided_slice %transpose3A {offsets = [27, 0], sizes = [1, 3200], strides = [1, 1]} : vector<32x3200xf32> to vector<1x3200xf32>
    %slice3A_137 = vector.extract_strided_slice %convert_element_type3A {offsets = [864, 0], sizes = [32, 3200], strides = [1, 1]} : vector<1024x3200xf32> to vector<32x3200xf32>
    %mul3A_138 = vector.broadcast %slice3A_136 : vector<1x3200xf32> to vector<32x3200xf32>
    %mul3A_139 = arith.mulf %mul3A_138, %slice3A_137 : vector<32x3200xf32>
    %add3A_140 = arith.addf %add3A_135, %mul3A_139 : vector<32x3200xf32>
    %slice3A_141 = vector.extract_strided_slice %transpose3A {offsets = [28, 0], sizes = [1, 3200], strides = [1, 1]} : vector<32x3200xf32> to vector<1x3200xf32>
    %slice3A_142 = vector.extract_strided_slice %convert_element_type3A {offsets = [896, 0], sizes = [32, 3200], strides = [1, 1]} : vector<1024x3200xf32> to vector<32x3200xf32>
    %mul3A_143 = vector.broadcast %slice3A_141 : vector<1x3200xf32> to vector<32x3200xf32>
    %mul3A_144 = arith.mulf %mul3A_143, %slice3A_142 : vector<32x3200xf32>
    %add3A_145 = arith.addf %add3A_140, %mul3A_144 : vector<32x3200xf32>
    %slice3A_146 = vector.extract_strided_slice %transpose3A {offsets = [29, 0], sizes = [1, 3200], strides = [1, 1]} : vector<32x3200xf32> to vector<1x3200xf32>
    %slice3A_147 = vector.extract_strided_slice %convert_element_type3A {offsets = [928, 0], sizes = [32, 3200], strides = [1, 1]} : vector<1024x3200xf32> to vector<32x3200xf32>
    %mul3A_148 = vector.broadcast %slice3A_146 : vector<1x3200xf32> to vector<32x3200xf32>
    %mul3A_149 = arith.mulf %mul3A_148, %slice3A_147 : vector<32x3200xf32>
    %add3A_150 = arith.addf %add3A_145, %mul3A_149 : vector<32x3200xf32>
    %slice3A_151 = vector.extract_strided_slice %transpose3A {offsets = [30, 0], sizes = [1, 3200], strides = [1, 1]} : vector<32x3200xf32> to vector<1x3200xf32>
    %slice3A_152 = vector.extract_strided_slice %convert_element_type3A {offsets = [960, 0], sizes = [32, 3200], strides = [1, 1]} : vector<1024x3200xf32> to vector<32x3200xf32>
    %mul3A_153 = vector.broadcast %slice3A_151 : vector<1x3200xf32> to vector<32x3200xf32>
    %mul3A_154 = arith.mulf %mul3A_153, %slice3A_152 : vector<32x3200xf32>
    %add3A_155 = arith.addf %add3A_150, %mul3A_154 : vector<32x3200xf32>
    %slice3A_156 = vector.extract_strided_slice %transpose3A {offsets = [31, 0], sizes = [1, 3200], strides = [1, 1]} : vector<32x3200xf32> to vector<1x3200xf32>
    %slice3A_157 = vector.extract_strided_slice %convert_element_type3A {offsets = [992, 0], sizes = [32, 3200], strides = [1, 1]} : vector<1024x3200xf32> to vector<32x3200xf32>
    %mul3A_158 = vector.broadcast %slice3A_156 : vector<1x3200xf32> to vector<32x3200xf32>
    %mul3A_159 = arith.mulf %mul3A_158, %slice3A_157 : vector<32x3200xf32>
    %add3A_160 = arith.addf %add3A_155, %mul3A_159 : vector<32x3200xf32>
    %transpose3A_161 = tpu.transpose %add3A_160, [1, 0] : vector<32x3200xf32> -> vector<3200x32xf32>
    %swap3A = arith.constant 0 : index
    %swap3A_162 = arith.constant 0 : index
    %swap3A_163 = vector.load %arg3[%swap3A, %swap3A_162] : memref<3200x32xf32, #tpu.memory_space<vmem>>, vector<3200x32xf32>
    tpu.vector_store %arg3[%swap3A, %swap3A_162], %transpose3A_161 {strides = array<i32>} : memref<3200x32xf32, #tpu.memory_space<vmem>>, vector<3200x32xf32>,
    return
  }
  func.func @transform_0(%arg0: i32) -> (i32, i32) {
    %c0_i32 = arith.constant 0 : i32
    %c0_i32_0 = arith.constant 0 : i32
    return %arg0, %c0_i32 : i32, i32
  }
  func.func @transform_1(%arg0: i32) -> (i32, i32) {
    %c0_i32 = arith.constant 0 : i32
    %c0_i32_0 = arith.constant 0 : i32
    return %c0_i32, %arg0 : i32, i32
  }
  func.func @transform_2(%arg0: i32) -> (i32, i32) {
    %c0_i32 = arith.constant 0 : i32
    %c0_i32_0 = arith.constant 0 : i32
    return %arg0, %c0_i32 : i32, i32
  }
}

module attributes {stable_mosaic.version = 14 : i64} {
  func.func @_update_body(%arg0: i32, %arg1: memref<2x2000x32xf32, #tpu.memory_space<vmem>>, %arg2: memref<2x2000x16xf32, #tpu.memory_space<vmem>>, %arg3: memref<2000x32xf32, #tpu.memory_space<vmem>>, %arg4: memref<32x32xf32, #tpu.memory_space<vmem>>, %arg5: memref<1x32xf32, #tpu.memory_space<vmem>>, %arg6: memref<32x96xf32, #tpu.memory_space<vmem>>, %arg7: memref<1x96xf32, #tpu.memory_space<vmem>>, %arg8: memref<32x96xf32, #tpu.memory_space<vmem>>, %arg9: memref<1x96xf32, #tpu.memory_space<vmem>>, %arg10: memref<2000x32xf32, #tpu.memory_space<vmem>>) attributes {dimension_semantics = [#tpu.dimension_semantics<arbitrary>], iteration_bounds = array<i64: 5>, scalar_prefetch = 0 : i64, scratch_operands = 0 : i64, tpu.core_type = #tpu.core_type<tc>, window_params = [{transform_indices = @transform_0, window_bounds = array<i64: 2, 2000, 32>}, {transform_indices = @transform_1, window_bounds = array<i64: 2, 2000, 16>}, {transform_indices = @transform_2, window_bounds = array<i64: 2000, 32>}, {pipeline_mode = #tpu.pipeline_mode<synchronous>, transform_indices = @transform_3, window_bounds = array<i64: 32, 32>}, {pipeline_mode = #tpu.pipeline_mode<synchronous>, transform_indices = @transform_4, window_bounds = array<i64: 1, 32>}, {pipeline_mode = #tpu.pipeline_mode<synchronous>, transform_indices = @transform_5, window_bounds = array<i64: 32, 96>}, {pipeline_mode = #tpu.pipeline_mode<synchronous>, transform_indices = @transform_6, window_bounds = array<i64: 1, 96>}, {pipeline_mode = #tpu.pipeline_mode<synchronous>, transform_indices = @transform_7, window_bounds = array<i64: 32, 96>}, {pipeline_mode = #tpu.pipeline_mode<synchronous>, transform_indices = @transform_8, window_bounds = array<i64: 1, 96>}, {transform_indices = @transform_9, window_bounds = array<i64: 2000, 32>}]} {
    %get3A = arith.constant 0 : index
    %get3A_0 = arith.constant 0 : index
    %get3A_1 = arith.constant 0 : index
    %get3A_2 = vector.load %arg1[%get3A, %get3A_0, %get3A_1] : memref<2x2000x32xf32, #tpu.memory_space<vmem>>, vector<1x2000x32xf32>
    %get3A_3 = vector.shape_cast %get3A_2 : vector<1x2000x32xf32> to vector<2000x32xf32>
    %get3A_4 = arith.constant 1 : index
    %get3A_5 = arith.constant 0 : index
    %get3A_6 = arith.constant 0 : index
    %get3A_7 = vector.load %arg1[%get3A_4, %get3A_5, %get3A_6] : memref<2x2000x32xf32, #tpu.memory_space<vmem>>, vector<1x2000x32xf32>
    %get3A_8 = vector.shape_cast %get3A_7 : vector<1x2000x32xf32> to vector<2000x32xf32>
    %add3A = arith.addf %get3A_3, %get3A_8 : vector<2000x32xf32>
    %get3A_9 = arith.constant 0 : index
    %get3A_10 = arith.constant 0 : index
    %get3A_11 = arith.constant 0 : index
    %get3A_12 = vector.load %arg2[%get3A_9, %get3A_10, %get3A_11] : memref<2x2000x16xf32, #tpu.memory_space<vmem>>, vector<1x2000x1xf32>
    %get3A_13 = vector.shape_cast %get3A_12 : vector<1x2000x1xf32> to vector<2000x1xf32>
    %get3A_14 = arith.constant 1 : index
    %get3A_15 = arith.constant 0 : index
    %get3A_16 = arith.constant 0 : index
    %get3A_17 = vector.load %arg2[%get3A_14, %get3A_15, %get3A_16] : memref<2x2000x16xf32, #tpu.memory_space<vmem>>, vector<1x2000x1xf32>
    %get3A_18 = vector.shape_cast %get3A_17 : vector<1x2000x1xf32> to vector<2000x1xf32>
    %add3A_19 = arith.addf %get3A_13, %get3A_18 : vector<2000x1xf32>
    %max3A = arith.constant 1.000000e+00 : f32
    %max3A_20 = vector.broadcast %max3A : f32 to vector<2000x1xf32>
    %max3A_21 = arith.maximumf %add3A_19, %max3A_20 : vector<2000x1xf32>
    %get3A_22 = arith.constant 0 : index
    %get3A_23 = arith.constant 0 : index
    %get3A_24 = vector.load %arg3[%get3A_22, %get3A_23] : memref<2000x32xf32, #tpu.memory_space<vmem>>, vector<2000x32xf32>
    %div3A = vector.broadcast %max3A_21 : vector<2000x1xf32> to vector<2000x32xf32>
    %div3A_25 = arith.divf %add3A, %div3A : vector<2000x32xf32>
    %get3A_26 = arith.constant 0 : index
    %get3A_27 = arith.constant 0 : index
    %get3A_28 = vector.load %arg4[%get3A_26, %get3A_27] : memref<32x32xf32, #tpu.memory_space<vmem>>, vector<32x32xf32>
    %dot_general3A = arith.constant dense<0.000000e+00> : vector<2000x32xf32>
    %dot_general3A_29 = tpu.matmul %get3A_24, %get3A_28, %dot_general3A {dimension_numbers = #tpu.dot_dimension_numbers<[1], [0], [0], [1], [0, 0, 1, 1], [], []>, precision = #tpu.contract_precision<fp32>, transpose_lhs_hint = false} : vector<2000x32xf32>, vector<32x32xf32>, vector<2000x32xf32> -> vector<2000x32xf32>
    %add3A_30 = arith.addf %div3A_25, %dot_general3A_29 : vector<2000x32xf32>
    %get3A_31 = arith.constant 0 : index
    %get3A_32 = arith.constant 0 : index
    %get3A_33 = vector.load %arg5[%get3A_31, %get3A_32] : memref<1x32xf32, #tpu.memory_space<vmem>>, vector<1x32xf32>
    %add3A_34 = vector.broadcast %get3A_33 : vector<1x32xf32> to vector<2000x32xf32>
    %add3A_35 = arith.addf %add3A_30, %add3A_34 : vector<2000x32xf32>
    %max3A_36 = arith.constant 0.000000e+00 : f32
    %max3A_37 = vector.broadcast %max3A_36 : f32 to vector<2000x32xf32>
    %max3A_38 = arith.maximumf %add3A_35, %max3A_37 : vector<2000x32xf32>
    %get3A_39 = arith.constant 0 : index
    %get3A_40 = arith.constant 0 : index
    %get3A_41 = vector.load %arg6[%get3A_39, %get3A_40] : memref<32x96xf32, #tpu.memory_space<vmem>>, vector<32x96xf32>
    %dot_general3A_42 = arith.constant dense<0.000000e+00> : vector<2000x96xf32>
    %dot_general3A_43 = tpu.matmul %max3A_38, %get3A_41, %dot_general3A_42 {dimension_numbers = #tpu.dot_dimension_numbers<[1], [0], [0], [1], [0, 0, 1, 1], [], []>, precision = #tpu.contract_precision<fp32>, transpose_lhs_hint = false} : vector<2000x32xf32>, vector<32x96xf32>, vector<2000x96xf32> -> vector<2000x96xf32>
    %get3A_44 = arith.constant 0 : index
    %get3A_45 = arith.constant 0 : index
    %get3A_46 = vector.load %arg7[%get3A_44, %get3A_45] : memref<1x96xf32, #tpu.memory_space<vmem>>, vector<1x96xf32>
    %add3A_47 = vector.broadcast %get3A_46 : vector<1x96xf32> to vector<2000x96xf32>
    %add3A_48 = arith.addf %dot_general3A_43, %add3A_47 : vector<2000x96xf32>
    %get3A_49 = arith.constant 0 : index
    %get3A_50 = arith.constant 0 : index
    %get3A_51 = vector.load %arg8[%get3A_49, %get3A_50] : memref<32x96xf32, #tpu.memory_space<vmem>>, vector<32x96xf32>
    %dot_general3A_52 = arith.constant dense<0.000000e+00> : vector<2000x96xf32>
    %dot_general3A_53 = tpu.matmul %get3A_24, %get3A_51, %dot_general3A_52 {dimension_numbers = #tpu.dot_dimension_numbers<[1], [0], [0], [1], [0, 0, 1, 1], [], []>, precision = #tpu.contract_precision<fp32>, transpose_lhs_hint = false} : vector<2000x32xf32>, vector<32x96xf32>, vector<2000x96xf32> -> vector<2000x96xf32>
    %get3A_54 = arith.constant 0 : index
    %get3A_55 = arith.constant 0 : index
    %get3A_56 = vector.load %arg9[%get3A_54, %get3A_55] : memref<1x96xf32, #tpu.memory_space<vmem>>, vector<1x96xf32>
    %add3A_57 = vector.broadcast %get3A_56 : vector<1x96xf32> to vector<2000x96xf32>
    %add3A_58 = arith.addf %dot_general3A_53, %add3A_57 : vector<2000x96xf32>
    %slice3A = vector.extract_strided_slice %add3A_48 {offsets = [0, 0], sizes = [2000, 32], strides = [1, 1]} : vector<2000x96xf32> to vector<2000x32xf32>
    %slice3A_59 = vector.extract_strided_slice %add3A_58 {offsets = [0, 0], sizes = [2000, 32], strides = [1, 1]} : vector<2000x96xf32> to vector<2000x32xf32>
    %add3A_60 = arith.addf %slice3A, %slice3A_59 : vector<2000x32xf32>
    %logistic3A = arith.negf %add3A_60 : vector<2000x32xf32>
    %logistic3A_61 = math.exp %logistic3A : vector<2000x32xf32>
    %logistic3A_62 = arith.constant 1.000000e+00 : f32
    %logistic3A_63 = vector.broadcast %logistic3A_62 : f32 to vector<2000x32xf32>
    %logistic3A_64 = arith.addf %logistic3A_63, %logistic3A_61 : vector<2000x32xf32>
    %logistic3A_65 = arith.divf %logistic3A_63, %logistic3A_64 : vector<2000x32xf32>
    %slice3A_66 = vector.extract_strided_slice %add3A_48 {offsets = [0, 32], sizes = [2000, 32], strides = [1, 1]} : vector<2000x96xf32> to vector<2000x32xf32>
    %slice3A_67 = vector.extract_strided_slice %add3A_58 {offsets = [0, 32], sizes = [2000, 32], strides = [1, 1]} : vector<2000x96xf32> to vector<2000x32xf32>
    %add3A_68 = arith.addf %slice3A_66, %slice3A_67 : vector<2000x32xf32>
    %logistic3A_69 = arith.negf %add3A_68 : vector<2000x32xf32>
    %logistic3A_70 = math.exp %logistic3A_69 : vector<2000x32xf32>
    %logistic3A_71 = arith.constant 1.000000e+00 : f32
    %logistic3A_72 = vector.broadcast %logistic3A_71 : f32 to vector<2000x32xf32>
    %logistic3A_73 = arith.addf %logistic3A_72, %logistic3A_70 : vector<2000x32xf32>
    %logistic3A_74 = arith.divf %logistic3A_72, %logistic3A_73 : vector<2000x32xf32>
    %slice3A_75 = vector.extract_strided_slice %add3A_48 {offsets = [0, 64], sizes = [2000, 32], strides = [1, 1]} : vector<2000x96xf32> to vector<2000x32xf32>
    %slice3A_76 = vector.extract_strided_slice %add3A_58 {offsets = [0, 64], sizes = [2000, 32], strides = [1, 1]} : vector<2000x96xf32> to vector<2000x32xf32>
    %mul3A = arith.mulf %logistic3A_65, %slice3A_76 : vector<2000x32xf32>
    %add3A_77 = arith.addf %slice3A_75, %mul3A : vector<2000x32xf32>
    %tanh3A = math.tanh %add3A_77 : vector<2000x32xf32>
    %sub3A = arith.constant 1.000000e+00 : f32
    %sub3A_78 = vector.broadcast %sub3A : f32 to vector<2000x32xf32>
    %sub3A_79 = arith.subf %sub3A_78, %logistic3A_74 : vector<2000x32xf32>
    %mul3A_80 = arith.mulf %sub3A_79, %tanh3A : vector<2000x32xf32>
    %mul3A_81 = arith.mulf %logistic3A_74, %get3A_24 : vector<2000x32xf32>
    %add3A_82 = arith.addf %mul3A_80, %mul3A_81 : vector<2000x32xf32>
    %swap3A = arith.constant 0 : index
    %swap3A_83 = arith.constant 0 : index
    %swap3A_84 = vector.load %arg10[%swap3A, %swap3A_83] : memref<2000x32xf32, #tpu.memory_space<vmem>>, vector<2000x32xf32>
    tpu.vector_store %arg10[%swap3A, %swap3A_83], %add3A_82 {strides = array<i32>} : memref<2000x32xf32, #tpu.memory_space<vmem>>, vector<2000x32xf32>,
    return
  }
  func.func @transform_0(%arg0: i32) -> (i32, i32, i32) {
    %c0_i32 = arith.constant 0 : i32
    %c0_i32_0 = arith.constant 0 : i32
    %c0_i32_1 = arith.constant 0 : i32
    return %c0_i32, %arg0, %c0_i32_0 : i32, i32, i32
  }
  func.func @transform_1(%arg0: i32) -> (i32, i32, i32) {
    %c0_i32 = arith.constant 0 : i32
    %c0_i32_0 = arith.constant 0 : i32
    %c0_i32_1 = arith.constant 0 : i32
    return %c0_i32, %arg0, %c0_i32_0 : i32, i32, i32
  }
  func.func @transform_2(%arg0: i32) -> (i32, i32) {
    %c0_i32 = arith.constant 0 : i32
    %c0_i32_0 = arith.constant 0 : i32
    return %arg0, %c0_i32 : i32, i32
  }
  func.func @transform_3(%arg0: i32) -> (i32, i32) {
    %c0_i32 = arith.constant 0 : i32
    %c0_i32_0 = arith.constant 0 : i32
    %c0_i32_1 = arith.constant 0 : i32
    return %c0_i32, %c0_i32_0 : i32, i32
  }
  func.func @transform_4(%arg0: i32) -> (i32, i32) {
    %c0_i32 = arith.constant 0 : i32
    %c0_i32_0 = arith.constant 0 : i32
    %c0_i32_1 = arith.constant 0 : i32
    return %c0_i32, %c0_i32_0 : i32, i32
  }
  func.func @transform_5(%arg0: i32) -> (i32, i32) {
    %c0_i32 = arith.constant 0 : i32
    %c0_i32_0 = arith.constant 0 : i32
    %c0_i32_1 = arith.constant 0 : i32
    return %c0_i32, %c0_i32_0 : i32, i32
  }
  func.func @transform_6(%arg0: i32) -> (i32, i32) {
    %c0_i32 = arith.constant 0 : i32
    %c0_i32_0 = arith.constant 0 : i32
    %c0_i32_1 = arith.constant 0 : i32
    return %c0_i32, %c0_i32_0 : i32, i32
  }
  func.func @transform_7(%arg0: i32) -> (i32, i32) {
    %c0_i32 = arith.constant 0 : i32
    %c0_i32_0 = arith.constant 0 : i32
    %c0_i32_1 = arith.constant 0 : i32
    return %c0_i32, %c0_i32_0 : i32, i32
  }
  func.func @transform_8(%arg0: i32) -> (i32, i32) {
    %c0_i32 = arith.constant 0 : i32
    %c0_i32_0 = arith.constant 0 : i32
    %c0_i32_1 = arith.constant 0 : i32
    return %c0_i32, %c0_i32_0 : i32, i32
  }
  func.func @transform_9(%arg0: i32) -> (i32, i32) {
    %c0_i32 = arith.constant 0 : i32
    %c0_i32_0 = arith.constant 0 : i32
    return %arg0, %c0_i32 : i32, i32
  }
}

module attributes {stable_mosaic.version = 14 : i64} {
  func.func @_s2s_lstm_body(%arg0: memref<128x32xf32, #tpu.memory_space<vmem>>, %arg1: memref<128x32xf32, #tpu.memory_space<vmem>>, %arg2: memref<128x32xf32, #tpu.memory_space<vmem>>, %arg3: memref<1x128xf32, #tpu.memory_space<vmem>>, %arg4: memref<32x128xf32, #tpu.memory_space<vmem>>, %arg5: memref<32x128xf32, #tpu.memory_space<vmem>>, %arg6: memref<1x128xf32, #tpu.memory_space<vmem>>, %arg7: memref<128x32xf32, #tpu.memory_space<vmem>>, %arg8: memref<128x32xf32, #tpu.memory_space<vmem>>) attributes {dimension_semantics = [], scalar_prefetch = 0 : i64, scratch_operands = 0 : i64, tpu.core_type = #tpu.core_type<tc>} {
    %iota3A = tpu.iota {dimensions = array<i32: 0>} : vector<128x128xi32>
    %iota3A_0 = tpu.iota {dimensions = array<i32: 1>} : vector<128x128xi32>
    %eq3A = arith.cmpi eq, %iota3A, %iota3A_0 : vector<128x128xi32>
    %get3A = arith.constant 0 : index
    %get3A_1 = arith.constant 0 : index
    %get3A_2 = vector.load %arg3[%get3A, %get3A_1] : memref<1x128xf32, #tpu.memory_space<vmem>>, vector<1x128xf32>
    %jit3A = arith.constant 0.000000e+00 : f32
    %broadcast_in_dim3A = vector.shape_cast %get3A_2 : vector<1x128xf32> to vector<1x128xf32>
    %broadcast_in_dim3A_3 = vector.broadcast %broadcast_in_dim3A : vector<1x128xf32> to vector<128x128xf32>
    %broadcast_in_dim3A_4 = vector.broadcast %jit3A : f32 to vector<128x128xf32>
    %select_n3A = arith.select %eq3A, %broadcast_in_dim3A_3, %broadcast_in_dim3A_4 : vector<128x128xi1>, vector<128x128xf32>
    %reduce_sum3A = arith.constant dense<0.000000e+00> : vector<128xf32>
    %reduce_sum3A_5 = vector.multi_reduction <add>, %select_n3A, %reduce_sum3A [1] : vector<128x128xf32> to vector<128xf32>
    %broadcast_in_dim3A_6 = vector.shape_cast %reduce_sum3A_5 : vector<128xf32> to vector<128x1xf32>
    %get3A_7 = arith.constant 0 : index
    %get3A_8 = arith.constant 0 : index
    %get3A_9 = vector.load %arg2[%get3A_7, %get3A_8] : memref<128x32xf32, #tpu.memory_space<vmem>>, vector<128x32xf32>
    %add3A = arith.constant 1.000000e-16 : f32
    %add3A_10 = vector.broadcast %add3A : f32 to vector<128x1xf32>
    %add3A_11 = arith.addf %broadcast_in_dim3A_6, %add3A_10 : vector<128x1xf32>
    %div3A = vector.broadcast %add3A_11 : vector<128x1xf32> to vector<128x32xf32>
    %div3A_12 = arith.divf %get3A_9, %div3A : vector<128x32xf32>
    %get3A_13 = arith.constant 0 : index
    %get3A_14 = arith.constant 0 : index
    %get3A_15 = vector.load %arg0[%get3A_13, %get3A_14] : memref<128x32xf32, #tpu.memory_space<vmem>>, vector<128x32xf32>
    %get3A_16 = arith.constant 0 : index
    %get3A_17 = arith.constant 0 : index
    %get3A_18 = vector.load %arg4[%get3A_16, %get3A_17] : memref<32x128xf32, #tpu.memory_space<vmem>>, vector<32x128xf32>
    %dot_general3A = arith.constant dense<0.000000e+00> : vector<128x128xf32>
    %dot_general3A_19 = tpu.matmul %get3A_15, %get3A_18, %dot_general3A {dimension_numbers = #tpu.dot_dimension_numbers<[1], [0], [0], [1], [0, 0, 1, 1], [], []>, precision = #tpu.contract_precision<fp32>, transpose_lhs_hint = false} : vector<128x32xf32>, vector<32x128xf32>, vector<128x128xf32> -> vector<128x128xf32>
    %get3A_20 = arith.constant 0 : index
    %get3A_21 = arith.constant 0 : index
    %get3A_22 = vector.load %arg5[%get3A_20, %get3A_21] : memref<32x128xf32, #tpu.memory_space<vmem>>, vector<32x128xf32>
    %dot_general3A_23 = arith.constant dense<0.000000e+00> : vector<128x128xf32>
    %dot_general3A_24 = tpu.matmul %div3A_12, %get3A_22, %dot_general3A_23 {dimension_numbers = #tpu.dot_dimension_numbers<[1], [0], [0], [1], [0, 0, 1, 1], [], []>, precision = #tpu.contract_precision<fp32>, transpose_lhs_hint = false} : vector<128x32xf32>, vector<32x128xf32>, vector<128x128xf32> -> vector<128x128xf32>
    %add3A_25 = arith.addf %dot_general3A_19, %dot_general3A_24 : vector<128x128xf32>
    %get3A_26 = arith.constant 0 : index
    %get3A_27 = arith.constant 0 : index
    %get3A_28 = vector.load %arg6[%get3A_26, %get3A_27] : memref<1x128xf32, #tpu.memory_space<vmem>>, vector<1x128xf32>
    %add3A_29 = vector.broadcast %get3A_28 : vector<1x128xf32> to vector<128x128xf32>
    %add3A_30 = arith.addf %add3A_25, %add3A_29 : vector<128x128xf32>
    %slice3A = vector.extract_strided_slice %add3A_30 {offsets = [0, 0], sizes = [128, 32], strides = [1, 1]} : vector<128x128xf32> to vector<128x32xf32>
    %logistic3A = arith.negf %slice3A : vector<128x32xf32>
    %logistic3A_31 = math.exp %logistic3A : vector<128x32xf32>
    %logistic3A_32 = arith.constant 1.000000e+00 : f32
    %logistic3A_33 = vector.broadcast %logistic3A_32 : f32 to vector<128x32xf32>
    %logistic3A_34 = arith.addf %logistic3A_33, %logistic3A_31 : vector<128x32xf32>
    %logistic3A_35 = arith.divf %logistic3A_33, %logistic3A_34 : vector<128x32xf32>
    %slice3A_36 = vector.extract_strided_slice %add3A_30 {offsets = [0, 32], sizes = [128, 32], strides = [1, 1]} : vector<128x128xf32> to vector<128x32xf32>
    %logistic3A_37 = arith.negf %slice3A_36 : vector<128x32xf32>
    %logistic3A_38 = math.exp %logistic3A_37 : vector<128x32xf32>
    %logistic3A_39 = arith.constant 1.000000e+00 : f32
    %logistic3A_40 = vector.broadcast %logistic3A_39 : f32 to vector<128x32xf32>
    %logistic3A_41 = arith.addf %logistic3A_40, %logistic3A_38 : vector<128x32xf32>
    %logistic3A_42 = arith.divf %logistic3A_40, %logistic3A_41 : vector<128x32xf32>
    %slice3A_43 = vector.extract_strided_slice %add3A_30 {offsets = [0, 64], sizes = [128, 32], strides = [1, 1]} : vector<128x128xf32> to vector<128x32xf32>
    %tanh3A = math.tanh %slice3A_43 : vector<128x32xf32>
    %slice3A_44 = vector.extract_strided_slice %add3A_30 {offsets = [0, 96], sizes = [128, 32], strides = [1, 1]} : vector<128x128xf32> to vector<128x32xf32>
    %logistic3A_45 = arith.negf %slice3A_44 : vector<128x32xf32>
    %logistic3A_46 = math.exp %logistic3A_45 : vector<128x32xf32>
    %logistic3A_47 = arith.constant 1.000000e+00 : f32
    %logistic3A_48 = vector.broadcast %logistic3A_47 : f32 to vector<128x32xf32>
    %logistic3A_49 = arith.addf %logistic3A_48, %logistic3A_46 : vector<128x32xf32>
    %logistic3A_50 = arith.divf %logistic3A_48, %logistic3A_49 : vector<128x32xf32>
    %get3A_51 = arith.constant 0 : index
    %get3A_52 = arith.constant 0 : index
    %get3A_53 = vector.load %arg1[%get3A_51, %get3A_52] : memref<128x32xf32, #tpu.memory_space<vmem>>, vector<128x32xf32>
    %mul3A = arith.mulf %logistic3A_42, %get3A_53 : vector<128x32xf32>
    %mul3A_54 = arith.mulf %logistic3A_35, %tanh3A : vector<128x32xf32>
    %add3A_55 = arith.addf %mul3A, %mul3A_54 : vector<128x32xf32>
    %tanh3A_56 = math.tanh %add3A_55 : vector<128x32xf32>
    %mul3A_57 = arith.mulf %logistic3A_50, %tanh3A_56 : vector<128x32xf32>
    %swap3A = arith.constant 0 : index
    %swap3A_58 = arith.constant 0 : index
    %swap3A_59 = vector.load %arg7[%swap3A, %swap3A_58] : memref<128x32xf32, #tpu.memory_space<vmem>>, vector<128x32xf32>
    tpu.vector_store %arg7[%swap3A, %swap3A_58], %mul3A_57 {strides = array<i32>} : memref<128x32xf32, #tpu.memory_space<vmem>>, vector<128x32xf32>,
    %swap3A_60 = arith.constant 0 : index
    %swap3A_61 = arith.constant 0 : index
    %swap3A_62 = vector.load %arg8[%swap3A_60, %swap3A_61] : memref<128x32xf32, #tpu.memory_space<vmem>>, vector<128x32xf32>
    tpu.vector_store %arg8[%swap3A_60, %swap3A_61], %add3A_55 {strides = array<i32>} : memref<128x32xf32, #tpu.memory_space<vmem>>, vector<128x32xf32>,
    return
  }
}

module attributes {stable_mosaic.version = 14 : i64} {
  func.func @_s2s_pass1_body(%arg0: i32, %arg1: memref<2000x32xf32, #tpu.memory_space<vmem>>, %arg2: memref<2000x1xi32, #tpu.memory_space<vmem>>, %arg3: memref<128x32xf32, #tpu.memory_space<vmem>>, %arg4: memref<2000x1xf32, #tpu.memory_space<vmem>>, %arg5: memref<1x128xf32, #tpu.memory_space<vmem>>, %arg6: memref<1x128xf32, #tpu.memory_space<vmem>>) attributes {dimension_semantics = [#tpu.dimension_semantics<arbitrary>], iteration_bounds = array<i64: 5>, scalar_prefetch = 0 : i64, scratch_operands = 1 : i64, tpu.core_type = #tpu.core_type<tc>, window_params = [{transform_indices = @transform_0, window_bounds = array<i64: 2000, 32>}, {transform_indices = @transform_1, window_bounds = array<i64: 2000, 1>}, {pipeline_mode = #tpu.pipeline_mode<synchronous>, transform_indices = @transform_2, window_bounds = array<i64: 128, 32>}, {transform_indices = @transform_3, window_bounds = array<i64: 2000, 1>}, {pipeline_mode = #tpu.pipeline_mode<synchronous>, transform_indices = @transform_4, window_bounds = array<i64: 1, 128>}]} {
    %get3A = arith.constant 0 : index
    %get3A_0 = arith.constant 0 : index
    %get3A_1 = vector.load %arg2[%get3A, %get3A_0] : memref<2000x1xi32, #tpu.memory_space<vmem>>, vector<2000x1xi32>
    %iota3A = tpu.iota {dimensions = array<i32: 1>} : vector<2000x128xi32>
    %eq3A = vector.broadcast %get3A_1 : vector<2000x1xi32> to vector<2000x128xi32>
    %eq3A_2 = arith.cmpi eq, %eq3A, %iota3A : vector<2000x128xi32>
    %convert_element_type3A = arith.extui %eq3A_2 : vector<2000x128xi1> to vector<2000x128xi32>
    %convert_element_type3A_3 = arith.sitofp %convert_element_type3A : vector<2000x128xi32> to vector<2000x128xf32>
    %get3A_4 = arith.constant 0 : index
    %get3A_5 = arith.constant 0 : index
    %get3A_6 = vector.load %arg3[%get3A_4, %get3A_5] : memref<128x32xf32, #tpu.memory_space<vmem>>, vector<128x32xf32>
    %dot_general3A = arith.constant dense<0.000000e+00> : vector<2000x32xf32>
    %dot_general3A_7 = tpu.matmul %convert_element_type3A_3, %get3A_6, %dot_general3A {dimension_numbers = #tpu.dot_dimension_numbers<[1], [0], [0], [1], [0, 0, 1, 1], [], []>, precision = #tpu.contract_precision<fp32>, transpose_lhs_hint = false} : vector<2000x128xf32>, vector<128x32xf32>, vector<2000x32xf32> -> vector<2000x32xf32>
    %get3A_8 = arith.constant 0 : index
    %get3A_9 = arith.constant 0 : index
    %get3A_10 = vector.load %arg1[%get3A_8, %get3A_9] : memref<2000x32xf32, #tpu.memory_space<vmem>>, vector<2000x32xf32>
    %mul3A = arith.mulf %get3A_10, %dot_general3A_7 : vector<2000x32xf32>
    %reduce_sum3A = arith.constant dense<0.000000e+00> : vector<2000xf32>
    %reduce_sum3A_11 = vector.multi_reduction <add>, %mul3A, %reduce_sum3A [1] : vector<2000x32xf32> to vector<2000xf32>
    %broadcast_in_dim3A = vector.shape_cast %reduce_sum3A_11 : vector<2000xf32> to vector<2000x1xf32>
    %swap3A = arith.constant 0 : index
    %swap3A_12 = arith.constant 0 : index
    %swap3A_13 = vector.load %arg4[%swap3A, %swap3A_12] : memref<2000x1xf32, #tpu.memory_space<vmem>>, vector<2000x1xf32>
    tpu.vector_store %arg4[%swap3A, %swap3A_12], %broadcast_in_dim3A {strides = array<i32>} : memref<2000x1xf32, #tpu.memory_space<vmem>>, vector<2000x1xf32>,
    %jit3A = arith.constant -3.000000e+38 : f32
    %broadcast_in_dim3A_14 = vector.shape_cast %broadcast_in_dim3A : vector<2000x1xf32> to vector<2000x1xf32>
    %broadcast_in_dim3A_15 = vector.broadcast %broadcast_in_dim3A_14 : vector<2000x1xf32> to vector<2000x128xf32>
    %broadcast_in_dim3A_16 = vector.broadcast %jit3A : f32 to vector<2000x128xf32>
    %select_n3A = arith.select %eq3A_2, %broadcast_in_dim3A_15, %broadcast_in_dim3A_16 : vector<2000x128xi1>, vector<2000x128xf32>
    %reduce_max3A = arith.constant dense<0xFF800000> : vector<128xf32>
    %reduce_max3A_17 = vector.multi_reduction <maximumf>, %select_n3A, %reduce_max3A [0] : vector<2000x128xf32> to vector<128xf32>
    %broadcast_in_dim3A_18 = vector.shape_cast %reduce_max3A_17 : vector<128xf32> to vector<1x128xf32>
    %eq3A_19 = arith.constant 0 : i32
    %eq3A_20 = arith.cmpi eq, %arg0, %eq3A_19 : i32
    %convert_element_type3A_21 = arith.extui %eq3A_20 : i1 to i32
    %cond3A = arith.constant 0 : i32
    %cond3A_22 = arith.cmpi ne, %convert_element_type3A_21, %cond3A : i32
    scf.if %cond3A_22 {
      %broadcast_in_dim3A_34 = arith.constant -3.000000e+38 : f32
      %broadcast_in_dim3A_35 = vector.broadcast %broadcast_in_dim3A_34 : f32 to vector<1x128xf32>
      %swap3A_36 = arith.constant 0 : index
      %swap3A_37 = arith.constant 0 : index
      %swap3A_38 = vector.load %arg6[%swap3A_36, %swap3A_37] : memref<1x128xf32, #tpu.memory_space<vmem>>, vector<1x128xf32>
      tpu.vector_store %arg6[%swap3A_36, %swap3A_37], %broadcast_in_dim3A_35 {strides = array<i32>} : memref<1x128xf32, #tpu.memory_space<vmem>>, vector<1x128xf32>,
    } else {
    }
    %get3A_23 = arith.constant 0 : index
    %get3A_24 = arith.constant 0 : index
    %get3A_25 = vector.load %arg6[%get3A_23, %get3A_24] : memref<1x128xf32, #tpu.memory_space<vmem>>, vector<1x128xf32>
    %max3A = arith.maximumf %get3A_25, %broadcast_in_dim3A_18 : vector<1x128xf32>
    %swap3A_26 = arith.constant 0 : index
    %swap3A_27 = arith.constant 0 : index
    %swap3A_28 = vector.load %arg6[%swap3A_26, %swap3A_27] : memref<1x128xf32, #tpu.memory_space<vmem>>, vector<1x128xf32>
    tpu.vector_store %arg6[%swap3A_26, %swap3A_27], %max3A {strides = array<i32>} : memref<1x128xf32, #tpu.memory_space<vmem>>, vector<1x128xf32>,
    %eq3A_29 = arith.constant 4 : i32
    %eq3A_30 = arith.cmpi eq, %arg0, %eq3A_29 : i32
    %convert_element_type3A_31 = arith.extui %eq3A_30 : i1 to i32
    %cond3A_32 = arith.constant 0 : i32
    %cond3A_33 = arith.cmpi ne, %convert_element_type3A_31, %cond3A_32 : i32
    scf.if %cond3A_33 {
      %get3A_34 = arith.constant 0 : index
      %get3A_35 = arith.constant 0 : index
      %get3A_36 = vector.load %arg6[%get3A_34, %get3A_35] : memref<1x128xf32, #tpu.memory_space<vmem>>, vector<1x128xf32>
      %swap3A_37 = arith.constant 0 : index
      %swap3A_38 = arith.constant 0 : index
      %swap3A_39 = vector.load %arg5[%swap3A_37, %swap3A_38] : memref<1x128xf32, #tpu.memory_space<vmem>>, vector<1x128xf32>
      tpu.vector_store %arg5[%swap3A_37, %swap3A_38], %get3A_36 {strides = array<i32>} : memref<1x128xf32, #tpu.memory_space<vmem>>, vector<1x128xf32>,
    } else {
    }
    return
  }
  func.func @transform_0(%arg0: i32) -> (i32, i32) {
    %c0_i32 = arith.constant 0 : i32
    %c0_i32_0 = arith.constant 0 : i32
    return %arg0, %c0_i32 : i32, i32
  }
  func.func @transform_1(%arg0: i32) -> (i32, i32) {
    %c0_i32 = arith.constant 0 : i32
    %c0_i32_0 = arith.constant 0 : i32
    return %arg0, %c0_i32 : i32, i32
  }
  func.func @transform_2(%arg0: i32) -> (i32, i32) {
    %c0_i32 = arith.constant 0 : i32
    %c0_i32_0 = arith.constant 0 : i32
    %c0_i32_1 = arith.constant 0 : i32
    return %c0_i32, %c0_i32_0 : i32, i32
  }
  func.func @transform_3(%arg0: i32) -> (i32, i32) {
    %c0_i32 = arith.constant 0 : i32
    %c0_i32_0 = arith.constant 0 : i32
    return %arg0, %c0_i32 : i32, i32
  }
  func.func @transform_4(%arg0: i32) -> (i32, i32) {
    %c0_i32 = arith.constant 0 : i32
    %c0_i32_0 = arith.constant 0 : i32
    %c0_i32_1 = arith.constant 0 : i32
    return %c0_i32, %c0_i32_0 : i32, i32
  }
}

module attributes {stable_mosaic.version = 14 : i64} {
  func.func @_s2s_pass2_body(%arg0: i32, %arg1: memref<2000x32xf32, #tpu.memory_space<vmem>>, %arg2: memref<2000x1xi32, #tpu.memory_space<vmem>>, %arg3: memref<2000x1xf32, #tpu.memory_space<vmem>>, %arg4: memref<1x128xf32, #tpu.memory_space<vmem>>, %arg5: memref<1x128xf32, #tpu.memory_space<vmem>>, %arg6: memref<128x32xf32, #tpu.memory_space<vmem>>, %arg7: memref<1x128xf32, #tpu.memory_space<vmem>>, %arg8: memref<128x32xf32, #tpu.memory_space<vmem>>) attributes {dimension_semantics = [#tpu.dimension_semantics<arbitrary>], iteration_bounds = array<i64: 5>, scalar_prefetch = 0 : i64, scratch_operands = 2 : i64, tpu.core_type = #tpu.core_type<tc>, window_params = [{transform_indices = @transform_0, window_bounds = array<i64: 2000, 32>}, {transform_indices = @transform_1, window_bounds = array<i64: 2000, 1>}, {transform_indices = @transform_2, window_bounds = array<i64: 2000, 1>}, {pipeline_mode = #tpu.pipeline_mode<synchronous>, transform_indices = @transform_3, window_bounds = array<i64: 1, 128>}, {pipeline_mode = #tpu.pipeline_mode<synchronous>, transform_indices = @transform_4, window_bounds = array<i64: 1, 128>}, {pipeline_mode = #tpu.pipeline_mode<synchronous>, transform_indices = @transform_5, window_bounds = array<i64: 128, 32>}]} {
    %get3A = arith.constant 0 : index
    %get3A_0 = arith.constant 0 : index
    %get3A_1 = vector.load %arg2[%get3A, %get3A_0] : memref<2000x1xi32, #tpu.memory_space<vmem>>, vector<2000x1xi32>
    %iota3A = tpu.iota {dimensions = array<i32: 1>} : vector<2000x128xi32>
    %eq3A = vector.broadcast %get3A_1 : vector<2000x1xi32> to vector<2000x128xi32>
    %eq3A_2 = arith.cmpi eq, %eq3A, %iota3A : vector<2000x128xi32>
    %get3A_3 = arith.constant 0 : index
    %get3A_4 = arith.constant 0 : index
    %get3A_5 = vector.load %arg4[%get3A_3, %get3A_4] : memref<1x128xf32, #tpu.memory_space<vmem>>, vector<1x128xf32>
    %jit3A = arith.constant 0.000000e+00 : f32
    %broadcast_in_dim3A = vector.shape_cast %get3A_5 : vector<1x128xf32> to vector<1x128xf32>
    %broadcast_in_dim3A_6 = vector.broadcast %broadcast_in_dim3A : vector<1x128xf32> to vector<2000x128xf32>
    %broadcast_in_dim3A_7 = vector.broadcast %jit3A : f32 to vector<2000x128xf32>
    %select_n3A = arith.select %eq3A_2, %broadcast_in_dim3A_6, %broadcast_in_dim3A_7 : vector<2000x128xi1>, vector<2000x128xf32>
    %reduce_sum3A = arith.constant dense<0.000000e+00> : vector<2000xf32>
    %reduce_sum3A_8 = vector.multi_reduction <add>, %select_n3A, %reduce_sum3A [1] : vector<2000x128xf32> to vector<2000xf32>
    %broadcast_in_dim3A_9 = vector.shape_cast %reduce_sum3A_8 : vector<2000xf32> to vector<2000x1xf32>
    %get3A_10 = arith.constant 0 : index
    %get3A_11 = arith.constant 0 : index
    %get3A_12 = vector.load %arg3[%get3A_10, %get3A_11] : memref<2000x1xf32, #tpu.memory_space<vmem>>, vector<2000x1xf32>
    %sub3A = arith.subf %get3A_12, %broadcast_in_dim3A_9 : vector<2000x1xf32>
    %exp3A = math.exp %sub3A : vector<2000x1xf32>
    %jit3A_13 = arith.constant 0.000000e+00 : f32
    %broadcast_in_dim3A_14 = vector.shape_cast %exp3A : vector<2000x1xf32> to vector<2000x1xf32>
    %broadcast_in_dim3A_15 = vector.broadcast %broadcast_in_dim3A_14 : vector<2000x1xf32> to vector<2000x128xf32>
    %broadcast_in_dim3A_16 = vector.broadcast %jit3A_13 : f32 to vector<2000x128xf32>
    %select_n3A_17 = arith.select %eq3A_2, %broadcast_in_dim3A_15, %broadcast_in_dim3A_16 : vector<2000x128xi1>, vector<2000x128xf32>
    %eq3A_18 = arith.constant 0 : i32
    %eq3A_19 = arith.cmpi eq, %arg0, %eq3A_18 : i32
    %convert_element_type3A = arith.extui %eq3A_19 : i1 to i32
    %cond3A = arith.constant 0 : i32
    %cond3A_20 = arith.cmpi ne, %convert_element_type3A, %cond3A : i32
    scf.if %cond3A_20 {
      %broadcast_in_dim3A_45 = arith.constant 0.000000e+00 : f32
      %broadcast_in_dim3A_46 = vector.broadcast %broadcast_in_dim3A_45 : f32 to vector<1x128xf32>
      %swap3A_47 = arith.constant 0 : index
      %swap3A_48 = arith.constant 0 : index
      %swap3A_49 = vector.load %arg7[%swap3A_47, %swap3A_48] : memref<1x128xf32, #tpu.memory_space<vmem>>, vector<1x128xf32>
      tpu.vector_store %arg7[%swap3A_47, %swap3A_48], %broadcast_in_dim3A_46 {strides = array<i32>} : memref<1x128xf32, #tpu.memory_space<vmem>>, vector<1x128xf32>,
      %broadcast_in_dim3A_50 = arith.constant 0.000000e+00 : f32
      %broadcast_in_dim3A_51 = vector.broadcast %broadcast_in_dim3A_50 : f32 to vector<128x32xf32>
      %swap3A_52 = arith.constant 0 : index
      %swap3A_53 = arith.constant 0 : index
      %swap3A_54 = vector.load %arg8[%swap3A_52, %swap3A_53] : memref<128x32xf32, #tpu.memory_space<vmem>>, vector<128x32xf32>
      tpu.vector_store %arg8[%swap3A_52, %swap3A_53], %broadcast_in_dim3A_51 {strides = array<i32>} : memref<128x32xf32, #tpu.memory_space<vmem>>, vector<128x32xf32>,
    } else {
    }
    %get3A_21 = arith.constant 0 : index
    %get3A_22 = arith.constant 0 : index
    %get3A_23 = vector.load %arg7[%get3A_21, %get3A_22] : memref<1x128xf32, #tpu.memory_space<vmem>>, vector<1x128xf32>
    %reduce_sum3A_24 = arith.constant dense<0.000000e+00> : vector<128xf32>
    %reduce_sum3A_25 = vector.multi_reduction <add>, %select_n3A_17, %reduce_sum3A_24 [0] : vector<2000x128xf32> to vector<128xf32>
    %broadcast_in_dim3A_26 = vector.shape_cast %reduce_sum3A_25 : vector<128xf32> to vector<1x128xf32>
    %add3A = arith.addf %get3A_23, %broadcast_in_dim3A_26 : vector<1x128xf32>
    %swap3A = arith.constant 0 : index
    %swap3A_27 = arith.constant 0 : index
    %swap3A_28 = vector.load %arg7[%swap3A, %swap3A_27] : memref<1x128xf32, #tpu.memory_space<vmem>>, vector<1x128xf32>
    tpu.vector_store %arg7[%swap3A, %swap3A_27], %add3A {strides = array<i32>} : memref<1x128xf32, #tpu.memory_space<vmem>>, vector<1x128xf32>,
    %get3A_29 = arith.constant 0 : index
    %get3A_30 = arith.constant 0 : index
    %get3A_31 = vector.load %arg8[%get3A_29, %get3A_30] : memref<128x32xf32, #tpu.memory_space<vmem>>, vector<128x32xf32>
    %get3A_32 = arith.constant 0 : index
    %get3A_33 = arith.constant 0 : index
    %get3A_34 = vector.load %arg1[%get3A_32, %get3A_33] : memref<2000x32xf32, #tpu.memory_space<vmem>>, vector<2000x32xf32>
    %dot_general3A = arith.constant dense<0.000000e+00> : vector<128x32xf32>
    %dot_general3A_35 = tpu.matmul %select_n3A_17, %get3A_34, %dot_general3A {dimension_numbers = #tpu.dot_dimension_numbers<[0], [0], [1], [1], [0, 1, 1, 1], [], []>, precision = #tpu.contract_precision<fp32>, transpose_lhs_hint = false} : vector<2000x128xf32>, vector<2000x32xf32>, vector<128x32xf32> -> vector<128x32xf32>
    %add3A_36 = arith.addf %get3A_31, %dot_general3A_35 : vector<128x32xf32>
    %swap3A_37 = arith.constant 0 : index
    %swap3A_38 = arith.constant 0 : index
    %swap3A_39 = vector.load %arg8[%swap3A_37, %swap3A_38] : memref<128x32xf32, #tpu.memory_space<vmem>>, vector<128x32xf32>
    tpu.vector_store %arg8[%swap3A_37, %swap3A_38], %add3A_36 {strides = array<i32>} : memref<128x32xf32, #tpu.memory_space<vmem>>, vector<128x32xf32>,
    %eq3A_40 = arith.constant 4 : i32
    %eq3A_41 = arith.cmpi eq, %arg0, %eq3A_40 : i32
    %convert_element_type3A_42 = arith.extui %eq3A_41 : i1 to i32
    %cond3A_43 = arith.constant 0 : i32
    %cond3A_44 = arith.cmpi ne, %convert_element_type3A_42, %cond3A_43 : i32
    scf.if %cond3A_44 {
      %get3A_45 = arith.constant 0 : index
      %get3A_46 = arith.constant 0 : index
      %get3A_47 = vector.load %arg7[%get3A_45, %get3A_46] : memref<1x128xf32, #tpu.memory_space<vmem>>, vector<1x128xf32>
      %swap3A_48 = arith.constant 0 : index
      %swap3A_49 = arith.constant 0 : index
      %swap3A_50 = vector.load %arg5[%swap3A_48, %swap3A_49] : memref<1x128xf32, #tpu.memory_space<vmem>>, vector<1x128xf32>
      tpu.vector_store %arg5[%swap3A_48, %swap3A_49], %get3A_47 {strides = array<i32>} : memref<1x128xf32, #tpu.memory_space<vmem>>, vector<1x128xf32>,
      %get3A_51 = arith.constant 0 : index
      %get3A_52 = arith.constant 0 : index
      %get3A_53 = vector.load %arg8[%get3A_51, %get3A_52] : memref<128x32xf32, #tpu.memory_space<vmem>>, vector<128x32xf32>
      %swap3A_54 = arith.constant 0 : index
      %swap3A_55 = arith.constant 0 : index
      %swap3A_56 = vector.load %arg6[%swap3A_54, %swap3A_55] : memref<128x32xf32, #tpu.memory_space<vmem>>, vector<128x32xf32>
      tpu.vector_store %arg6[%swap3A_54, %swap3A_55], %get3A_53 {strides = array<i32>} : memref<128x32xf32, #tpu.memory_space<vmem>>, vector<128x32xf32>,
    } else {
    }
    return
  }
  func.func @transform_0(%arg0: i32) -> (i32, i32) {
    %c0_i32 = arith.constant 0 : i32
    %c0_i32_0 = arith.constant 0 : i32
    return %arg0, %c0_i32 : i32, i32
  }
  func.func @transform_1(%arg0: i32) -> (i32, i32) {
    %c0_i32 = arith.constant 0 : i32
    %c0_i32_0 = arith.constant 0 : i32
    return %arg0, %c0_i32 : i32, i32
  }
  func.func @transform_2(%arg0: i32) -> (i32, i32) {
    %c0_i32 = arith.constant 0 : i32
    %c0_i32_0 = arith.constant 0 : i32
    return %arg0, %c0_i32 : i32, i32
  }
  func.func @transform_3(%arg0: i32) -> (i32, i32) {
    %c0_i32 = arith.constant 0 : i32
    %c0_i32_0 = arith.constant 0 : i32
    %c0_i32_1 = arith.constant 0 : i32
    return %c0_i32, %c0_i32_0 : i32, i32
  }
  func.func @transform_4(%arg0: i32) -> (i32, i32) {
    %c0_i32 = arith.constant 0 : i32
    %c0_i32_0 = arith.constant 0 : i32
    %c0_i32_1 = arith.constant 0 : i32
    return %c0_i32, %c0_i32_0 : i32, i32
  }
  func.func @transform_5(%arg0: i32) -> (i32, i32) {
    %c0_i32 = arith.constant 0 : i32
    %c0_i32_0 = arith.constant 0 : i32
    %c0_i32_1 = arith.constant 0 : i32
    return %c0_i32, %c0_i32_0 : i32, i32
  }
}

module attributes {stable_mosaic.version = 14 : i64} {
  func.func @_s2s_lstm_body(%arg0: memref<128x32xf32, #tpu.memory_space<vmem>>, %arg1: memref<128x32xf32, #tpu.memory_space<vmem>>, %arg2: memref<128x32xf32, #tpu.memory_space<vmem>>, %arg3: memref<1x128xf32, #tpu.memory_space<vmem>>, %arg4: memref<32x128xf32, #tpu.memory_space<vmem>>, %arg5: memref<32x128xf32, #tpu.memory_space<vmem>>, %arg6: memref<1x128xf32, #tpu.memory_space<vmem>>, %arg7: memref<128x32xf32, #tpu.memory_space<vmem>>, %arg8: memref<128x32xf32, #tpu.memory_space<vmem>>) attributes {dimension_semantics = [], scalar_prefetch = 0 : i64, scratch_operands = 0 : i64, tpu.core_type = #tpu.core_type<tc>} {
    %iota3A = tpu.iota {dimensions = array<i32: 0>} : vector<128x128xi32>
    %iota3A_0 = tpu.iota {dimensions = array<i32: 1>} : vector<128x128xi32>
    %eq3A = arith.cmpi eq, %iota3A, %iota3A_0 : vector<128x128xi32>
    %get3A = arith.constant 0 : index
    %get3A_1 = arith.constant 0 : index
    %get3A_2 = vector.load %arg3[%get3A, %get3A_1] : memref<1x128xf32, #tpu.memory_space<vmem>>, vector<1x128xf32>
    %jit3A = arith.constant 0.000000e+00 : f32
    %broadcast_in_dim3A = vector.shape_cast %get3A_2 : vector<1x128xf32> to vector<1x128xf32>
    %broadcast_in_dim3A_3 = vector.broadcast %broadcast_in_dim3A : vector<1x128xf32> to vector<128x128xf32>
    %broadcast_in_dim3A_4 = vector.broadcast %jit3A : f32 to vector<128x128xf32>
    %select_n3A = arith.select %eq3A, %broadcast_in_dim3A_3, %broadcast_in_dim3A_4 : vector<128x128xi1>, vector<128x128xf32>
    %reduce_sum3A = arith.constant dense<0.000000e+00> : vector<128xf32>
    %reduce_sum3A_5 = vector.multi_reduction <add>, %select_n3A, %reduce_sum3A [1] : vector<128x128xf32> to vector<128xf32>
    %broadcast_in_dim3A_6 = vector.shape_cast %reduce_sum3A_5 : vector<128xf32> to vector<128x1xf32>
    %get3A_7 = arith.constant 0 : index
    %get3A_8 = arith.constant 0 : index
    %get3A_9 = vector.load %arg2[%get3A_7, %get3A_8] : memref<128x32xf32, #tpu.memory_space<vmem>>, vector<128x32xf32>
    %add3A = arith.constant 1.000000e-16 : f32
    %add3A_10 = vector.broadcast %add3A : f32 to vector<128x1xf32>
    %add3A_11 = arith.addf %broadcast_in_dim3A_6, %add3A_10 : vector<128x1xf32>
    %div3A = vector.broadcast %add3A_11 : vector<128x1xf32> to vector<128x32xf32>
    %div3A_12 = arith.divf %get3A_9, %div3A : vector<128x32xf32>
    %get3A_13 = arith.constant 0 : index
    %get3A_14 = arith.constant 0 : index
    %get3A_15 = vector.load %arg0[%get3A_13, %get3A_14] : memref<128x32xf32, #tpu.memory_space<vmem>>, vector<128x32xf32>
    %get3A_16 = arith.constant 0 : index
    %get3A_17 = arith.constant 0 : index
    %get3A_18 = vector.load %arg4[%get3A_16, %get3A_17] : memref<32x128xf32, #tpu.memory_space<vmem>>, vector<32x128xf32>
    %dot_general3A = arith.constant dense<0.000000e+00> : vector<128x128xf32>
    %dot_general3A_19 = tpu.matmul %get3A_15, %get3A_18, %dot_general3A {dimension_numbers = #tpu.dot_dimension_numbers<[1], [0], [0], [1], [0, 0, 1, 1], [], []>, precision = #tpu.contract_precision<fp32>, transpose_lhs_hint = false} : vector<128x32xf32>, vector<32x128xf32>, vector<128x128xf32> -> vector<128x128xf32>
    %get3A_20 = arith.constant 0 : index
    %get3A_21 = arith.constant 0 : index
    %get3A_22 = vector.load %arg5[%get3A_20, %get3A_21] : memref<32x128xf32, #tpu.memory_space<vmem>>, vector<32x128xf32>
    %dot_general3A_23 = arith.constant dense<0.000000e+00> : vector<128x128xf32>
    %dot_general3A_24 = tpu.matmul %div3A_12, %get3A_22, %dot_general3A_23 {dimension_numbers = #tpu.dot_dimension_numbers<[1], [0], [0], [1], [0, 0, 1, 1], [], []>, precision = #tpu.contract_precision<fp32>, transpose_lhs_hint = false} : vector<128x32xf32>, vector<32x128xf32>, vector<128x128xf32> -> vector<128x128xf32>
    %add3A_25 = arith.addf %dot_general3A_19, %dot_general3A_24 : vector<128x128xf32>
    %get3A_26 = arith.constant 0 : index
    %get3A_27 = arith.constant 0 : index
    %get3A_28 = vector.load %arg6[%get3A_26, %get3A_27] : memref<1x128xf32, #tpu.memory_space<vmem>>, vector<1x128xf32>
    %add3A_29 = vector.broadcast %get3A_28 : vector<1x128xf32> to vector<128x128xf32>
    %add3A_30 = arith.addf %add3A_25, %add3A_29 : vector<128x128xf32>
    %slice3A = vector.extract_strided_slice %add3A_30 {offsets = [0, 0], sizes = [128, 32], strides = [1, 1]} : vector<128x128xf32> to vector<128x32xf32>
    %logistic3A = arith.negf %slice3A : vector<128x32xf32>
    %logistic3A_31 = math.exp %logistic3A : vector<128x32xf32>
    %logistic3A_32 = arith.constant 1.000000e+00 : f32
    %logistic3A_33 = vector.broadcast %logistic3A_32 : f32 to vector<128x32xf32>
    %logistic3A_34 = arith.addf %logistic3A_33, %logistic3A_31 : vector<128x32xf32>
    %logistic3A_35 = arith.divf %logistic3A_33, %logistic3A_34 : vector<128x32xf32>
    %slice3A_36 = vector.extract_strided_slice %add3A_30 {offsets = [0, 32], sizes = [128, 32], strides = [1, 1]} : vector<128x128xf32> to vector<128x32xf32>
    %logistic3A_37 = arith.negf %slice3A_36 : vector<128x32xf32>
    %logistic3A_38 = math.exp %logistic3A_37 : vector<128x32xf32>
    %logistic3A_39 = arith.constant 1.000000e+00 : f32
    %logistic3A_40 = vector.broadcast %logistic3A_39 : f32 to vector<128x32xf32>
    %logistic3A_41 = arith.addf %logistic3A_40, %logistic3A_38 : vector<128x32xf32>
    %logistic3A_42 = arith.divf %logistic3A_40, %logistic3A_41 : vector<128x32xf32>
    %slice3A_43 = vector.extract_strided_slice %add3A_30 {offsets = [0, 64], sizes = [128, 32], strides = [1, 1]} : vector<128x128xf32> to vector<128x32xf32>
    %tanh3A = math.tanh %slice3A_43 : vector<128x32xf32>
    %slice3A_44 = vector.extract_strided_slice %add3A_30 {offsets = [0, 96], sizes = [128, 32], strides = [1, 1]} : vector<128x128xf32> to vector<128x32xf32>
    %logistic3A_45 = arith.negf %slice3A_44 : vector<128x32xf32>
    %logistic3A_46 = math.exp %logistic3A_45 : vector<128x32xf32>
    %logistic3A_47 = arith.constant 1.000000e+00 : f32
    %logistic3A_48 = vector.broadcast %logistic3A_47 : f32 to vector<128x32xf32>
    %logistic3A_49 = arith.addf %logistic3A_48, %logistic3A_46 : vector<128x32xf32>
    %logistic3A_50 = arith.divf %logistic3A_48, %logistic3A_49 : vector<128x32xf32>
    %get3A_51 = arith.constant 0 : index
    %get3A_52 = arith.constant 0 : index
    %get3A_53 = vector.load %arg1[%get3A_51, %get3A_52] : memref<128x32xf32, #tpu.memory_space<vmem>>, vector<128x32xf32>
    %mul3A = arith.mulf %logistic3A_42, %get3A_53 : vector<128x32xf32>
    %mul3A_54 = arith.mulf %logistic3A_35, %tanh3A : vector<128x32xf32>
    %add3A_55 = arith.addf %mul3A, %mul3A_54 : vector<128x32xf32>
    %tanh3A_56 = math.tanh %add3A_55 : vector<128x32xf32>
    %mul3A_57 = arith.mulf %logistic3A_50, %tanh3A_56 : vector<128x32xf32>
    %swap3A = arith.constant 0 : index
    %swap3A_58 = arith.constant 0 : index
    %swap3A_59 = vector.load %arg7[%swap3A, %swap3A_58] : memref<128x32xf32, #tpu.memory_space<vmem>>, vector<128x32xf32>
    tpu.vector_store %arg7[%swap3A, %swap3A_58], %mul3A_57 {strides = array<i32>} : memref<128x32xf32, #tpu.memory_space<vmem>>, vector<128x32xf32>,
    %swap3A_60 = arith.constant 0 : index
    %swap3A_61 = arith.constant 0 : index
    %swap3A_62 = vector.load %arg8[%swap3A_60, %swap3A_61] : memref<128x32xf32, #tpu.memory_space<vmem>>, vector<128x32xf32>
    tpu.vector_store %arg8[%swap3A_60, %swap3A_61], %add3A_55 {strides = array<i32>} : memref<128x32xf32, #tpu.memory_space<vmem>>, vector<128x32xf32>,
    return
  }
}

module attributes {stable_mosaic.version = 14 : i64} {
  func.func @_s2s_final_body(%arg0: memref<128x32xf32, #tpu.memory_space<vmem>>, %arg1: memref<128x32xf32, #tpu.memory_space<vmem>>, %arg2: memref<1x128xf32, #tpu.memory_space<vmem>>, %arg3: memref<32x32xf32, #tpu.memory_space<vmem>>, %arg4: memref<32x32xf32, #tpu.memory_space<vmem>>, %arg5: memref<1x32xf32, #tpu.memory_space<vmem>>, %arg6: memref<1x32xf32, #tpu.memory_space<vmem>>, %arg7: memref<1x1xf32, #tpu.memory_space<vmem>>, %arg8: memref<128x1xf32, #tpu.memory_space<vmem>>) attributes {dimension_semantics = [], scalar_prefetch = 0 : i64, scratch_operands = 0 : i64, tpu.core_type = #tpu.core_type<tc>} {
    %iota3A = tpu.iota {dimensions = array<i32: 0>} : vector<128x128xi32>
    %iota3A_0 = tpu.iota {dimensions = array<i32: 1>} : vector<128x128xi32>
    %eq3A = arith.cmpi eq, %iota3A, %iota3A_0 : vector<128x128xi32>
    %get3A = arith.constant 0 : index
    %get3A_1 = arith.constant 0 : index
    %get3A_2 = vector.load %arg2[%get3A, %get3A_1] : memref<1x128xf32, #tpu.memory_space<vmem>>, vector<1x128xf32>
    %jit3A = arith.constant 0.000000e+00 : f32
    %broadcast_in_dim3A = vector.shape_cast %get3A_2 : vector<1x128xf32> to vector<1x128xf32>
    %broadcast_in_dim3A_3 = vector.broadcast %broadcast_in_dim3A : vector<1x128xf32> to vector<128x128xf32>
    %broadcast_in_dim3A_4 = vector.broadcast %jit3A : f32 to vector<128x128xf32>
    %select_n3A = arith.select %eq3A, %broadcast_in_dim3A_3, %broadcast_in_dim3A_4 : vector<128x128xi1>, vector<128x128xf32>
    %reduce_sum3A = arith.constant dense<0.000000e+00> : vector<128xf32>
    %reduce_sum3A_5 = vector.multi_reduction <add>, %select_n3A, %reduce_sum3A [1] : vector<128x128xf32> to vector<128xf32>
    %broadcast_in_dim3A_6 = vector.shape_cast %reduce_sum3A_5 : vector<128xf32> to vector<128x1xf32>
    %get3A_7 = arith.constant 0 : index
    %get3A_8 = arith.constant 0 : index
    %get3A_9 = vector.load %arg1[%get3A_7, %get3A_8] : memref<128x32xf32, #tpu.memory_space<vmem>>, vector<128x32xf32>
    %add3A = arith.constant 1.000000e-16 : f32
    %add3A_10 = vector.broadcast %add3A : f32 to vector<128x1xf32>
    %add3A_11 = arith.addf %broadcast_in_dim3A_6, %add3A_10 : vector<128x1xf32>
    %div3A = vector.broadcast %add3A_11 : vector<128x1xf32> to vector<128x32xf32>
    %div3A_12 = arith.divf %get3A_9, %div3A : vector<128x32xf32>
    %get3A_13 = arith.constant 0 : index
    %get3A_14 = arith.constant 0 : index
    %get3A_15 = vector.load %arg0[%get3A_13, %get3A_14] : memref<128x32xf32, #tpu.memory_space<vmem>>, vector<128x32xf32>
    %get3A_16 = arith.constant 0 : index
    %get3A_17 = arith.constant 0 : index
    %get3A_18 = vector.load %arg3[%get3A_16, %get3A_17] : memref<32x32xf32, #tpu.memory_space<vmem>>, vector<32x32xf32>
    %dot_general3A = arith.constant dense<0.000000e+00> : vector<128x32xf32>
    %dot_general3A_19 = tpu.matmul %get3A_15, %get3A_18, %dot_general3A {dimension_numbers = #tpu.dot_dimension_numbers<[1], [0], [0], [1], [0, 0, 1, 1], [], []>, precision = #tpu.contract_precision<fp32>, transpose_lhs_hint = false} : vector<128x32xf32>, vector<32x32xf32>, vector<128x32xf32> -> vector<128x32xf32>
    %get3A_20 = arith.constant 0 : index
    %get3A_21 = arith.constant 0 : index
    %get3A_22 = vector.load %arg4[%get3A_20, %get3A_21] : memref<32x32xf32, #tpu.memory_space<vmem>>, vector<32x32xf32>
    %dot_general3A_23 = arith.constant dense<0.000000e+00> : vector<128x32xf32>
    %dot_general3A_24 = tpu.matmul %div3A_12, %get3A_22, %dot_general3A_23 {dimension_numbers = #tpu.dot_dimension_numbers<[1], [0], [0], [1], [0, 0, 1, 1], [], []>, precision = #tpu.contract_precision<fp32>, transpose_lhs_hint = false} : vector<128x32xf32>, vector<32x32xf32>, vector<128x32xf32> -> vector<128x32xf32>
    %add3A_25 = arith.addf %dot_general3A_19, %dot_general3A_24 : vector<128x32xf32>
    %get3A_26 = arith.constant 0 : index
    %get3A_27 = arith.constant 0 : index
    %get3A_28 = vector.load %arg5[%get3A_26, %get3A_27] : memref<1x32xf32, #tpu.memory_space<vmem>>, vector<1x32xf32>
    %add3A_29 = vector.broadcast %get3A_28 : vector<1x32xf32> to vector<128x32xf32>
    %add3A_30 = arith.addf %add3A_25, %add3A_29 : vector<128x32xf32>
    %max3A = arith.constant 0.000000e+00 : f32
    %max3A_31 = vector.broadcast %max3A : f32 to vector<128x32xf32>
    %max3A_32 = arith.maximumf %add3A_30, %max3A_31 : vector<128x32xf32>
    %get3A_33 = arith.constant 0 : index
    %get3A_34 = arith.constant 0 : index
    %get3A_35 = vector.load %arg6[%get3A_33, %get3A_34] : memref<1x32xf32, #tpu.memory_space<vmem>>, vector<1x32xf32>
    %mul3A = vector.broadcast %get3A_35 : vector<1x32xf32> to vector<128x32xf32>
    %mul3A_36 = arith.mulf %max3A_32, %mul3A : vector<128x32xf32>
    %reduce_sum3A_37 = arith.constant dense<0.000000e+00> : vector<128xf32>
    %reduce_sum3A_38 = vector.multi_reduction <add>, %mul3A_36, %reduce_sum3A_37 [1] : vector<128x32xf32> to vector<128xf32>
    %broadcast_in_dim3A_39 = vector.shape_cast %reduce_sum3A_38 : vector<128xf32> to vector<128x1xf32>
    %get3A_40 = arith.constant 0 : index
    %get3A_41 = arith.constant 0 : index
    %get3A_42 = vector.load %arg7[%get3A_40, %get3A_41] : memref<1x1xf32, #tpu.memory_space<vmem>>, vector<1x1xf32>
    %add3A_43 = vector.broadcast %get3A_42 : vector<1x1xf32> to vector<128x1xf32>
    %add3A_44 = arith.addf %broadcast_in_dim3A_39, %add3A_43 : vector<128x1xf32>
    %swap3A = arith.constant 0 : index
    %swap3A_45 = arith.constant 0 : index
    %swap3A_46 = vector.load %arg8[%swap3A, %swap3A_45] : memref<128x1xf32, #tpu.memory_space<vmem>>, vector<128x1xf32>
    tpu.vector_store %arg8[%swap3A, %swap3A_45], %add3A_44 {strides = array<i32>} : memref<128x1xf32, #tpu.memory_space<vmem>>, vector<128x1xf32>,
    return
  }
}

</mosaic_0001>

<sc_bundles>
// kernel: kernel.28.cloned.1.call-start
scs
__scs_entry_jumppad:
0x0: {  	(pc) =	sbr.rel $0x88, $3  }
0x1: {  	(tag) =	ssettag $0x0;
	lr =	simm.s32 $0x1  }
0x2: {  	[smem:$0x3F89] =	sst lr;
	_ =	strace $0xD0000000  }
0x3: {  	_ = 	snop  }
0x4: {  	_ = 	snop  }
0x5: {  	_ = 	snop  }
0x6: {  	_ = 	snop  }
0x7: {  	_ = 	snop  }
__scs_overlays_trampoline_lowered:
0x8: {  	[smem:$0x3F98] =	sst s0  }
0x9: {  	[smem:$0x3F99] =	sst s1  }
0xa: {  	[smem:$0x3F9A] =	sst s2  }
0xb: {  	[smem:$0x3F9B] =	sst s3  }
0xc: {  	[smem:$0x3F9C] =	sst s4  }
0xd: {  	[smem:$0x3F9D] =	sst s5  }
0xe: {  	[smem:$0x3F9E] =	sst s6  }
0xf: {  	[smem:$0x3F9F] =	sst s7  }
0x10: {  	[smem:$0x3FA0] =	sst s8  }
0x11: {  	[smem:$0x3FA1] =	sst s9;
	s0 =	simm.s32 @!p0 $0x0  }
0x12: {  	s1 =	sld [smem:$0x3F87];
	s0 =	simm.s32 @p0 $0x1  }
0x13: {  	[smem:$0x3FA2] =	sst s0;
	s0 =	simm.s32 @!p1 $0x0  }
0x14: {  	s2 =	sld [smem:$0x3F86];
	s0 =	simm.s32 @p1 $0x1  }
0x15: {  	[smem:$0x3FA3] =	sst s0;
	s0 =	simm.s32 @!p2 $0x0  }
0x16: {  	s3 =	sld [smem:$0x3FDB];
	s0 =	simm.s32 @p2 $0x1  }
0x17: {  	s4 =	simm.s32 $0x1BF5;
	[smem:$0x3FA5] =	sst s0  }
0x18: {  	s0 =	sld [smem:$0x3F88];
	_ =	swait.ge [sflag:s4], $0x0  }
0x19: {  	s7 =	sld [smem:$0x3F89]  }
0x1a: {  	s8 =	sadd.s32 $0xFFFFE003, lr  }
0x1b: {  	s9 =	sadd.s32 $0xFFFFFEF7, lr;
	s5 =	simm.s32 $0xFFFFFFFF;
	p2 =	slt.u32 s8, $0xFFFFF086  }
0x1c: {  	p1 =	slt.u32 s9, $0xF7A;
	s5 =	simm.s32 @!p2 $0x0  }
0x1d: {  	s5 =	simm.s32 @p1 $0x1;
	p0 =	seq.s32 s7, s2  }
0x1e: {  	s7 =	smul.u32 @!p0 $0xF7A, s2;
	p2 =	seq.s32 @!p0 s5, $0x0  }
0x1f: {  	s9 =	smul.u32 $0xF7A, s1;
	s8 =	simm.s32 @!p0 $0x1BF5;
	p2 =	por !p2, p0  }
0x20: {  	[sflag:s8] =	ssyncset.s32 @!p0 $0xFFFFF086;
	s6 =	sadd.s32 @!p0 s3, s7;
	s7 =	simm.s32 @!p0 $0x108  }
0x21: {  	s3 =	sadd.s32 s3, s9;
	s6 =	sadd.s32 @!p0 $0x88, s6;
	s7 =	simm.s32 @p2 $0x1082  }
0x22: {  	[simem:s7], [sflag:s8] =	dma.local @!p0 [hbm:s6], $0xF7A  }
0x23: {  	s9 =	sor.u32 $0xD0000000, s2;
	s6 =	simm.s32 $0x108;
	_ =	swait.ge @!p0 [sflag:s8], $0x0  }
0x24: {  	s3 =	sadd.s32 $0x88, s3;
	s6 =	simm.s32 @!p1 $0x1082;
	[sflag:s4] =	ssyncset.s32 $0xFFFFF086  }
0x25: {  	[simem:s6], [sflag:s4] =	dma.local [hbm:s3], $0xF7A  }
0x26: {  	[smem:$0x3F89] =	sst s1;
	(tag) =	ssettag s2;
	_ =	strace s9  }
0x27: {  	s1 =	sld [smem:$0x3F99]  }
0x28: {  	s2 =	sld [smem:$0x3F9A]  }
0x29: {  	s4 =	sld [smem:$0x3F9C]  }
0x2a: {  	p0 =	seq.s32 s5, $0x0;
	s5 =	sld [smem:$0x3F9D]  }
0x2b: {  	s6 =	sld [smem:$0x3F9E]  }
0x2c: {  	s7 =	sld [smem:$0x3F9F]  }
0x2d: {  	s3 =	simm.s32 $0x108;
	s8 =	sld [smem:$0x3FA0]  }
0x2e: {  	s3 =	simm.s32 @!p0 $0x1082;
	s9 =	sld [smem:$0x3FA1]  }
0x2f: {  	lr =	sadd.s32 s0, s3;
	s0 =	sld [smem:$0x3F98]  }
0x30: {  	s3 =	sld [smem:$0x3F9B]  }
0x31: {  	[smem:$0x3FA4] =	sst s10  }
0x32: {  	s10 =	sld [smem:$0x3FA2];
	_ =	sdelay $0x3  }
0x33: {  	p0 =	seq.s32 s10, $0x1;
	s10 =	sld [smem:$0x3FA4];
	_ =	sdelay $0x3  }
0x34: {  	[smem:$0x3FA4] =	sst s10  }
0x35: {  	s10 =	sld [smem:$0x3FA3];
	_ =	sdelay $0x3  }
0x36: {  	p1 =	seq.s32 s10, $0x1;
	s10 =	sld [smem:$0x3FA4];
	_ =	sdelay $0x3  }
0x37: {  	[smem:$0x3FA4] =	sst s10  }
0x38: {  	s10 =	sld [smem:$0x3FA5]  }
0x39: {  	_ = 	snop;
	(pc) =	sbr.ind lr, $3  }
0x3a: {  	_ = 	snop  }
0x3b: {  	_ = 	snop  }
0x3c: {  	p2 =	seq.s32 s10, $0x1;
	s10 =	sld [smem:$0x3FA4]  }
0x3d: {  	_ =	shalt  }
0x3e: {  	_ =	shalt  }
0x3f: {  	_ =	shalt  }
0x40: {  	_ =	shalt  }
0x41: {  	_ =	shalt  }
0x42: {  	_ =	shalt  }
0x43: {  	_ =	shalt  }
0x44: {  	_ =	shalt  }
0x45: {  	_ =	shalt  }
0x46: {  	_ =	shalt  }
0x47: {  	_ =	shalt  }
0x48: {  	_ =	shalt  }
0x49: {  	_ =	shalt  }
0x4a: {  	_ =	shalt  }
0x4b: {  	_ =	shalt  }
0x4c: {  	_ =	shalt  }
0x4d: {  	_ =	shalt  }
0x4e: {  	_ =	shalt  }
0x4f: {  	_ =	shalt  }
0x50: {  	_ =	shalt  }
0x51: {  	_ =	shalt  }
0x52: {  	_ =	shalt  }
0x53: {  	_ =	shalt  }
0x54: {  	_ =	shalt  }
0x55: {  	_ =	shalt  }
0x56: {  	_ =	shalt  }
0x57: {  	_ =	shalt  }
0x58: {  	_ =	shalt  }
0x59: {  	_ =	shalt  }
0x5a: {  	_ =	shalt  }
0x5b: {  	_ =	shalt  }
0x5c: {  	_ =	shalt  }
0x5d: {  	_ =	shalt  }
0x5e: {  	_ =	shalt  }
0x5f: {  	_ =	shalt  }
0x60: {  	_ =	shalt  }
0x61: {  	_ =	shalt  }
0x62: {  	_ =	shalt  }
0x63: {  	_ =	shalt  }
0x64: {  	_ =	shalt  }
0x65: {  	_ =	shalt  }
0x66: {  	_ =	shalt  }
0x67: {  	_ =	shalt  }
0x68: {  	_ =	shalt  }
0x69: {  	_ =	shalt  }
0x6a: {  	_ =	shalt  }
0x6b: {  	_ =	shalt  }
0x6c: {  	_ =	shalt  }
0x6d: {  	_ =	shalt  }
0x6e: {  	_ =	shalt  }
0x6f: {  	_ =	shalt  }
0x70: {  	_ =	shalt  }
0x71: {  	_ =	shalt  }
0x72: {  	_ =	shalt  }
0x73: {  	_ =	shalt  }
0x74: {  	_ =	shalt  }
0x75: {  	_ =	shalt  }
0x76: {  	_ =	shalt  }
0x77: {  	_ =	shalt  }
0x78: {  	_ =	shalt  }
0x79: {  	_ =	shalt  }
0x7a: {  	_ =	shalt  }
0x7b: {  	_ =	shalt  }
0x7c: {  	_ =	shalt  }
0x7d: {  	_ =	shalt  }
0x7e: {  	_ =	shalt  }
0x7f: {  	_ =	shalt  }
0x80: {  	_ =	shalt  }
0x81: {  	_ =	shalt  }
0x82: {  	_ =	shalt  }
0x83: {  	_ =	shalt  }
0x84: {  	_ =	shalt  }
0x85: {  	_ =	shalt  }
0x86: {  	_ =	shalt  }
0x87: {  	_ =	shalt  }
.Lfunc_end0:
.L_simem_size_0:
called_computation_lowered:
.L_overlay_start_0:
0x88: {  	s2 =	sld [smem:$0x3FD9]  }
0x89: {  	s3 =	sld [smem:$0x3FFE];
	_ =	sdelay $0x1  }
0x8a: {  	s1 =	srdreg.scid  }
0x8b: {  	s0 =	sand.u32 $0x1, s1  }
0x8c: {  	s17 =	sshll.u32 s0, $0xA;
	s2 =	sadd.s32 s3, s2  }
0x8d: {  	s2 =	sadd.s32 s2, s17  }
0x8e: {  	[smem:$0x3FB0] =	sst s2  }
0x8f: {  	_ = 	snop  }
0x90: {  	(tm) =	ssettm $0x1  }
0x91: {  	s18 =	sld [smem:$0x3FFB];
	_ =	sdelay $0x3  }
0x92: {  	_ =	strace s18  }
0x93: {  	s2 =	sld [smem:$0x3FFC];
	_ =	sdelay $0x3  }
0x94: {  	_ =	strace s2  }
0x95: {  	s2 =	sld [smem:$0x3FFD];
	_ =	sdelay $0x3  }
0x96: {  	_ =	strace s2  }
0x97: {  	_ =	strace $0x8FFFFFFF  }
0x98: {  	s19 =	sld [smem:$0x3FDB];
	_ =	sdelay $0x1  }
0x99: {  	s20 =	simm.s32 $_scs_section_size  }
0x9a: {  	s4 =	simm.s32 $_size__tile_overlayer_lowered;
	s5 =	simm.s32 $_tile_overlayer_lowered  }
0x9b: {  	s6 =	simm.s32 $0x1BFF;
	s21 =	sshll.u32 s5, $0x1;
	s3 =	sadd.s32 s20, s19  }
0x9c: {  	s22 =	simm.s32 $0x0;
	s4 =	sshll.u32 s4, $0x1;
	s5 =	sadd.s32 s21, s3  }
0x9d: {  	[timem:s22], [sflag:s6] =	dma.local [hbm:s5], s4  }
0x9e: {  	_ =	swait.ge [sflag:s6], s4  }
0x9f: {  	s4 =	ssub.s32 $0x0, s4;
	[sflag:s6] =	ssyncset.done $0x0  }
0xa0: {  	[sflag:s6] =	ssyncadd.s32 s4;
	_ =	sdelay $0x1  }
0xa1: {  	s23 =	simm.s32 $0x1B8B  }
0xa2: {  	_ =	swait.ge [sflag:s23], $0x1  }
0xa3: {  	[sflag:s23] =	ssyncset.done $0x0  }
0xa4: {  	[sflag:s23] =	ssyncadd.s32 $0xFFFFFFFF  }
0xa5: {  	s4 =	sld [smem:$0x0]  }
0xa6: {  	s5 =	sand.u32 $0xFFFFFFFE, s1  }
0xa7: {  	p0 =	sne.s32 s1, s5  }
0xa8: {  	s5 =	sshll.u32 @p0 s5, $0xE  }
0xa9: {  	s5 =	sadd.s32 @p0 $0x11B8D, s5;
	s6 =	sshll.u32 @p0 s4, $0x11  }
0xaa: {  	s5 =	sor.u32 @p0 s6, s5  }
0xab: {  	[sflag:s5] =	ssyncadd.remote.s32 @p0 $0x1;
	_ =	sdelay $0x1  }
0xac: {  	s5 =	simm.s32 @p0 $0x1B8D  }
0xad: {  	_ =	swait.eq @p0 [sflag:s5], $0x1  }
0xae: {  	[sflag:s5] =	ssyncadd.s32 @p0 $0xFFFFFFFF  }
0xaf: {  	s6 =	sshll.u32 @!p0 s1, $0xE  }
0xb0: {  	s6 =	sor.u32 @!p0 $0x4000, s6;
	s5 =	simm.s32 @!p0 $0x1B8D  }
0xb1: {  	s4 =	sshll.u32 @!p0 s4, $0x11;
	s6 =	sadd.s32 @!p0 $0x11B8D, s6;
	_ =	swait.eq @!p0 [sflag:s5], $0x1  }
0xb2: {  	s4 =	sor.u32 @!p0 s4, s6;
	[sflag:s5] =	ssyncadd.s32 @!p0 $0xFFFFFFFF  }
0xb3: {  	s25 =	simm.s32 $0x1B8E;
	s24 =	sld [smem:$0x3FFE];
	[sflag:s4] =	ssyncadd.remote.s32 @!p0 $0x1  }
0xb4: {  	s26 =	simm.s32 $execute0_lowered;
	[smem:$0x3FD2] =	sst s25  }
0xb5: {  	s5 =	sshll.u32 s26, $0x1;
	_ =	strace $0x80000049;
	[dreg:$0x1] =	wrdreg $0xFFFFFFFF  }
0xb6: {  	s28 =	simm.s32 $_size_execute0_lowered;
	s3 =	sadd.s32 s3, s5;
	[dreg:$0x0] =	wrdreg $0x0  }
0xb7: {  	s5 =	sshll.u32 s28, $0x1;
	[dreg:$0x2] =	wrdreg s3  }
0xb8: {  	[dreg:$0x3] =	wrdreg s5  }
0xb9: {  	[dreg:$0x4] =	wrdreg $0xC0  }
0xba: {  	_ =	task [dreg:s22], $0x5FFFF  }
0xbb: {  	[dreg:$0x1] =	wrdreg $0xFFFFFFFF  }
0xbc: {  	[dreg:$0x0] =	wrdreg $0x60  }
0xbd: {  	[dreg:$0x2] =	wrdreg s24  }
0xbe: {  	[dreg:$0x3] =	wrdreg $0x9080  }
0xbf: {  	[dreg:$0x4] =	wrdreg $0x9  }
0xc0: {  	_ =	task.clear_ibuf [dreg:s22], $0x5FFFF;
	_ =	strace $0x90000049  }
0xc1: {  	s29 =	simm.s32 $0x9;
	_ =	strace $0x8000004B  }
0xc2: {  	_ =	swait.ge [sflag:s29], $0x1  }
0xc3: {  	[sflag:s29] =	ssyncadd.s32 $0xFFFFFFFF  }
0xc4: {  	_ =	strace $0x9000004B  }
0xc5: {  	_ =	sfence  }
0xc6: {  	s30 =	sld [smem:$0x0];
	_ =	sdelay $0x2  }
0xc7: {  	s31 =	sshll.u32 s1, $0xD;
	s1 =	sshrl.u32 s1, $0x2  }
0xc8: {  	s4 =	sand.u32 $0x4000, s31;
	s1 =	sadd.s32 s1, s30  }
0xc9: {  	s0 =	sor.u32 s4, s0;
	s1 =	sshll.u32 s1, $0x11  }
0xca: {  	s0 =	sor.u32 s1, s0  }
0xcb: {  	s0 =	sadd.s32 $0x8F2B, s0  }
0xcc: {  	[sflag:s0] =	ssyncadd.remote.s32 $0x1  }
0xcd: {  	_ =	sfence.sel $0xFFFF  }
0xce: {  	[dreg:$0x0] =	wrdreg $0xFFFFFFFF;
	(pc) =	sbr.abs _section_cstart, $3  }
0xcf: {  	[dreg:$0x1] =	wrdreg $0xFFFFFFFF  }
0xd0: {  	_ =	task.clear_ibuf [dreg:s22], $0x2FFFF;
	_ =	strace $0x9FFFFFFF  }
0xd1: {  	(tm) =	ssettm $0x7FFFFFFF  }
tec
execute0_lowered:
.L_overlay_start_1:
0x0: {  	(tag) =	ssettag $0x1  }
0x1: {  	s4 =	rddreg [dreg:$0x0]  }
0x2: {  	s1 =	rddreg [dreg:$0x1]  }
0x3: {  	s0 =	rddreg [dreg:$0x2]  }
0x4: {  	s3 =	srdreg.scid;
	s8 =	stileid.u32  }
0x5: {  	s2 =	simm.s32 $0x0;
	s15 =	simm.s32 $0x8;
	s30 =	smul.u32 $0x2710, s8  }
0x6: {  	s16 =	simm.s32 $0x0;
	s9 =	sand.u32 $0x1, s3;
	s31 =	smul.u32 $0x4E20, s8  }
0x7: {  	s25 =	sshll.u32 s8, $0x1;
	[smem:$0x7FF] =	sst s2;
	s5 =	smul.u32 $0x4E20, s9  }
0x8: {  	s10 =	sadd.s32 $0xE0000, s4;
	s11 =	sadd.s32 $0x8E00, s4;
	s14 =	smul.u32 $0x1388, s9  }
0x9: {  	s3 =	sor.u32 s9, s25;
	s7 =	ssub.s32 $0x2, s9;
	s9 =	smul.u32 $0x2710, s9  }
0xa: {  	p0 =	sne.s32 s8, $0x0;
	_ =	strace $0x8000004A;
	s6 =	smul.u32 $0x1388, s3  }
0xb: {  	s12 =	smul.u32 $0x13880, s3;
	s3 =	sadd.s32 $0x12E200, s4;
	s26 =	sshrl.u32 s7, $0x1  }
0xc: {  	s13 =	sadd.s32 s5, s4;
	s7 =	ssub.s32 s7, s26;
	s28 =	sshrl.u32 s6, $0x3  }
0xd: {  	s29 =	sshrl.u32 s12, $0x3;
	s12 =	sadd.s32 s14, s30;
	s7 =	smax.u32 s7, $0x1  }
0xe: {  	s14 =	simm.s32 $0x888;
	s5 =	sadd.s32 s11, s28;
	s6 =	sadd.s32 s10, s29  }
0xf: {  	s12 =	sadd.s32 $0x27100, s12;
	s10 =	sadd.s32 s31, s10;
	s4 =	sadd.s32 $0x5090, s5  }
0x10: {  	s5 =	sadd.s32 $0x2700, s6;
	s6 =	sadd.s32 $0x133200, s13;
	s12 =	sshrl.u32 s12, $0x3  }
0x11: {  	s8 =	sadd.s32 s9, s10;
	s10 =	sshrl.u32 @!p0 s1, $0x3;
	s13 =	simm.s32 $0x880  }
0x12: {  	s9 =	sadd.s32 s12, s11;
	s11 =	simm.s32 $0x1;
	s12 =	simm.s32 $0x80  }
.LBB2_1:
0x13: {  	s17 =	simm.s32 @!p0 $0x1C01  }
0x14: {  	[spmem:s10], [sflag:s17] =	dma.local @!p0 [hbm:s3], $0x4E20  }
0x15: {  	s17 =	simm.s32 @!p0 $0x1  }
0x16: {  	_ =	swait.ge @!p0 [sflag:s17], $0x4E20  }
0x17: {  	[sflag:s17] =	ssyncset.done @!p0 $0x0  }
0x18: {  	[sflag:s17] =	ssyncadd.s32 @!p0 $0xFFFFB1E0  }
0x19: {  	s31 =	sadd.s32 $0x0, s9;
	[bflag:$0x0] =	sbarrier.arrive $0xFFFF  }
0x1a: {  	[tilespmem:s2], [sflag:$0x1] =	stream.linear.gather [hbm4b:s31+s2], $0x80, $0x38;
	[tilespmem:$0x3018] =	vst v63  }
0x1b: {  	_ =	swait.ge [sflag:s11], $0x80  }
0x1c: {  	[sflag:s11] =	ssyncset.done $0x0  }
0x1d: {  	[sflag:s11] =	ssyncadd.s32 $0xFFFFFF80  }
0x1e: {  	[tilespmem:s12], [sflag:$0x1] =	stream.linear.gather [hbm4b:s8+s2], $0x800, $0x38;
	[tilespmem:$0x3018] =	vst v63  }
0x1f: {  	_ =	swait.ge [sflag:s11], $0x800  }
0x20: {  	[sflag:s11] =	ssyncset.done $0x0  }
0x21: {  	[sflag:s11] =	ssyncadd.s32 $0xFFFFF800  }
0x22: {  	[spmem:s1] =	stream.indirect.scatter.add.f32 [tilespmem:s12], [sflag:$0x1], $0x10, s2, s12, $0xb8;
	[tilespmem:$0x3018] =	vst v63  }
0x23: {  	s18 =	simm.s32 $0x10;
	_ =	swait.ge [sflag:s11], $0x800  }
0x24: {  	s19 =	simm.s32 $0x20;
	s17 =	sadd.s32 $0x100, s8;
	[sflag:s11] =	ssyncset.done $0x0  }
.LBB2_2:
0x25: {  	s20 =	sadd.s32 s18, s9  }
0x26: {  	[sflag:s11] =	ssyncadd.s32 $0xFFFFF800;
	s18 =	smov.u32 s19;
	s21 =	sadd.s32 $0x10, s19  }
0x27: {  	[tilespmem:s2], [sflag:$0x1] =	stream.linear.gather [hbm4b:s20+s2], $0x80, $0x38;
	[tilespmem:$0x3018] =	vst v63  }
0x28: {  	p1 =	sne.s32 s19, $0x260;
	_ =	swait.ge [sflag:s11], $0x80  }
0x29: {  	[sflag:s11] =	ssyncset.done $0x0  }
0x2a: {  	[sflag:s11] =	ssyncadd.s32 $0xFFFFFF80  }
0x2b: {  	[tilespmem:s12], [sflag:$0x1] =	stream.linear.gather [hbm4b:s17+s2], $0x800, $0x38;
	[tilespmem:$0x3018] =	vst v63  }
0x2c: {  	_ =	swait.ge [sflag:s11], $0x800  }
.Ltmp0:
0x2d: {  	[sflag:s11] =	ssyncset.done $0x0;
	(pc) =	sbr.rel @p1 .LBB2_2-.Ltmp0, $4  }
0x2e: {  	[sflag:s11] =	ssyncadd.s32 $0xFFFFF800  }
0x2f: {  	[spmem:s1] =	stream.indirect.scatter.add.f32 [tilespmem:s12], [sflag:$0x1], $0x10, s2, s12, $0xb8;
	[tilespmem:$0x3018] =	vst v63  }
0x30: {  	_ =	swait.ge [sflag:s11], $0x800  }
0x31: {  	s19 =	smov.u32 s21;
	s17 =	sadd.s32 $0x100, s17;
	[sflag:s11] =	ssyncset.done $0x0  }
0x32: {  	s18 =	sadd.s32 s18, s9;
	[sflag:s11] =	ssyncadd.s32 $0xFFFFF800  }
0x33: {  	[tilespmem:s2], [sflag:$0x1] =	stream.linear.gather [hbm4b:s18+s2], $0x80, $0x38;
	[tilespmem:$0x3018] =	vst v63  }
0x34: {  	_ =	swait.ge [sflag:s11], $0x80  }
0x35: {  	[sflag:s11] =	ssyncset.done $0x0  }
0x36: {  	[sflag:s11] =	ssyncadd.s32 $0xFFFFFF80  }
0x37: {  	[tilespmem:s12], [sflag:$0x1] =	stream.linear.gather [hbm4b:s17+s2], $0x800, $0x38;
	[tilespmem:$0x3018] =	vst v63  }
0x38: {  	_ =	swait.ge [sflag:s11], $0x800  }
0x39: {  	[sflag:s11] =	ssyncset.done $0x0  }
0x3a: {  	[sflag:s11] =	ssyncadd.s32 $0xFFFFF800  }
0x3b: {  	[spmem:s1] =	stream.indirect.scatter.add.f32 [tilespmem:s12], [sflag:$0x1], $0x10, s2, s12, $0xb8;
	[tilespmem:$0x3018] =	vst v63  }
0x3c: {  	_ =	swait.ge [sflag:s11], $0x800  }
0x3d: {  	[sflag:s11] =	ssyncset.done $0x0  }
0x3e: {  	[sflag:s11] =	ssyncadd.s32 $0xFFFFF800  }
0x3f: {  	[tilespmem:s13], [sflag:$0x1] =	stream.linear.gather [hbm4b:s4+s2], $0x8, $0x38;
	[tilespmem:$0x3018] =	vst v63  }
0x40: {  	_ =	swait.ge [sflag:s11], $0x8  }
0x41: {  	[sflag:s11] =	ssyncset.done $0x0  }
0x42: {  	[sflag:s11] =	ssyncadd.s32 $0xFFFFFFF8  }
0x43: {  	[tilespmem:s14], [sflag:$0x1] =	stream.linear.gather [hbm4b:s5+s2], $0x80, $0x38;
	[tilespmem:$0x3018] =	vst v63  }
0x44: {  	_ =	swait.ge [sflag:s11], $0x80  }
0x45: {  	[sflag:s11] =	ssyncset.done $0x0  }
0x46: {  	[sflag:s11] =	ssyncadd.s32 $0xFFFFFF80  }
0x47: {  	[spmem:s1] =	stream.indirect.scatter.add.f32 [tilespmem:s14], [sflag:$0x1], $0x10, s13, s15, $0xb8;
	[tilespmem:$0x3018] =	vst v63  }
0x48: {  	_ =	swait.ge [sflag:s11], $0x80  }
0x49: {  	[sflag:s11] =	ssyncset.done $0x0  }
0x4a: {  	s16 =	sadd.s32 $0x1, s16;
	[sflag:s11] =	ssyncadd.s32 $0xFFFFFF80  }
0x4b: {  	p1 =	sne.s32 s16, s7;
	s17 =	simm.s32 @!p0 $0x1C01;
	[bflag:$0x0] =	sbarrier.arrive $0xFFFF  }
0x4c: {  	[hbm:s6], [sflag:s17] =	dma.local @!p0 [spmem:s10], $0x4E20  }
.Ltmp1:
0x4d: {  	_ = 	snop;
	(pc) =	sbr.rel @p1 .LBB2_1-.Ltmp1, $4  }
0x4e: {  	s17 =	simm.s32 @!p0 $0x1  }
0x4f: {  	_ =	swait.ge @!p0 [sflag:s17], $0x4E20  }
0x50: {  	[sflag:s17] =	ssyncset.done @!p0 $0x0  }
0x51: {  	[sflag:s17] =	ssyncadd.s32 @!p0 $0xFFFFB1E0  }
0x52: {  	_ =	sfence.sel $0x180000  }
0x53: {  	[bflag:$0x0] =	sbarrier.arrive $0xFFFF  }
0x54: {  	_ =	strace $0x9000004A  }
0x55: {  	s0 =	sadd.s32 @!p0 $0x100000, s0;
	[bflag:$0x2] =	sbarrier.arrive $0xFFFF  }
0x56: {  	[sflag:s0] =	ssyncadd.tile.s32 @!p0 $0x1;
	_ =	shalt  }
.Lfunc_end2:
_tile_overlayer_lowered:
.L_overlay_start_2:
0x57: {  	(tag) =	ssettag $0x2  }
0x58: {  	s0 =	rddreg [dreg:$0x0];
	s2 =	stileid.u32  }
0x59: {  	s1 =	rddreg [dreg:$0x1];
	p0 =	sne.s32 s2, $0x0  }
0x5a: {  	s3 =	rddreg [dreg:$0x2];
	[bflag:$0x3] =	sbarrier.arrive $0xFFFF;
	s2 =	simm.s32 @!p0 $0x1C01  }
0x5b: {  	[timem:s3], [sflag:s2] =	dma.local @!p0 [hbm:s0], s1  }
0x5c: {  	s0 =	simm.s32 @!p0 $0x1  }
0x5d: {  	_ =	swait.ge @!p0 [sflag:s0], s1  }
0x5e: {  	s1 =	ssub.s32 @!p0 $0x0, s1;
	[sflag:s0] =	ssyncset.done @!p0 $0x0  }
0x5f: {  	[sflag:s0] =	ssyncadd.s32 @!p0 s1  }
0x60: {  	[bflag:$0x3] =	sbarrier.arrive $0xFFFF  }
0x61: {  	_ =	shalt  }

// kernel: kernel.31.cloned.1.call-start
scs
__scs_entry_jumppad:
0x0: {  	(pc) =	sbr.rel $0x88, $3  }
0x1: {  	(tag) =	ssettag $0x0;
	lr =	simm.s32 $0x1  }
0x2: {  	[smem:$0x3F89] =	sst lr;
	_ =	strace $0xD0000000  }
0x3: {  	_ = 	snop  }
0x4: {  	_ = 	snop  }
0x5: {  	_ = 	snop  }
0x6: {  	_ = 	snop  }
0x7: {  	_ = 	snop  }
__scs_overlays_trampoline_lowered:
0x8: {  	[smem:$0x3F98] =	sst s0  }
0x9: {  	[smem:$0x3F99] =	sst s1  }
0xa: {  	[smem:$0x3F9A] =	sst s2  }
0xb: {  	[smem:$0x3F9B] =	sst s3  }
0xc: {  	[smem:$0x3F9C] =	sst s4  }
0xd: {  	[smem:$0x3F9D] =	sst s5  }
0xe: {  	[smem:$0x3F9E] =	sst s6  }
0xf: {  	[smem:$0x3F9F] =	sst s7  }
0x10: {  	[smem:$0x3FA0] =	sst s8  }
0x11: {  	[smem:$0x3FA1] =	sst s9;
	s0 =	simm.s32 @!p0 $0x0  }
0x12: {  	s1 =	sld [smem:$0x3F87];
	s0 =	simm.s32 @p0 $0x1  }
0x13: {  	[smem:$0x3FA2] =	sst s0;
	s0 =	simm.s32 @!p1 $0x0  }
0x14: {  	s2 =	sld [smem:$0x3F86];
	s0 =	simm.s32 @p1 $0x1  }
0x15: {  	[smem:$0x3FA3] =	sst s0;
	s0 =	simm.s32 @!p2 $0x0  }
0x16: {  	s3 =	sld [smem:$0x3FDB];
	s0 =	simm.s32 @p2 $0x1  }
0x17: {  	s4 =	simm.s32 $0x1BF5;
	[smem:$0x3FA5] =	sst s0  }
0x18: {  	s0 =	sld [smem:$0x3F88];
	_ =	swait.ge [sflag:s4], $0x0  }
0x19: {  	s7 =	sld [smem:$0x3F89]  }
0x1a: {  	s8 =	sadd.s32 $0xFFFFE003, lr  }
0x1b: {  	s9 =	sadd.s32 $0xFFFFFEF7, lr;
	s5 =	simm.s32 $0xFFFFFFFF;
	p2 =	slt.u32 s8, $0xFFFFF086  }
0x1c: {  	p1 =	slt.u32 s9, $0xF7A;
	s5 =	simm.s32 @!p2 $0x0  }
0x1d: {  	s5 =	simm.s32 @p1 $0x1;
	p0 =	seq.s32 s7, s2  }
0x1e: {  	s7 =	smul.u32 @!p0 $0xF7A, s2;
	p2 =	seq.s32 @!p0 s5, $0x0  }
0x1f: {  	s9 =	smul.u32 $0xF7A, s1;
	s8 =	simm.s32 @!p0 $0x1BF5;
	p2 =	por !p2, p0  }
0x20: {  	[sflag:s8] =	ssyncset.s32 @!p0 $0xFFFFF086;
	s6 =	sadd.s32 @!p0 s3, s7;
	s7 =	simm.s32 @!p0 $0x108  }
0x21: {  	s3 =	sadd.s32 s3, s9;
	s6 =	sadd.s32 @!p0 $0x88, s6;
	s7 =	simm.s32 @p2 $0x1082  }
0x22: {  	[simem:s7], [sflag:s8] =	dma.local @!p0 [hbm:s6], $0xF7A  }
0x23: {  	s9 =	sor.u32 $0xD0000000, s2;
	s6 =	simm.s32 $0x108;
	_ =	swait.ge @!p0 [sflag:s8], $0x0  }
0x24: {  	s3 =	sadd.s32 $0x88, s3;
	s6 =	simm.s32 @!p1 $0x1082;
	[sflag:s4] =	ssyncset.s32 $0xFFFFF086  }
0x25: {  	[simem:s6], [sflag:s4] =	dma.local [hbm:s3], $0xF7A  }
0x26: {  	[smem:$0x3F89] =	sst s1;
	(tag) =	ssettag s2;
	_ =	strace s9  }
0x27: {  	s1 =	sld [smem:$0x3F99]  }
0x28: {  	s2 =	sld [smem:$0x3F9A]  }
0x29: {  	s4 =	sld [smem:$0x3F9C]  }
0x2a: {  	p0 =	seq.s32 s5, $0x0;
	s5 =	sld [smem:$0x3F9D]  }
0x2b: {  	s6 =	sld [smem:$0x3F9E]  }
0x2c: {  	s7 =	sld [smem:$0x3F9F]  }
0x2d: {  	s3 =	simm.s32 $0x108;
	s8 =	sld [smem:$0x3FA0]  }
0x2e: {  	s3 =	simm.s32 @!p0 $0x1082;
	s9 =	sld [smem:$0x3FA1]  }
0x2f: {  	lr =	sadd.s32 s0, s3;
	s0 =	sld [smem:$0x3F98]  }
0x30: {  	s3 =	sld [smem:$0x3F9B]  }
0x31: {  	[smem:$0x3FA4] =	sst s10  }
0x32: {  	s10 =	sld [smem:$0x3FA2];
	_ =	sdelay $0x3  }
0x33: {  	p0 =	seq.s32 s10, $0x1;
	s10 =	sld [smem:$0x3FA4];
	_ =	sdelay $0x3  }
0x34: {  	[smem:$0x3FA4] =	sst s10  }
0x35: {  	s10 =	sld [smem:$0x3FA3];
	_ =	sdelay $0x3  }
0x36: {  	p1 =	seq.s32 s10, $0x1;
	s10 =	sld [smem:$0x3FA4];
	_ =	sdelay $0x3  }
0x37: {  	[smem:$0x3FA4] =	sst s10  }
0x38: {  	s10 =	sld [smem:$0x3FA5]  }
0x39: {  	_ = 	snop;
	(pc) =	sbr.ind lr, $3  }
0x3a: {  	_ = 	snop  }
0x3b: {  	_ = 	snop  }
0x3c: {  	p2 =	seq.s32 s10, $0x1;
	s10 =	sld [smem:$0x3FA4]  }
0x3d: {  	_ =	shalt  }
0x3e: {  	_ =	shalt  }
0x3f: {  	_ =	shalt  }
0x40: {  	_ =	shalt  }
0x41: {  	_ =	shalt  }
0x42: {  	_ =	shalt  }
0x43: {  	_ =	shalt  }
0x44: {  	_ =	shalt  }
0x45: {  	_ =	shalt  }
0x46: {  	_ =	shalt  }
0x47: {  	_ =	shalt  }
0x48: {  	_ =	shalt  }
0x49: {  	_ =	shalt  }
0x4a: {  	_ =	shalt  }
0x4b: {  	_ =	shalt  }
0x4c: {  	_ =	shalt  }
0x4d: {  	_ =	shalt  }
0x4e: {  	_ =	shalt  }
0x4f: {  	_ =	shalt  }
0x50: {  	_ =	shalt  }
0x51: {  	_ =	shalt  }
0x52: {  	_ =	shalt  }
0x53: {  	_ =	shalt  }
0x54: {  	_ =	shalt  }
0x55: {  	_ =	shalt  }
0x56: {  	_ =	shalt  }
0x57: {  	_ =	shalt  }
0x58: {  	_ =	shalt  }
0x59: {  	_ =	shalt  }
0x5a: {  	_ =	shalt  }
0x5b: {  	_ =	shalt  }
0x5c: {  	_ =	shalt  }
0x5d: {  	_ =	shalt  }
0x5e: {  	_ =	shalt  }
0x5f: {  	_ =	shalt  }
0x60: {  	_ =	shalt  }
0x61: {  	_ =	shalt  }
0x62: {  	_ =	shalt  }
0x63: {  	_ =	shalt  }
0x64: {  	_ =	shalt  }
0x65: {  	_ =	shalt  }
0x66: {  	_ =	shalt  }
0x67: {  	_ =	shalt  }
0x68: {  	_ =	shalt  }
0x69: {  	_ =	shalt  }
0x6a: {  	_ =	shalt  }
0x6b: {  	_ =	shalt  }
0x6c: {  	_ =	shalt  }
0x6d: {  	_ =	shalt  }
0x6e: {  	_ =	shalt  }
0x6f: {  	_ =	shalt  }
0x70: {  	_ =	shalt  }
0x71: {  	_ =	shalt  }
0x72: {  	_ =	shalt  }
0x73: {  	_ =	shalt  }
0x74: {  	_ =	shalt  }
0x75: {  	_ =	shalt  }
0x76: {  	_ =	shalt  }
0x77: {  	_ =	shalt  }
0x78: {  	_ =	shalt  }
0x79: {  	_ =	shalt  }
0x7a: {  	_ =	shalt  }
0x7b: {  	_ =	shalt  }
0x7c: {  	_ =	shalt  }
0x7d: {  	_ =	shalt  }
0x7e: {  	_ =	shalt  }
0x7f: {  	_ =	shalt  }
0x80: {  	_ =	shalt  }
0x81: {  	_ =	shalt  }
0x82: {  	_ =	shalt  }
0x83: {  	_ =	shalt  }
0x84: {  	_ =	shalt  }
0x85: {  	_ =	shalt  }
0x86: {  	_ =	shalt  }
0x87: {  	_ =	shalt  }
.Lfunc_end0:
.L_simem_size_0:
called_computation.1_lowered:
.L_overlay_start_0:
0x88: {  	s2 =	sld [smem:$0x3FD9]  }
0x89: {  	s3 =	sld [smem:$0x3FFE];
	_ =	sdelay $0x1  }
0x8a: {  	s1 =	srdreg.scid  }
0x8b: {  	s0 =	sand.u32 $0x1, s1  }
0x8c: {  	s16 =	sshll.u32 s0, $0xA;
	s2 =	sadd.s32 s3, s2  }
0x8d: {  	s2 =	sadd.s32 s2, s16  }
0x8e: {  	[smem:$0x3FB0] =	sst s2  }
0x8f: {  	_ = 	snop  }
0x90: {  	(tm) =	ssettm $0x1  }
0x91: {  	s17 =	sld [smem:$0x3FFB];
	_ =	sdelay $0x3  }
0x92: {  	_ =	strace s17  }
0x93: {  	s2 =	sld [smem:$0x3FFC];
	_ =	sdelay $0x3  }
0x94: {  	_ =	strace s2  }
0x95: {  	s2 =	sld [smem:$0x3FFD];
	_ =	sdelay $0x3  }
0x96: {  	_ =	strace s2  }
0x97: {  	_ =	strace $0x8FFFFFFF  }
0x98: {  	s18 =	sld [smem:$0x3FDB];
	_ =	sdelay $0x1  }
0x99: {  	s19 =	simm.s32 $_scs_section_size  }
0x9a: {  	s4 =	simm.s32 $_size__tile_overlayer_lowered;
	s5 =	simm.s32 $_tile_overlayer_lowered  }
0x9b: {  	s22 =	simm.s32 $0x1BFF;
	s21 =	sshll.u32 s5, $0x1;
	s2 =	sadd.s32 s19, s18  }
0x9c: {  	s6 =	simm.s32 $0x0;
	s20 =	sshll.u32 s4, $0x1;
	s4 =	sadd.s32 s21, s2  }
0x9d: {  	[timem:s6], [sflag:s22] =	dma.local [hbm:s4], s20  }
0x9e: {  	_ =	swait.ge [sflag:s22], s20  }
0x9f: {  	s3 =	ssub.s32 $0x0, s20;
	[sflag:s22] =	ssyncset.done $0x0  }
0xa0: {  	[sflag:s22] =	ssyncadd.s32 s3;
	_ =	sdelay $0x1  }
0xa1: {  	s23 =	simm.s32 $0x1B8B  }
0xa2: {  	_ =	swait.ge [sflag:s23], $0x1  }
0xa3: {  	[sflag:s23] =	ssyncset.done $0x0  }
0xa4: {  	s25 =	simm.s32 $0x1B8E;
	s24 =	sld [smem:$0x3FFE];
	[sflag:s23] =	ssyncadd.s32 $0xFFFFFFFF  }
0xa5: {  	s26 =	simm.s32 $execute0_lowered;
	[smem:$0x3FD2] =	sst s25  }
0xa6: {  	s4 =	sshll.u32 s26, $0x1;
	_ =	strace $0x80000046;
	[dreg:$0x1] =	wrdreg $0xFFFFFFFF  }
0xa7: {  	s28 =	simm.s32 $_size_execute0_lowered;
	s2 =	sadd.s32 s2, s4;
	[dreg:$0x0] =	wrdreg $0x0  }
0xa8: {  	s4 =	sshll.u32 s28, $0x1;
	[dreg:$0x2] =	wrdreg s2  }
0xa9: {  	[dreg:$0x3] =	wrdreg s4  }
0xaa: {  	[dreg:$0x4] =	wrdreg $0xC0  }
0xab: {  	_ =	task [dreg:s6], $0x5FFFF  }
0xac: {  	[dreg:$0x1] =	wrdreg $0xFFFFFFFF  }
0xad: {  	[dreg:$0x0] =	wrdreg $0x60  }
0xae: {  	[dreg:$0x2] =	wrdreg s24  }
0xaf: {  	[dreg:$0x3] =	wrdreg $0xA  }
0xb0: {  	_ =	task.clear_ibuf [dreg:s6], $0x4FFFF;
	_ =	strace $0x90000046  }
0xb1: {  	s29 =	simm.s32 $0xA;
	_ =	strace $0x80000048  }
0xb2: {  	_ =	swait.ge [sflag:s29], $0x1  }
0xb3: {  	[sflag:s29] =	ssyncadd.s32 $0xFFFFFFFF  }
0xb4: {  	_ =	strace $0x90000048  }
0xb5: {  	_ =	sfence  }
0xb6: {  	s30 =	sld [smem:$0x0];
	_ =	sdelay $0x2  }
0xb7: {  	s31 =	sshll.u32 s1, $0xD;
	s1 =	sshrl.u32 s1, $0x2  }
0xb8: {  	s3 =	sand.u32 $0x4000, s31;
	s1 =	sadd.s32 s1, s30  }
0xb9: {  	s0 =	sor.u32 s3, s0;
	s1 =	sshll.u32 s1, $0x11  }
0xba: {  	s0 =	sor.u32 s1, s0  }
0xbb: {  	s0 =	sadd.s32 $0x8F2B, s0  }
0xbc: {  	[sflag:s0] =	ssyncadd.remote.s32 $0x1  }
0xbd: {  	_ =	sfence.sel $0xFFFF  }
0xbe: {  	[dreg:$0x0] =	wrdreg $0xFFFFFFFF;
	(pc) =	sbr.abs _section_cstart, $3  }
0xbf: {  	[dreg:$0x1] =	wrdreg $0xFFFFFFFF  }
0xc0: {  	_ =	task.clear_ibuf [dreg:s6], $0x2FFFF;
	_ =	strace $0x9FFFFFFF  }
0xc1: {  	(tm) =	ssettm $0x7FFFFFFF  }
tec
execute0_lowered:
.L_overlay_start_1:
0x0: {  	(tag) =	ssettag $0x1  }
0x1: {  	s4 =	rddreg [dreg:$0x0]  }
0x2: {  	s0 =	rddreg [dreg:$0x1];
	s3 =	srdreg.scid  }
0x3: {  	s1 =	stileid.u32;
	s2 =	simm.s32 $0x0;
	s14 =	simm.s32 $0x1088  }
0x4: {  	s15 =	simm.s32 $0x0;
	s6 =	sand.u32 $0x1, s3;
	s28 =	sshll.u32 s1, $0x1  }
0x5: {  	[smem:$0x7FF] =	sst s2;
	s3 =	sadd.s32 $0x39E00, s4;
	s10 =	smul.u32 $0x2710, s1  }
0x6: {  	s8 =	sadd.s32 $0x8E00, s4;
	s7 =	sadd.s32 $0x43C00, s4;
	s12 =	smul.u32 $0x9C40, s1  }
0x7: {  	s5 =	sor.u32 s6, s28;
	s29 =	ssub.s32 $0x2, s6;
	s11 =	smul.u32 $0x1388, s6  }
0x8: {  	_ =	strace $0x80000047;
	s5 =	smul.u32 $0x1388, s5;
	s9 =	sshrl.u32 s29, $0x1  }
0x9: {  	s13 =	smul.u32 $0x4E20, s6;
	s9 =	ssub.s32 s29, s9;
	s10 =	sadd.s32 s11, s10  }
0xa: {  	s11 =	simm.s32 $0x1;
	s5 =	sadd.s32 $0x1380, s5;
	s6 =	smax.u32 s9, $0x1  }
0xb: {  	s31 =	sshrl.u32 s10, $0x3;
	s9 =	simm.s32 $0x2;
	s30 =	sshrl.u32 s5, $0x3  }
0xc: {  	s10 =	simm.s32 $0x80;
	s5 =	sshll.u32 s5, $0x2;
	s4 =	sadd.s32 s8, s30  }
0xd: {  	s5 =	sadd.s32 s7, s5;
	s7 =	sadd.s32 s12, s7;
	s8 =	sadd.s32 s31, s8  }
0xe: {  	s12 =	simm.s32 $0x1080;
	s7 =	sadd.s32 s13, s7;
	s13 =	simm.s32 $0x8  }
.LBB2_1:
0xf: {  	s16 =	sadd.s32 $0x0, s8  }
0x10: {  	[tilespmem:s2], [sflag:$0x2] =	stream.linear.gather [hbm4b:s16+s2], $0x80, $0x38;
	[tilespmem:$0x1188] =	vst v63  }
0x11: {  	_ =	swait.ge [sflag:s9], $0x80  }
0x12: {  	[sflag:s9] =	ssyncset.done $0x0  }
0x13: {  	[sflag:s9] =	ssyncadd.s32 $0xFFFFFF80  }
0x14: {  	[tilespmem:s10], [sflag:$0x1] =	stream.indirect.gather [hbm4b:s3+s10], $0x20, s2, s10, $0xb8;
	[tilespmem:$0x1188] =	vst v63  }
0x15: {  	_ =	swait.ge [sflag:s11], $0x1000  }
0x16: {  	[sflag:s11] =	ssyncset.done $0x0  }
0x17: {  	[sflag:s11] =	ssyncadd.s32 $0xFFFFF000  }
0x18: {  	[hbm4b:s7+s2] =	stream.linear.scatter [tilespmem:s10], [sflag:$0x2], $0x1000, $0x38;
	[tilespmem:$0x1188] =	vst v63  }
0x19: {  	s17 =	simm.s32 $0x10;
	_ =	swait.ge [sflag:s9], $0x1000  }
0x1a: {  	s18 =	simm.s32 $0x20;
	s16 =	sadd.s32 $0x200, s7;
	[sflag:s9] =	ssyncset.done $0x0  }
.LBB2_2:
0x1b: {  	s19 =	sadd.s32 s17, s8  }
0x1c: {  	[sflag:s9] =	ssyncadd.s32 $0xFFFFF000;
	s17 =	smov.u32 s18;
	s20 =	sadd.s32 $0x10, s18  }
0x1d: {  	[tilespmem:s2], [sflag:$0x2] =	stream.linear.gather [hbm4b:s19+s2], $0x80, $0x38;
	[tilespmem:$0x1188] =	vst v63  }
0x1e: {  	p0 =	sne.s32 s18, $0x260;
	_ =	swait.ge [sflag:s9], $0x80  }
0x1f: {  	[sflag:s9] =	ssyncset.done $0x0  }
0x20: {  	[sflag:s9] =	ssyncadd.s32 $0xFFFFFF80  }
0x21: {  	[tilespmem:s10], [sflag:$0x1] =	stream.indirect.gather [hbm4b:s3+s10], $0x20, s2, s10, $0xb8;
	[tilespmem:$0x1188] =	vst v63  }
0x22: {  	_ =	swait.ge [sflag:s11], $0x1000  }
.Ltmp0:
0x23: {  	[sflag:s11] =	ssyncset.done $0x0;
	(pc) =	sbr.rel @p0 .LBB2_2-.Ltmp0, $4  }
0x24: {  	[sflag:s11] =	ssyncadd.s32 $0xFFFFF000  }
0x25: {  	[hbm4b:s16+s2] =	stream.linear.scatter [tilespmem:s10], [sflag:$0x2], $0x1000, $0x38;
	[tilespmem:$0x1188] =	vst v63  }
0x26: {  	_ =	swait.ge [sflag:s9], $0x1000  }
0x27: {  	s18 =	smov.u32 s20;
	s16 =	sadd.s32 $0x200, s16;
	[sflag:s9] =	ssyncset.done $0x0  }
0x28: {  	s17 =	sadd.s32 s17, s8;
	[sflag:s9] =	ssyncadd.s32 $0xFFFFF000  }
0x29: {  	[tilespmem:s2], [sflag:$0x2] =	stream.linear.gather [hbm4b:s17+s2], $0x80, $0x38;
	[tilespmem:$0x1188] =	vst v63  }
0x2a: {  	_ =	swait.ge [sflag:s9], $0x80  }
0x2b: {  	[sflag:s9] =	ssyncset.done $0x0  }
0x2c: {  	[sflag:s9] =	ssyncadd.s32 $0xFFFFFF80  }
0x2d: {  	[tilespmem:s10], [sflag:$0x1] =	stream.indirect.gather [hbm4b:s3+s10], $0x20, s2, s10, $0xb8;
	[tilespmem:$0x1188] =	vst v63  }
0x2e: {  	_ =	swait.ge [sflag:s11], $0x1000  }
0x2f: {  	[sflag:s11] =	ssyncset.done $0x0  }
0x30: {  	[sflag:s11] =	ssyncadd.s32 $0xFFFFF000  }
0x31: {  	[hbm4b:s16+s2] =	stream.linear.scatter [tilespmem:s10], [sflag:$0x2], $0x1000, $0x38;
	[tilespmem:$0x1188] =	vst v63  }
0x32: {  	_ =	swait.ge [sflag:s9], $0x1000  }
0x33: {  	[sflag:s9] =	ssyncset.done $0x0  }
0x34: {  	[sflag:s9] =	ssyncadd.s32 $0xFFFFF000  }
0x35: {  	[tilespmem:s12], [sflag:$0x2] =	stream.linear.gather [hbm4b:s4+s2], $0x8, $0x38;
	[tilespmem:$0x1188] =	vst v63  }
0x36: {  	_ =	swait.ge [sflag:s9], $0x8  }
0x37: {  	[sflag:s9] =	ssyncset.done $0x0  }
0x38: {  	[sflag:s9] =	ssyncadd.s32 $0xFFFFFFF8  }
0x39: {  	[tilespmem:s14], [sflag:$0x1] =	stream.indirect.gather [hbm4b:s3+s13], $0x20, s12, s13, $0xb8;
	[tilespmem:$0x1188] =	vst v63  }
0x3a: {  	s15 =	sadd.s32 $0x1, s15;
	_ =	swait.ge [sflag:s11], $0x100  }
0x3b: {  	p0 =	sne.s32 s15, s6;
	[sflag:s11] =	ssyncset.done $0x0  }
.Ltmp1:
0x3c: {  	[sflag:s11] =	ssyncadd.s32 $0xFFFFFF00;
	(pc) =	sbr.rel @p0 .LBB2_1-.Ltmp1, $4  }
0x3d: {  	[hbm4b:s5+s2] =	stream.linear.scatter [tilespmem:s14], [sflag:$0x2], $0x100, $0x38;
	[tilespmem:$0x1188] =	vst v63  }
0x3e: {  	_ =	swait.ge [sflag:s9], $0x100  }
0x3f: {  	[sflag:s9] =	ssyncset.done $0x0  }
0x40: {  	[sflag:s9] =	ssyncadd.s32 $0xFFFFFF00  }
0x41: {  	_ =	sfence.sel $0x180000  }
0x42: {  	[bflag:$0x0] =	sbarrier.arrive $0xFFFF  }
0x43: {  	p0 =	sne.s32 s1, $0x0;
	_ =	strace $0x90000047  }
0x44: {  	s0 =	sadd.s32 @!p0 $0x100000, s0;
	[bflag:$0x2] =	sbarrier.arrive $0xFFFF  }
0x45: {  	[sflag:s0] =	ssyncadd.tile.s32 @!p0 $0x1;
	_ =	shalt  }
.Lfunc_end2:
_tile_overlayer_lowered:
.L_overlay_start_2:
0x46: {  	(tag) =	ssettag $0x2  }
0x47: {  	s0 =	rddreg [dreg:$0x0];
	s2 =	stileid.u32  }
0x48: {  	s1 =	rddreg [dreg:$0x1];
	p0 =	sne.s32 s2, $0x0  }
0x49: {  	s3 =	rddreg [dreg:$0x2];
	[bflag:$0x3] =	sbarrier.arrive $0xFFFF;
	s2 =	simm.s32 @!p0 $0x1C02  }
0x4a: {  	[timem:s3], [sflag:s2] =	dma.local @!p0 [hbm:s0], s1  }
0x4b: {  	s0 =	simm.s32 @!p0 $0x2  }
0x4c: {  	_ =	swait.ge @!p0 [sflag:s0], s1  }
0x4d: {  	s1 =	ssub.s32 @!p0 $0x0, s1;
	[sflag:s0] =	ssyncset.done @!p0 $0x0  }
0x4e: {  	[sflag:s0] =	ssyncadd.s32 @!p0 s1  }
0x4f: {  	[bflag:$0x3] =	sbarrier.arrive $0xFFFF  }
0x50: {  	_ =	shalt  }

// kernel: kernel.34.cloned.1.call-start
scs
__scs_entry_jumppad:
0x0: {  	(pc) =	sbr.rel $0x88, $3  }
0x1: {  	(tag) =	ssettag $0x0;
	lr =	simm.s32 $0x1  }
0x2: {  	[smem:$0x3F89] =	sst lr;
	_ =	strace $0xD0000000  }
0x3: {  	_ = 	snop  }
0x4: {  	_ = 	snop  }
0x5: {  	_ = 	snop  }
0x6: {  	_ = 	snop  }
0x7: {  	_ = 	snop  }
__scs_overlays_trampoline_lowered:
0x8: {  	[smem:$0x3F98] =	sst s0  }
0x9: {  	[smem:$0x3F99] =	sst s1  }
0xa: {  	[smem:$0x3F9A] =	sst s2  }
0xb: {  	[smem:$0x3F9B] =	sst s3  }
0xc: {  	[smem:$0x3F9C] =	sst s4  }
0xd: {  	[smem:$0x3F9D] =	sst s5  }
0xe: {  	[smem:$0x3F9E] =	sst s6  }
0xf: {  	[smem:$0x3F9F] =	sst s7  }
0x10: {  	[smem:$0x3FA0] =	sst s8  }
0x11: {  	[smem:$0x3FA1] =	sst s9;
	s0 =	simm.s32 @!p0 $0x0  }
0x12: {  	s1 =	sld [smem:$0x3F87];
	s0 =	simm.s32 @p0 $0x1  }
0x13: {  	[smem:$0x3FA2] =	sst s0;
	s0 =	simm.s32 @!p1 $0x0  }
0x14: {  	s2 =	sld [smem:$0x3F86];
	s0 =	simm.s32 @p1 $0x1  }
0x15: {  	[smem:$0x3FA3] =	sst s0;
	s0 =	simm.s32 @!p2 $0x0  }
0x16: {  	s3 =	sld [smem:$0x3FDB];
	s0 =	simm.s32 @p2 $0x1  }
0x17: {  	s4 =	simm.s32 $0x1BF5;
	[smem:$0x3FA5] =	sst s0  }
0x18: {  	s0 =	sld [smem:$0x3F88];
	_ =	swait.ge [sflag:s4], $0x0  }
0x19: {  	s7 =	sld [smem:$0x3F89]  }
0x1a: {  	s8 =	sadd.s32 $0xFFFFE003, lr  }
0x1b: {  	s9 =	sadd.s32 $0xFFFFFEF7, lr;
	s5 =	simm.s32 $0xFFFFFFFF;
	p2 =	slt.u32 s8, $0xFFFFF086  }
0x1c: {  	p1 =	slt.u32 s9, $0xF7A;
	s5 =	simm.s32 @!p2 $0x0  }
0x1d: {  	s5 =	simm.s32 @p1 $0x1;
	p0 =	seq.s32 s7, s2  }
0x1e: {  	s7 =	smul.u32 @!p0 $0xF7A, s2;
	p2 =	seq.s32 @!p0 s5, $0x0  }
0x1f: {  	s9 =	smul.u32 $0xF7A, s1;
	s8 =	simm.s32 @!p0 $0x1BF5;
	p2 =	por !p2, p0  }
0x20: {  	[sflag:s8] =	ssyncset.s32 @!p0 $0xFFFFF086;
	s6 =	sadd.s32 @!p0 s3, s7;
	s7 =	simm.s32 @!p0 $0x108  }
0x21: {  	s3 =	sadd.s32 s3, s9;
	s6 =	sadd.s32 @!p0 $0x88, s6;
	s7 =	simm.s32 @p2 $0x1082  }
0x22: {  	[simem:s7], [sflag:s8] =	dma.local @!p0 [hbm:s6], $0xF7A  }
0x23: {  	s9 =	sor.u32 $0xD0000000, s2;
	s6 =	simm.s32 $0x108;
	_ =	swait.ge @!p0 [sflag:s8], $0x0  }
0x24: {  	s3 =	sadd.s32 $0x88, s3;
	s6 =	simm.s32 @!p1 $0x1082;
	[sflag:s4] =	ssyncset.s32 $0xFFFFF086  }
0x25: {  	[simem:s6], [sflag:s4] =	dma.local [hbm:s3], $0xF7A  }
0x26: {  	[smem:$0x3F89] =	sst s1;
	(tag) =	ssettag s2;
	_ =	strace s9  }
0x27: {  	s1 =	sld [smem:$0x3F99]  }
0x28: {  	s2 =	sld [smem:$0x3F9A]  }
0x29: {  	s4 =	sld [smem:$0x3F9C]  }
0x2a: {  	p0 =	seq.s32 s5, $0x0;
	s5 =	sld [smem:$0x3F9D]  }
0x2b: {  	s6 =	sld [smem:$0x3F9E]  }
0x2c: {  	s7 =	sld [smem:$0x3F9F]  }
0x2d: {  	s3 =	simm.s32 $0x108;
	s8 =	sld [smem:$0x3FA0]  }
0x2e: {  	s3 =	simm.s32 @!p0 $0x1082;
	s9 =	sld [smem:$0x3FA1]  }
0x2f: {  	lr =	sadd.s32 s0, s3;
	s0 =	sld [smem:$0x3F98]  }
0x30: {  	s3 =	sld [smem:$0x3F9B]  }
0x31: {  	[smem:$0x3FA4] =	sst s10  }
0x32: {  	s10 =	sld [smem:$0x3FA2];
	_ =	sdelay $0x3  }
0x33: {  	p0 =	seq.s32 s10, $0x1;
	s10 =	sld [smem:$0x3FA4];
	_ =	sdelay $0x3  }
0x34: {  	[smem:$0x3FA4] =	sst s10  }
0x35: {  	s10 =	sld [smem:$0x3FA3];
	_ =	sdelay $0x3  }
0x36: {  	p1 =	seq.s32 s10, $0x1;
	s10 =	sld [smem:$0x3FA4];
	_ =	sdelay $0x3  }
0x37: {  	[smem:$0x3FA4] =	sst s10  }
0x38: {  	s10 =	sld [smem:$0x3FA5]  }
0x39: {  	_ = 	snop;
	(pc) =	sbr.ind lr, $3  }
0x3a: {  	_ = 	snop  }
0x3b: {  	_ = 	snop  }
0x3c: {  	p2 =	seq.s32 s10, $0x1;
	s10 =	sld [smem:$0x3FA4]  }
0x3d: {  	_ =	shalt  }
0x3e: {  	_ =	shalt  }
0x3f: {  	_ =	shalt  }
0x40: {  	_ =	shalt  }
0x41: {  	_ =	shalt  }
0x42: {  	_ =	shalt  }
0x43: {  	_ =	shalt  }
0x44: {  	_ =	shalt  }
0x45: {  	_ =	shalt  }
0x46: {  	_ =	shalt  }
0x47: {  	_ =	shalt  }
0x48: {  	_ =	shalt  }
0x49: {  	_ =	shalt  }
0x4a: {  	_ =	shalt  }
0x4b: {  	_ =	shalt  }
0x4c: {  	_ =	shalt  }
0x4d: {  	_ =	shalt  }
0x4e: {  	_ =	shalt  }
0x4f: {  	_ =	shalt  }
0x50: {  	_ =	shalt  }
0x51: {  	_ =	shalt  }
0x52: {  	_ =	shalt  }
0x53: {  	_ =	shalt  }
0x54: {  	_ =	shalt  }
0x55: {  	_ =	shalt  }
0x56: {  	_ =	shalt  }
0x57: {  	_ =	shalt  }
0x58: {  	_ =	shalt  }
0x59: {  	_ =	shalt  }
0x5a: {  	_ =	shalt  }
0x5b: {  	_ =	shalt  }
0x5c: {  	_ =	shalt  }
0x5d: {  	_ =	shalt  }
0x5e: {  	_ =	shalt  }
0x5f: {  	_ =	shalt  }
0x60: {  	_ =	shalt  }
0x61: {  	_ =	shalt  }
0x62: {  	_ =	shalt  }
0x63: {  	_ =	shalt  }
0x64: {  	_ =	shalt  }
0x65: {  	_ =	shalt  }
0x66: {  	_ =	shalt  }
0x67: {  	_ =	shalt  }
0x68: {  	_ =	shalt  }
0x69: {  	_ =	shalt  }
0x6a: {  	_ =	shalt  }
0x6b: {  	_ =	shalt  }
0x6c: {  	_ =	shalt  }
0x6d: {  	_ =	shalt  }
0x6e: {  	_ =	shalt  }
0x6f: {  	_ =	shalt  }
0x70: {  	_ =	shalt  }
0x71: {  	_ =	shalt  }
0x72: {  	_ =	shalt  }
0x73: {  	_ =	shalt  }
0x74: {  	_ =	shalt  }
0x75: {  	_ =	shalt  }
0x76: {  	_ =	shalt  }
0x77: {  	_ =	shalt  }
0x78: {  	_ =	shalt  }
0x79: {  	_ =	shalt  }
0x7a: {  	_ =	shalt  }
0x7b: {  	_ =	shalt  }
0x7c: {  	_ =	shalt  }
0x7d: {  	_ =	shalt  }
0x7e: {  	_ =	shalt  }
0x7f: {  	_ =	shalt  }
0x80: {  	_ =	shalt  }
0x81: {  	_ =	shalt  }
0x82: {  	_ =	shalt  }
0x83: {  	_ =	shalt  }
0x84: {  	_ =	shalt  }
0x85: {  	_ =	shalt  }
0x86: {  	_ =	shalt  }
0x87: {  	_ =	shalt  }
.Lfunc_end0:
.L_simem_size_0:
called_computation.2_lowered:
.L_overlay_start_0:
0x88: {  	s2 =	sld [smem:$0x3FD9]  }
0x89: {  	s3 =	sld [smem:$0x3FFE];
	_ =	sdelay $0x1  }
0x8a: {  	s1 =	srdreg.scid  }
0x8b: {  	s0 =	sand.u32 $0x1, s1  }
0x8c: {  	s17 =	sshll.u32 s0, $0xA;
	s2 =	sadd.s32 s3, s2  }
0x8d: {  	s2 =	sadd.s32 s2, s17  }
0x8e: {  	[smem:$0x3FB0] =	sst s2  }
0x8f: {  	_ = 	snop  }
0x90: {  	(tm) =	ssettm $0x1  }
0x91: {  	s18 =	sld [smem:$0x3FFB];
	_ =	sdelay $0x3  }
0x92: {  	_ =	strace s18  }
0x93: {  	s2 =	sld [smem:$0x3FFC];
	_ =	sdelay $0x3  }
0x94: {  	_ =	strace s2  }
0x95: {  	s2 =	sld [smem:$0x3FFD];
	_ =	sdelay $0x3  }
0x96: {  	_ =	strace s2  }
0x97: {  	_ =	strace $0x8FFFFFFF  }
0x98: {  	s19 =	sld [smem:$0x3FDB];
	_ =	sdelay $0x1  }
0x99: {  	s20 =	simm.s32 $_scs_section_size  }
0x9a: {  	s4 =	simm.s32 $_size__tile_overlayer_lowered;
	s5 =	simm.s32 $_tile_overlayer_lowered  }
0x9b: {  	s6 =	simm.s32 $0x1BFF;
	s21 =	sshll.u32 s5, $0x1;
	s3 =	sadd.s32 s20, s19  }
0x9c: {  	s22 =	simm.s32 $0x0;
	s4 =	sshll.u32 s4, $0x1;
	s5 =	sadd.s32 s21, s3  }
0x9d: {  	[timem:s22], [sflag:s6] =	dma.local [hbm:s5], s4  }
0x9e: {  	_ =	swait.ge [sflag:s6], s4  }
0x9f: {  	s4 =	ssub.s32 $0x0, s4;
	[sflag:s6] =	ssyncset.done $0x0  }
0xa0: {  	[sflag:s6] =	ssyncadd.s32 s4;
	_ =	sdelay $0x1  }
0xa1: {  	s23 =	simm.s32 $0x1B8B  }
0xa2: {  	_ =	swait.ge [sflag:s23], $0x1  }
0xa3: {  	[sflag:s23] =	ssyncset.done $0x0  }
0xa4: {  	[sflag:s23] =	ssyncadd.s32 $0xFFFFFFFF  }
0xa5: {  	s4 =	sld [smem:$0x0]  }
0xa6: {  	s5 =	sand.u32 $0xFFFFFFFE, s1  }
0xa7: {  	p0 =	sne.s32 s1, s5  }
0xa8: {  	s5 =	sshll.u32 @p0 s5, $0xE  }
0xa9: {  	s5 =	sadd.s32 @p0 $0x11B8D, s5;
	s6 =	sshll.u32 @p0 s4, $0x11  }
0xaa: {  	s5 =	sor.u32 @p0 s6, s5  }
0xab: {  	[sflag:s5] =	ssyncadd.remote.s32 @p0 $0x1;
	_ =	sdelay $0x1  }
0xac: {  	s5 =	simm.s32 @p0 $0x1B8D  }
0xad: {  	_ =	swait.eq @p0 [sflag:s5], $0x1  }
0xae: {  	[sflag:s5] =	ssyncadd.s32 @p0 $0xFFFFFFFF  }
0xaf: {  	s6 =	sshll.u32 @!p0 s1, $0xE  }
0xb0: {  	s6 =	sor.u32 @!p0 $0x4000, s6;
	s5 =	simm.s32 @!p0 $0x1B8D  }
0xb1: {  	s4 =	sshll.u32 @!p0 s4, $0x11;
	s6 =	sadd.s32 @!p0 $0x11B8D, s6;
	_ =	swait.eq @!p0 [sflag:s5], $0x1  }
0xb2: {  	s4 =	sor.u32 @!p0 s4, s6;
	[sflag:s5] =	ssyncadd.s32 @!p0 $0xFFFFFFFF  }
0xb3: {  	s25 =	simm.s32 $0x1B8E;
	s24 =	sld [smem:$0x3FFE];
	[sflag:s4] =	ssyncadd.remote.s32 @!p0 $0x1  }
0xb4: {  	s26 =	simm.s32 $execute0_lowered;
	[smem:$0x3FD2] =	sst s25  }
0xb5: {  	s5 =	sshll.u32 s26, $0x1;
	_ =	strace $0x8000004C;
	[dreg:$0x1] =	wrdreg $0xFFFFFFFF  }
0xb6: {  	s28 =	simm.s32 $_size_execute0_lowered;
	s3 =	sadd.s32 s3, s5;
	[dreg:$0x0] =	wrdreg $0x0  }
0xb7: {  	s5 =	sshll.u32 s28, $0x1;
	[dreg:$0x2] =	wrdreg s3  }
0xb8: {  	[dreg:$0x3] =	wrdreg s5  }
0xb9: {  	[dreg:$0x4] =	wrdreg $0xC0  }
0xba: {  	_ =	task [dreg:s22], $0x5FFFF  }
0xbb: {  	[dreg:$0x1] =	wrdreg $0xFFFFFFFF  }
0xbc: {  	[dreg:$0x0] =	wrdreg $0x60  }
0xbd: {  	[dreg:$0x2] =	wrdreg s24  }
0xbe: {  	[dreg:$0x3] =	wrdreg $0x11880  }
0xbf: {  	[dreg:$0x4] =	wrdreg $0xA  }
0xc0: {  	_ =	task.clear_ibuf [dreg:s22], $0x5FFFF;
	_ =	strace $0x9000004C  }
0xc1: {  	s29 =	simm.s32 $0xA;
	_ =	strace $0x8000004E  }
0xc2: {  	_ =	swait.ge [sflag:s29], $0x1  }
0xc3: {  	[sflag:s29] =	ssyncadd.s32 $0xFFFFFFFF  }
0xc4: {  	_ =	strace $0x9000004E  }
0xc5: {  	_ =	sfence  }
0xc6: {  	s30 =	sld [smem:$0x0];
	_ =	sdelay $0x2  }
0xc7: {  	s31 =	sshll.u32 s1, $0xD;
	s1 =	sshrl.u32 s1, $0x2  }
0xc8: {  	s4 =	sand.u32 $0x4000, s31;
	s1 =	sadd.s32 s1, s30  }
0xc9: {  	s0 =	sor.u32 s4, s0;
	s1 =	sshll.u32 s1, $0x11  }
0xca: {  	s0 =	sor.u32 s1, s0  }
0xcb: {  	s0 =	sadd.s32 $0x8F2B, s0  }
0xcc: {  	[sflag:s0] =	ssyncadd.remote.s32 $0x1  }
0xcd: {  	_ =	sfence.sel $0xFFFF  }
0xce: {  	[dreg:$0x0] =	wrdreg $0xFFFFFFFF;
	(pc) =	sbr.abs _section_cstart, $3  }
0xcf: {  	[dreg:$0x1] =	wrdreg $0xFFFFFFFF  }
0xd0: {  	_ =	task.clear_ibuf [dreg:s22], $0x2FFFF;
	_ =	strace $0x9FFFFFFF  }
0xd1: {  	(tm) =	ssettm $0x7FFFFFFF  }
tec
execute0_lowered:
.L_overlay_start_1:
0x0: {  	(tag) =	ssettag $0x1  }
0x1: {  	s4 =	rddreg [dreg:$0x0]  }
0x2: {  	s1 =	rddreg [dreg:$0x1]  }
0x3: {  	s0 =	rddreg [dreg:$0x2]  }
0x4: {  	s3 =	srdreg.scid;
	s8 =	stileid.u32  }
0x5: {  	s2 =	simm.s32 $0x0;
	s15 =	simm.s32 $0x8;
	s30 =	smul.u32 $0x2710, s8  }
0x6: {  	s16 =	simm.s32 $0x0;
	s9 =	sand.u32 $0x1, s3;
	s31 =	smul.u32 $0x9C40, s8  }
0x7: {  	s25 =	sshll.u32 s8, $0x1;
	[smem:$0x7FF] =	sst s2;
	s5 =	smul.u32 $0x9C40, s9  }
0x8: {  	s10 =	sadd.s32 $0x39E00, s4;
	s11 =	sadd.s32 $0x8E00, s4;
	s14 =	smul.u32 $0x1388, s9  }
0x9: {  	s3 =	sor.u32 s9, s25;
	s7 =	ssub.s32 $0x2, s9;
	s9 =	smul.u32 $0x4E20, s9  }
0xa: {  	p0 =	sne.s32 s8, $0x0;
	_ =	strace $0x8000004D;
	s6 =	smul.u32 $0x1388, s3  }
0xb: {  	s12 =	smul.u32 $0x27100, s3;
	s3 =	sadd.s32 $0xD6200, s4;
	s26 =	sshrl.u32 s7, $0x1  }
0xc: {  	s13 =	sadd.s32 s5, s4;
	s7 =	ssub.s32 s7, s26;
	s28 =	sshrl.u32 s6, $0x3  }
0xd: {  	s29 =	sshrl.u32 s12, $0x3;
	s12 =	sadd.s32 s14, s30;
	s7 =	smax.u32 s7, $0x1  }
0xe: {  	s14 =	simm.s32 $0x1088;
	s5 =	sadd.s32 s11, s28;
	s6 =	sadd.s32 s10, s29  }
0xf: {  	s12 =	sadd.s32 $0x27100, s12;
	s10 =	sadd.s32 s31, s10;
	s4 =	sadd.s32 $0x5090, s5  }
0x10: {  	s5 =	sadd.s32 $0x4E00, s6;
	s6 =	sadd.s32 $0x13D000, s13;
	s12 =	sshrl.u32 s12, $0x3  }
0x11: {  	s8 =	sadd.s32 s9, s10;
	s10 =	sshrl.u32 @!p0 s1, $0x3;
	s13 =	simm.s32 $0x1080  }
0x12: {  	s9 =	sadd.s32 s12, s11;
	s11 =	simm.s32 $0x1;
	s12 =	simm.s32 $0x80  }
.LBB2_1:
0x13: {  	s17 =	simm.s32 @!p0 $0x1C01  }
0x14: {  	[spmem:s10], [sflag:s17] =	dma.local @!p0 [hbm:s3], $0x9C40  }
0x15: {  	s17 =	simm.s32 @!p0 $0x1  }
0x16: {  	_ =	swait.ge @!p0 [sflag:s17], $0x9C40  }
0x17: {  	[sflag:s17] =	ssyncset.done @!p0 $0x0  }
0x18: {  	[sflag:s17] =	ssyncadd.s32 @!p0 $0xFFFF63C0  }
0x19: {  	s31 =	sadd.s32 $0x0, s9;
	[bflag:$0x0] =	sbarrier.arrive $0xFFFF  }
0x1a: {  	[tilespmem:s2], [sflag:$0x1] =	stream.linear.gather [hbm4b:s31+s2], $0x80, $0x38;
	[tilespmem:$0x5FA8] =	vst v63  }
0x1b: {  	_ =	swait.ge [sflag:s11], $0x80  }
0x1c: {  	[sflag:s11] =	ssyncset.done $0x0  }
0x1d: {  	[sflag:s11] =	ssyncadd.s32 $0xFFFFFF80  }
0x1e: {  	[tilespmem:s12], [sflag:$0x1] =	stream.linear.gather [hbm4b:s8+s2], $0x1000, $0x38;
	[tilespmem:$0x5FA8] =	vst v63  }
0x1f: {  	_ =	swait.ge [sflag:s11], $0x1000  }
0x20: {  	[sflag:s11] =	ssyncset.done $0x0  }
0x21: {  	[sflag:s11] =	ssyncadd.s32 $0xFFFFF000  }
0x22: {  	[spmem:s1] =	stream.indirect.scatter.add.f32 [tilespmem:s12], [sflag:$0x1], $0x20, s2, s12, $0xb8;
	[tilespmem:$0x5FA8] =	vst v63  }
0x23: {  	s18 =	simm.s32 $0x10;
	_ =	swait.ge [sflag:s11], $0x1000  }
0x24: {  	s19 =	simm.s32 $0x20;
	s17 =	sadd.s32 $0x200, s8;
	[sflag:s11] =	ssyncset.done $0x0  }
.LBB2_2:
0x25: {  	s20 =	sadd.s32 s18, s9  }
0x26: {  	[sflag:s11] =	ssyncadd.s32 $0xFFFFF000;
	s18 =	smov.u32 s19;
	s21 =	sadd.s32 $0x10, s19  }
0x27: {  	[tilespmem:s2], [sflag:$0x1] =	stream.linear.gather [hbm4b:s20+s2], $0x80, $0x38;
	[tilespmem:$0x5FA8] =	vst v63  }
0x28: {  	p1 =	sne.s32 s19, $0x260;
	_ =	swait.ge [sflag:s11], $0x80  }
0x29: {  	[sflag:s11] =	ssyncset.done $0x0  }
0x2a: {  	[sflag:s11] =	ssyncadd.s32 $0xFFFFFF80  }
0x2b: {  	[tilespmem:s12], [sflag:$0x1] =	stream.linear.gather [hbm4b:s17+s2], $0x1000, $0x38;
	[tilespmem:$0x5FA8] =	vst v63  }
0x2c: {  	_ =	swait.ge [sflag:s11], $0x1000  }
.Ltmp0:
0x2d: {  	[sflag:s11] =	ssyncset.done $0x0;
	(pc) =	sbr.rel @p1 .LBB2_2-.Ltmp0, $4  }
0x2e: {  	[sflag:s11] =	ssyncadd.s32 $0xFFFFF000  }
0x2f: {  	[spmem:s1] =	stream.indirect.scatter.add.f32 [tilespmem:s12], [sflag:$0x1], $0x20, s2, s12, $0xb8;
	[tilespmem:$0x5FA8] =	vst v63  }
0x30: {  	_ =	swait.ge [sflag:s11], $0x1000  }
0x31: {  	s19 =	smov.u32 s21;
	s17 =	sadd.s32 $0x200, s17;
	[sflag:s11] =	ssyncset.done $0x0  }
0x32: {  	s18 =	sadd.s32 s18, s9;
	[sflag:s11] =	ssyncadd.s32 $0xFFFFF000  }
0x33: {  	[tilespmem:s2], [sflag:$0x1] =	stream.linear.gather [hbm4b:s18+s2], $0x80, $0x38;
	[tilespmem:$0x5FA8] =	vst v63  }
0x34: {  	_ =	swait.ge [sflag:s11], $0x80  }
0x35: {  	[sflag:s11] =	ssyncset.done $0x0  }
0x36: {  	[sflag:s11] =	ssyncadd.s32 $0xFFFFFF80  }
0x37: {  	[tilespmem:s12], [sflag:$0x1] =	stream.linear.gather [hbm4b:s17+s2], $0x1000, $0x38;
	[tilespmem:$0x5FA8] =	vst v63  }
0x38: {  	_ =	swait.ge [sflag:s11], $0x1000  }
0x39: {  	[sflag:s11] =	ssyncset.done $0x0  }
0x3a: {  	[sflag:s11] =	ssyncadd.s32 $0xFFFFF000  }
0x3b: {  	[spmem:s1] =	stream.indirect.scatter.add.f32 [tilespmem:s12], [sflag:$0x1], $0x20, s2, s12, $0xb8;
	[tilespmem:$0x5FA8] =	vst v63  }
0x3c: {  	_ =	swait.ge [sflag:s11], $0x1000  }
0x3d: {  	[sflag:s11] =	ssyncset.done $0x0  }
0x3e: {  	[sflag:s11] =	ssyncadd.s32 $0xFFFFF000  }
0x3f: {  	[tilespmem:s13], [sflag:$0x1] =	stream.linear.gather [hbm4b:s4+s2], $0x8, $0x38;
	[tilespmem:$0x5FA8] =	vst v63  }
0x40: {  	_ =	swait.ge [sflag:s11], $0x8  }
0x41: {  	[sflag:s11] =	ssyncset.done $0x0  }
0x42: {  	[sflag:s11] =	ssyncadd.s32 $0xFFFFFFF8  }
0x43: {  	[tilespmem:s14], [sflag:$0x1] =	stream.linear.gather [hbm4b:s5+s2], $0x100, $0x38;
	[tilespmem:$0x5FA8] =	vst v63  }
0x44: {  	_ =	swait.ge [sflag:s11], $0x100  }
0x45: {  	[sflag:s11] =	ssyncset.done $0x0  }
0x46: {  	[sflag:s11] =	ssyncadd.s32 $0xFFFFFF00  }
0x47: {  	[spmem:s1] =	stream.indirect.scatter.add.f32 [tilespmem:s14], [sflag:$0x1], $0x20, s13, s15, $0xb8;
	[tilespmem:$0x5FA8] =	vst v63  }
0x48: {  	_ =	swait.ge [sflag:s11], $0x100  }
0x49: {  	[sflag:s11] =	ssyncset.done $0x0  }
0x4a: {  	s16 =	sadd.s32 $0x1, s16;
	[sflag:s11] =	ssyncadd.s32 $0xFFFFFF00  }
0x4b: {  	p1 =	sne.s32 s16, s7;
	s17 =	simm.s32 @!p0 $0x1C01;
	[bflag:$0x0] =	sbarrier.arrive $0xFFFF  }
0x4c: {  	[hbm:s6], [sflag:s17] =	dma.local @!p0 [spmem:s10], $0x9C40  }
.Ltmp1:
0x4d: {  	_ = 	snop;
	(pc) =	sbr.rel @p1 .LBB2_1-.Ltmp1, $4  }
0x4e: {  	s17 =	simm.s32 @!p0 $0x1  }
0x4f: {  	_ =	swait.ge @!p0 [sflag:s17], $0x9C40  }
0x50: {  	[sflag:s17] =	ssyncset.done @!p0 $0x0  }
0x51: {  	[sflag:s17] =	ssyncadd.s32 @!p0 $0xFFFF63C0  }
0x52: {  	_ =	sfence.sel $0x180000  }
0x53: {  	[bflag:$0x0] =	sbarrier.arrive $0xFFFF  }
0x54: {  	_ =	strace $0x9000004D  }
0x55: {  	s0 =	sadd.s32 @!p0 $0x100000, s0;
	[bflag:$0x2] =	sbarrier.arrive $0xFFFF  }
0x56: {  	[sflag:s0] =	ssyncadd.tile.s32 @!p0 $0x1;
	_ =	shalt  }
.Lfunc_end2:
_tile_overlayer_lowered:
.L_overlay_start_2:
0x57: {  	(tag) =	ssettag $0x2  }
0x58: {  	s0 =	rddreg [dreg:$0x0];
	s2 =	stileid.u32  }
0x59: {  	s1 =	rddreg [dreg:$0x1];
	p0 =	sne.s32 s2, $0x0  }
0x5a: {  	s3 =	rddreg [dreg:$0x2];
	[bflag:$0x3] =	sbarrier.arrive $0xFFFF;
	s2 =	simm.s32 @!p0 $0x1C01  }
0x5b: {  	[timem:s3], [sflag:s2] =	dma.local @!p0 [hbm:s0], s1  }
0x5c: {  	s0 =	simm.s32 @!p0 $0x1  }
0x5d: {  	_ =	swait.ge @!p0 [sflag:s0], s1  }
0x5e: {  	s1 =	ssub.s32 @!p0 $0x0, s1;
	[sflag:s0] =	ssyncset.done @!p0 $0x0  }
0x5f: {  	[sflag:s0] =	ssyncadd.s32 @!p0 s1  }
0x60: {  	[bflag:$0x3] =	sbarrier.arrive $0xFFFF  }
0x61: {  	_ =	shalt  }

// kernel: kernel.37.cloned.1.call-start
scs
__scs_entry_jumppad:
0x0: {  	(pc) =	sbr.rel $0x88, $3  }
0x1: {  	(tag) =	ssettag $0x0;
	lr =	simm.s32 $0x1  }
0x2: {  	[smem:$0x3F89] =	sst lr;
	_ =	strace $0xD0000000  }
0x3: {  	_ = 	snop  }
0x4: {  	_ = 	snop  }
0x5: {  	_ = 	snop  }
0x6: {  	_ = 	snop  }
0x7: {  	_ = 	snop  }
__scs_overlays_trampoline_lowered:
0x8: {  	[smem:$0x3F98] =	sst s0  }
0x9: {  	[smem:$0x3F99] =	sst s1  }
0xa: {  	[smem:$0x3F9A] =	sst s2  }
0xb: {  	[smem:$0x3F9B] =	sst s3  }
0xc: {  	[smem:$0x3F9C] =	sst s4  }
0xd: {  	[smem:$0x3F9D] =	sst s5  }
0xe: {  	[smem:$0x3F9E] =	sst s6  }
0xf: {  	[smem:$0x3F9F] =	sst s7  }
0x10: {  	[smem:$0x3FA0] =	sst s8  }
0x11: {  	[smem:$0x3FA1] =	sst s9;
	s0 =	simm.s32 @!p0 $0x0  }
0x12: {  	s1 =	sld [smem:$0x3F87];
	s0 =	simm.s32 @p0 $0x1  }
0x13: {  	[smem:$0x3FA2] =	sst s0;
	s0 =	simm.s32 @!p1 $0x0  }
0x14: {  	s2 =	sld [smem:$0x3F86];
	s0 =	simm.s32 @p1 $0x1  }
0x15: {  	[smem:$0x3FA3] =	sst s0;
	s0 =	simm.s32 @!p2 $0x0  }
0x16: {  	s3 =	sld [smem:$0x3FDB];
	s0 =	simm.s32 @p2 $0x1  }
0x17: {  	s4 =	simm.s32 $0x1BF5;
	[smem:$0x3FA5] =	sst s0  }
0x18: {  	s0 =	sld [smem:$0x3F88];
	_ =	swait.ge [sflag:s4], $0x0  }
0x19: {  	s7 =	sld [smem:$0x3F89]  }
0x1a: {  	s8 =	sadd.s32 $0xFFFFE003, lr  }
0x1b: {  	s9 =	sadd.s32 $0xFFFFFEF7, lr;
	s5 =	simm.s32 $0xFFFFFFFF;
	p2 =	slt.u32 s8, $0xFFFFF086  }
0x1c: {  	p1 =	slt.u32 s9, $0xF7A;
	s5 =	simm.s32 @!p2 $0x0  }
0x1d: {  	s5 =	simm.s32 @p1 $0x1;
	p0 =	seq.s32 s7, s2  }
0x1e: {  	s7 =	smul.u32 @!p0 $0xF7A, s2;
	p2 =	seq.s32 @!p0 s5, $0x0  }
0x1f: {  	s9 =	smul.u32 $0xF7A, s1;
	s8 =	simm.s32 @!p0 $0x1BF5;
	p2 =	por !p2, p0  }
0x20: {  	[sflag:s8] =	ssyncset.s32 @!p0 $0xFFFFF086;
	s6 =	sadd.s32 @!p0 s3, s7;
	s7 =	simm.s32 @!p0 $0x108  }
0x21: {  	s3 =	sadd.s32 s3, s9;
	s6 =	sadd.s32 @!p0 $0x88, s6;
	s7 =	simm.s32 @p2 $0x1082  }
0x22: {  	[simem:s7], [sflag:s8] =	dma.local @!p0 [hbm:s6], $0xF7A  }
0x23: {  	s9 =	sor.u32 $0xD0000000, s2;
	s6 =	simm.s32 $0x108;
	_ =	swait.ge @!p0 [sflag:s8], $0x0  }
0x24: {  	s3 =	sadd.s32 $0x88, s3;
	s6 =	simm.s32 @!p1 $0x1082;
	[sflag:s4] =	ssyncset.s32 $0xFFFFF086  }
0x25: {  	[simem:s6], [sflag:s4] =	dma.local [hbm:s3], $0xF7A  }
0x26: {  	[smem:$0x3F89] =	sst s1;
	(tag) =	ssettag s2;
	_ =	strace s9  }
0x27: {  	s1 =	sld [smem:$0x3F99]  }
0x28: {  	s2 =	sld [smem:$0x3F9A]  }
0x29: {  	s4 =	sld [smem:$0x3F9C]  }
0x2a: {  	p0 =	seq.s32 s5, $0x0;
	s5 =	sld [smem:$0x3F9D]  }
0x2b: {  	s6 =	sld [smem:$0x3F9E]  }
0x2c: {  	s7 =	sld [smem:$0x3F9F]  }
0x2d: {  	s3 =	simm.s32 $0x108;
	s8 =	sld [smem:$0x3FA0]  }
0x2e: {  	s3 =	simm.s32 @!p0 $0x1082;
	s9 =	sld [smem:$0x3FA1]  }
0x2f: {  	lr =	sadd.s32 s0, s3;
	s0 =	sld [smem:$0x3F98]  }
0x30: {  	s3 =	sld [smem:$0x3F9B]  }
0x31: {  	[smem:$0x3FA4] =	sst s10  }
0x32: {  	s10 =	sld [smem:$0x3FA2];
	_ =	sdelay $0x3  }
0x33: {  	p0 =	seq.s32 s10, $0x1;
	s10 =	sld [smem:$0x3FA4];
	_ =	sdelay $0x3  }
0x34: {  	[smem:$0x3FA4] =	sst s10  }
0x35: {  	s10 =	sld [smem:$0x3FA3];
	_ =	sdelay $0x3  }
0x36: {  	p1 =	seq.s32 s10, $0x1;
	s10 =	sld [smem:$0x3FA4];
	_ =	sdelay $0x3  }
0x37: {  	[smem:$0x3FA4] =	sst s10  }
0x38: {  	s10 =	sld [smem:$0x3FA5]  }
0x39: {  	_ = 	snop;
	(pc) =	sbr.ind lr, $3  }
0x3a: {  	_ = 	snop  }
0x3b: {  	_ = 	snop  }
0x3c: {  	p2 =	seq.s32 s10, $0x1;
	s10 =	sld [smem:$0x3FA4]  }
0x3d: {  	_ =	shalt  }
0x3e: {  	_ =	shalt  }
0x3f: {  	_ =	shalt  }
0x40: {  	_ =	shalt  }
0x41: {  	_ =	shalt  }
0x42: {  	_ =	shalt  }
0x43: {  	_ =	shalt  }
0x44: {  	_ =	shalt  }
0x45: {  	_ =	shalt  }
0x46: {  	_ =	shalt  }
0x47: {  	_ =	shalt  }
0x48: {  	_ =	shalt  }
0x49: {  	_ =	shalt  }
0x4a: {  	_ =	shalt  }
0x4b: {  	_ =	shalt  }
0x4c: {  	_ =	shalt  }
0x4d: {  	_ =	shalt  }
0x4e: {  	_ =	shalt  }
0x4f: {  	_ =	shalt  }
0x50: {  	_ =	shalt  }
0x51: {  	_ =	shalt  }
0x52: {  	_ =	shalt  }
0x53: {  	_ =	shalt  }
0x54: {  	_ =	shalt  }
0x55: {  	_ =	shalt  }
0x56: {  	_ =	shalt  }
0x57: {  	_ =	shalt  }
0x58: {  	_ =	shalt  }
0x59: {  	_ =	shalt  }
0x5a: {  	_ =	shalt  }
0x5b: {  	_ =	shalt  }
0x5c: {  	_ =	shalt  }
0x5d: {  	_ =	shalt  }
0x5e: {  	_ =	shalt  }
0x5f: {  	_ =	shalt  }
0x60: {  	_ =	shalt  }
0x61: {  	_ =	shalt  }
0x62: {  	_ =	shalt  }
0x63: {  	_ =	shalt  }
0x64: {  	_ =	shalt  }
0x65: {  	_ =	shalt  }
0x66: {  	_ =	shalt  }
0x67: {  	_ =	shalt  }
0x68: {  	_ =	shalt  }
0x69: {  	_ =	shalt  }
0x6a: {  	_ =	shalt  }
0x6b: {  	_ =	shalt  }
0x6c: {  	_ =	shalt  }
0x6d: {  	_ =	shalt  }
0x6e: {  	_ =	shalt  }
0x6f: {  	_ =	shalt  }
0x70: {  	_ =	shalt  }
0x71: {  	_ =	shalt  }
0x72: {  	_ =	shalt  }
0x73: {  	_ =	shalt  }
0x74: {  	_ =	shalt  }
0x75: {  	_ =	shalt  }
0x76: {  	_ =	shalt  }
0x77: {  	_ =	shalt  }
0x78: {  	_ =	shalt  }
0x79: {  	_ =	shalt  }
0x7a: {  	_ =	shalt  }
0x7b: {  	_ =	shalt  }
0x7c: {  	_ =	shalt  }
0x7d: {  	_ =	shalt  }
0x7e: {  	_ =	shalt  }
0x7f: {  	_ =	shalt  }
0x80: {  	_ =	shalt  }
0x81: {  	_ =	shalt  }
0x82: {  	_ =	shalt  }
0x83: {  	_ =	shalt  }
0x84: {  	_ =	shalt  }
0x85: {  	_ =	shalt  }
0x86: {  	_ =	shalt  }
0x87: {  	_ =	shalt  }
.Lfunc_end0:
.L_simem_size_0:
called_computation.3_lowered:
.L_overlay_start_0:
0x88: {  	s2 =	sld [smem:$0x3FD9]  }
0x89: {  	s3 =	sld [smem:$0x3FFE];
	_ =	sdelay $0x1  }
0x8a: {  	s1 =	srdreg.scid  }
0x8b: {  	s0 =	sand.u32 $0x1, s1  }
0x8c: {  	s16 =	sshll.u32 s0, $0xA;
	s2 =	sadd.s32 s3, s2  }
0x8d: {  	s2 =	sadd.s32 s2, s16  }
0x8e: {  	[smem:$0x3FB0] =	sst s2  }
0x8f: {  	_ = 	snop  }
0x90: {  	(tm) =	ssettm $0x1  }
0x91: {  	s17 =	sld [smem:$0x3FFB];
	_ =	sdelay $0x3  }
0x92: {  	_ =	strace s17  }
0x93: {  	s2 =	sld [smem:$0x3FFC];
	_ =	sdelay $0x3  }
0x94: {  	_ =	strace s2  }
0x95: {  	s2 =	sld [smem:$0x3FFD];
	_ =	sdelay $0x3  }
0x96: {  	_ =	strace s2  }
0x97: {  	_ =	strace $0x8FFFFFFF  }
0x98: {  	s18 =	sld [smem:$0x3FDB];
	_ =	sdelay $0x1  }
0x99: {  	s19 =	simm.s32 $_scs_section_size  }
0x9a: {  	s4 =	simm.s32 $_size__tile_overlayer_lowered;
	s5 =	simm.s32 $_tile_overlayer_lowered  }
0x9b: {  	s22 =	simm.s32 $0x1BFF;
	s21 =	sshll.u32 s5, $0x1;
	s2 =	sadd.s32 s19, s18  }
0x9c: {  	s6 =	simm.s32 $0x0;
	s20 =	sshll.u32 s4, $0x1;
	s4 =	sadd.s32 s21, s2  }
0x9d: {  	[timem:s6], [sflag:s22] =	dma.local [hbm:s4], s20  }
0x9e: {  	_ =	swait.ge [sflag:s22], s20  }
0x9f: {  	s3 =	ssub.s32 $0x0, s20;
	[sflag:s22] =	ssyncset.done $0x0  }
0xa0: {  	[sflag:s22] =	ssyncadd.s32 s3;
	_ =	sdelay $0x1  }
0xa1: {  	s23 =	simm.s32 $0x1B8B  }
0xa2: {  	_ =	swait.ge [sflag:s23], $0x1  }
0xa3: {  	[sflag:s23] =	ssyncset.done $0x0  }
0xa4: {  	s25 =	simm.s32 $0x1B8E;
	s24 =	sld [smem:$0x3FFE];
	[sflag:s23] =	ssyncadd.s32 $0xFFFFFFFF  }
0xa5: {  	s26 =	simm.s32 $execute0_lowered;
	[smem:$0x3FD2] =	sst s25  }
0xa6: {  	s4 =	sshll.u32 s26, $0x1;
	_ =	strace $0x8000004F;
	[dreg:$0x1] =	wrdreg $0xFFFFFFFF  }
0xa7: {  	s28 =	simm.s32 $_size_execute0_lowered;
	s2 =	sadd.s32 s2, s4;
	[dreg:$0x0] =	wrdreg $0x0  }
0xa8: {  	s4 =	sshll.u32 s28, $0x1;
	[dreg:$0x2] =	wrdreg s2  }
0xa9: {  	[dreg:$0x3] =	wrdreg s4  }
0xaa: {  	[dreg:$0x4] =	wrdreg $0xC0  }
0xab: {  	_ =	task [dreg:s6], $0x5FFFF  }
0xac: {  	[dreg:$0x1] =	wrdreg $0xFFFFFFFF  }
0xad: {  	[dreg:$0x0] =	wrdreg $0x60  }
0xae: {  	[dreg:$0x2] =	wrdreg s24  }
0xaf: {  	[dreg:$0x3] =	wrdreg $0x9  }
0xb0: {  	_ =	task.clear_ibuf [dreg:s6], $0x4FFFF;
	_ =	strace $0x9000004F  }
0xb1: {  	s29 =	simm.s32 $0x9;
	_ =	strace $0x80000051  }
0xb2: {  	_ =	swait.ge [sflag:s29], $0x1  }
0xb3: {  	[sflag:s29] =	ssyncadd.s32 $0xFFFFFFFF  }
0xb4: {  	_ =	strace $0x90000051  }
0xb5: {  	_ =	sfence  }
0xb6: {  	s30 =	sld [smem:$0x0];
	_ =	sdelay $0x2  }
0xb7: {  	s31 =	sshll.u32 s1, $0xD;
	s1 =	sshrl.u32 s1, $0x2  }
0xb8: {  	s3 =	sand.u32 $0x4000, s31;
	s1 =	sadd.s32 s1, s30  }
0xb9: {  	s0 =	sor.u32 s3, s0;
	s1 =	sshll.u32 s1, $0x11  }
0xba: {  	s0 =	sor.u32 s1, s0  }
0xbb: {  	s0 =	sadd.s32 $0x8F2B, s0  }
0xbc: {  	[sflag:s0] =	ssyncadd.remote.s32 $0x1  }
0xbd: {  	_ =	sfence.sel $0xFFFF  }
0xbe: {  	[dreg:$0x0] =	wrdreg $0xFFFFFFFF;
	(pc) =	sbr.abs _section_cstart, $3  }
0xbf: {  	[dreg:$0x1] =	wrdreg $0xFFFFFFFF  }
0xc0: {  	_ =	task.clear_ibuf [dreg:s6], $0x2FFFF;
	_ =	strace $0x9FFFFFFF  }
0xc1: {  	(tm) =	ssettm $0x7FFFFFFF  }
tec
execute0_lowered:
.L_overlay_start_1:
0x0: {  	(tag) =	ssettag $0x1  }
0x1: {  	s4 =	rddreg [dreg:$0x0]  }
0x2: {  	s0 =	rddreg [dreg:$0x1];
	s3 =	srdreg.scid  }
0x3: {  	s1 =	stileid.u32;
	s2 =	simm.s32 $0x0;
	s14 =	simm.s32 $0x1088  }
0x4: {  	s15 =	simm.s32 $0x0;
	s6 =	sand.u32 $0x1, s3;
	s28 =	sshll.u32 s1, $0x1  }
0x5: {  	[smem:$0x7FF] =	sst s2;
	s3 =	sadd.s32 $0x39E00, s4;
	s10 =	smul.u32 $0x2710, s1  }
0x6: {  	s8 =	sadd.s32 $0x8E00, s4;
	s7 =	sadd.s32 $0x12E200, s4;
	s12 =	smul.u32 $0x9C40, s1  }
0x7: {  	s5 =	sor.u32 s6, s28;
	s29 =	ssub.s32 $0x2, s6;
	s11 =	smul.u32 $0x1388, s6  }
0x8: {  	_ =	strace $0x80000050;
	s5 =	smul.u32 $0x1388, s5;
	s9 =	sshrl.u32 s29, $0x1  }
0x9: {  	s13 =	smul.u32 $0x4E20, s6;
	s9 =	ssub.s32 s29, s9;
	s10 =	sadd.s32 s11, s10  }
0xa: {  	s11 =	simm.s32 $0x1;
	s5 =	sadd.s32 $0x1380, s5;
	s6 =	smax.u32 s9, $0x1  }
0xb: {  	s31 =	sshrl.u32 s10, $0x3;
	s9 =	simm.s32 $0x2;
	s30 =	sshrl.u32 s5, $0x3  }
0xc: {  	s10 =	simm.s32 $0x80;
	s5 =	sshll.u32 s5, $0x2;
	s4 =	sadd.s32 s8, s30  }
0xd: {  	s5 =	sadd.s32 s7, s5;
	s7 =	sadd.s32 s12, s7;
	s8 =	sadd.s32 s31, s8  }
0xe: {  	s12 =	simm.s32 $0x1080;
	s7 =	sadd.s32 s13, s7;
	s13 =	simm.s32 $0x8  }
.LBB2_1:
0xf: {  	s16 =	sadd.s32 $0x0, s8  }
0x10: {  	[tilespmem:s2], [sflag:$0x2] =	stream.linear.gather [hbm4b:s16+s2], $0x80, $0x38;
	[tilespmem:$0x1188] =	vst v63  }
0x11: {  	_ =	swait.ge [sflag:s9], $0x80  }
0x12: {  	[sflag:s9] =	ssyncset.done $0x0  }
0x13: {  	[sflag:s9] =	ssyncadd.s32 $0xFFFFFF80  }
0x14: {  	[tilespmem:s10], [sflag:$0x1] =	stream.indirect.gather [hbm4b:s3+s10], $0x20, s2, s10, $0xb8;
	[tilespmem:$0x1188] =	vst v63  }
0x15: {  	_ =	swait.ge [sflag:s11], $0x1000  }
0x16: {  	[sflag:s11] =	ssyncset.done $0x0  }
0x17: {  	[sflag:s11] =	ssyncadd.s32 $0xFFFFF000  }
0x18: {  	[hbm4b:s7+s2] =	stream.linear.scatter [tilespmem:s10], [sflag:$0x2], $0x1000, $0x38;
	[tilespmem:$0x1188] =	vst v63  }
0x19: {  	s17 =	simm.s32 $0x10;
	_ =	swait.ge [sflag:s9], $0x1000  }
0x1a: {  	s18 =	simm.s32 $0x20;
	s16 =	sadd.s32 $0x200, s7;
	[sflag:s9] =	ssyncset.done $0x0  }
.LBB2_2:
0x1b: {  	s19 =	sadd.s32 s17, s8  }
0x1c: {  	[sflag:s9] =	ssyncadd.s32 $0xFFFFF000;
	s17 =	smov.u32 s18;
	s20 =	sadd.s32 $0x10, s18  }
0x1d: {  	[tilespmem:s2], [sflag:$0x2] =	stream.linear.gather [hbm4b:s19+s2], $0x80, $0x38;
	[tilespmem:$0x1188] =	vst v63  }
0x1e: {  	p0 =	sne.s32 s18, $0x260;
	_ =	swait.ge [sflag:s9], $0x80  }
0x1f: {  	[sflag:s9] =	ssyncset.done $0x0  }
0x20: {  	[sflag:s9] =	ssyncadd.s32 $0xFFFFFF80  }
0x21: {  	[tilespmem:s10], [sflag:$0x1] =	stream.indirect.gather [hbm4b:s3+s10], $0x20, s2, s10, $0xb8;
	[tilespmem:$0x1188] =	vst v63  }
0x22: {  	_ =	swait.ge [sflag:s11], $0x1000  }
.Ltmp0:
0x23: {  	[sflag:s11] =	ssyncset.done $0x0;
	(pc) =	sbr.rel @p0 .LBB2_2-.Ltmp0, $4  }
0x24: {  	[sflag:s11] =	ssyncadd.s32 $0xFFFFF000  }
0x25: {  	[hbm4b:s16+s2] =	stream.linear.scatter [tilespmem:s10], [sflag:$0x2], $0x1000, $0x38;
	[tilespmem:$0x1188] =	vst v63  }
0x26: {  	_ =	swait.ge [sflag:s9], $0x1000  }
0x27: {  	s18 =	smov.u32 s20;
	s16 =	sadd.s32 $0x200, s16;
	[sflag:s9] =	ssyncset.done $0x0  }
0x28: {  	s17 =	sadd.s32 s17, s8;
	[sflag:s9] =	ssyncadd.s32 $0xFFFFF000  }
0x29: {  	[tilespmem:s2], [sflag:$0x2] =	stream.linear.gather [hbm4b:s17+s2], $0x80, $0x38;
	[tilespmem:$0x1188] =	vst v63  }
0x2a: {  	_ =	swait.ge [sflag:s9], $0x80  }
0x2b: {  	[sflag:s9] =	ssyncset.done $0x0  }
0x2c: {  	[sflag:s9] =	ssyncadd.s32 $0xFFFFFF80  }
0x2d: {  	[tilespmem:s10], [sflag:$0x1] =	stream.indirect.gather [hbm4b:s3+s10], $0x20, s2, s10, $0xb8;
	[tilespmem:$0x1188] =	vst v63  }
0x2e: {  	_ =	swait.ge [sflag:s11], $0x1000  }
0x2f: {  	[sflag:s11] =	ssyncset.done $0x0  }
0x30: {  	[sflag:s11] =	ssyncadd.s32 $0xFFFFF000  }
0x31: {  	[hbm4b:s16+s2] =	stream.linear.scatter [tilespmem:s10], [sflag:$0x2], $0x1000, $0x38;
	[tilespmem:$0x1188] =	vst v63  }
0x32: {  	_ =	swait.ge [sflag:s9], $0x1000  }
0x33: {  	[sflag:s9] =	ssyncset.done $0x0  }
0x34: {  	[sflag:s9] =	ssyncadd.s32 $0xFFFFF000  }
0x35: {  	[tilespmem:s12], [sflag:$0x2] =	stream.linear.gather [hbm4b:s4+s2], $0x8, $0x38;
	[tilespmem:$0x1188] =	vst v63  }
0x36: {  	_ =	swait.ge [sflag:s9], $0x8  }
0x37: {  	[sflag:s9] =	ssyncset.done $0x0  }
0x38: {  	[sflag:s9] =	ssyncadd.s32 $0xFFFFFFF8  }
0x39: {  	[tilespmem:s14], [sflag:$0x1] =	stream.indirect.gather [hbm4b:s3+s13], $0x20, s12, s13, $0xb8;
	[tilespmem:$0x1188] =	vst v63  }
0x3a: {  	s15 =	sadd.s32 $0x1, s15;
	_ =	swait.ge [sflag:s11], $0x100  }
0x3b: {  	p0 =	sne.s32 s15, s6;
	[sflag:s11] =	ssyncset.done $0x0  }
.Ltmp1:
0x3c: {  	[sflag:s11] =	ssyncadd.s32 $0xFFFFFF00;
	(pc) =	sbr.rel @p0 .LBB2_1-.Ltmp1, $4  }
0x3d: {  	[hbm4b:s5+s2] =	stream.linear.scatter [tilespmem:s14], [sflag:$0x2], $0x100, $0x38;
	[tilespmem:$0x1188] =	vst v63  }
0x3e: {  	_ =	swait.ge [sflag:s9], $0x100  }
0x3f: {  	[sflag:s9] =	ssyncset.done $0x0  }
0x40: {  	[sflag:s9] =	ssyncadd.s32 $0xFFFFFF00  }
0x41: {  	_ =	sfence.sel $0x180000  }
0x42: {  	[bflag:$0x0] =	sbarrier.arrive $0xFFFF  }
0x43: {  	p0 =	sne.s32 s1, $0x0;
	_ =	strace $0x90000050  }
0x44: {  	s0 =	sadd.s32 @!p0 $0x100000, s0;
	[bflag:$0x2] =	sbarrier.arrive $0xFFFF  }
0x45: {  	[sflag:s0] =	ssyncadd.tile.s32 @!p0 $0x1;
	_ =	shalt  }
.Lfunc_end2:
_tile_overlayer_lowered:
.L_overlay_start_2:
0x46: {  	(tag) =	ssettag $0x2  }
0x47: {  	s0 =	rddreg [dreg:$0x0];
	s2 =	stileid.u32  }
0x48: {  	s1 =	rddreg [dreg:$0x1];
	p0 =	sne.s32 s2, $0x0  }
0x49: {  	s3 =	rddreg [dreg:$0x2];
	[bflag:$0x3] =	sbarrier.arrive $0xFFFF;
	s2 =	simm.s32 @!p0 $0x1C02  }
0x4a: {  	[timem:s3], [sflag:s2] =	dma.local @!p0 [hbm:s0], s1  }
0x4b: {  	s0 =	simm.s32 @!p0 $0x2  }
0x4c: {  	_ =	swait.ge @!p0 [sflag:s0], s1  }
0x4d: {  	s1 =	ssub.s32 @!p0 $0x0, s1;
	[sflag:s0] =	ssyncset.done @!p0 $0x0  }
0x4e: {  	[sflag:s0] =	ssyncadd.s32 @!p0 s1  }
0x4f: {  	[bflag:$0x3] =	sbarrier.arrive $0xFFFF  }
0x50: {  	_ =	shalt  }

// kernel: kernel.40.cloned.1.call-start
scs
__scs_entry_jumppad:
0x0: {  	(pc) =	sbr.rel $0x88, $3  }
0x1: {  	(tag) =	ssettag $0x0;
	lr =	simm.s32 $0x1  }
0x2: {  	[smem:$0x3F89] =	sst lr;
	_ =	strace $0xD0000000  }
0x3: {  	_ = 	snop  }
0x4: {  	_ = 	snop  }
0x5: {  	_ = 	snop  }
0x6: {  	_ = 	snop  }
0x7: {  	_ = 	snop  }
__scs_overlays_trampoline_lowered:
0x8: {  	[smem:$0x3F98] =	sst s0  }
0x9: {  	[smem:$0x3F99] =	sst s1  }
0xa: {  	[smem:$0x3F9A] =	sst s2  }
0xb: {  	[smem:$0x3F9B] =	sst s3  }
0xc: {  	[smem:$0x3F9C] =	sst s4  }
0xd: {  	[smem:$0x3F9D] =	sst s5  }
0xe: {  	[smem:$0x3F9E] =	sst s6  }
0xf: {  	[smem:$0x3F9F] =	sst s7  }
0x10: {  	[smem:$0x3FA0] =	sst s8  }
0x11: {  	[smem:$0x3FA1] =	sst s9;
	s0 =	simm.s32 @!p0 $0x0  }
0x12: {  	s1 =	sld [smem:$0x3F87];
	s0 =	simm.s32 @p0 $0x1  }
0x13: {  	[smem:$0x3FA2] =	sst s0;
	s0 =	simm.s32 @!p1 $0x0  }
0x14: {  	s2 =	sld [smem:$0x3F86];
	s0 =	simm.s32 @p1 $0x1  }
0x15: {  	[smem:$0x3FA3] =	sst s0;
	s0 =	simm.s32 @!p2 $0x0  }
0x16: {  	s3 =	sld [smem:$0x3FDB];
	s0 =	simm.s32 @p2 $0x1  }
0x17: {  	s4 =	simm.s32 $0x1BF5;
	[smem:$0x3FA5] =	sst s0  }
0x18: {  	s0 =	sld [smem:$0x3F88];
	_ =	swait.ge [sflag:s4], $0x0  }
0x19: {  	s7 =	sld [smem:$0x3F89]  }
0x1a: {  	s8 =	sadd.s32 $0xFFFFE003, lr  }
0x1b: {  	s9 =	sadd.s32 $0xFFFFFEF7, lr;
	s5 =	simm.s32 $0xFFFFFFFF;
	p2 =	slt.u32 s8, $0xFFFFF086  }
0x1c: {  	p1 =	slt.u32 s9, $0xF7A;
	s5 =	simm.s32 @!p2 $0x0  }
0x1d: {  	s5 =	simm.s32 @p1 $0x1;
	p0 =	seq.s32 s7, s2  }
0x1e: {  	s7 =	smul.u32 @!p0 $0xF7A, s2;
	p2 =	seq.s32 @!p0 s5, $0x0  }
0x1f: {  	s9 =	smul.u32 $0xF7A, s1;
	s8 =	simm.s32 @!p0 $0x1BF5;
	p2 =	por !p2, p0  }
0x20: {  	[sflag:s8] =	ssyncset.s32 @!p0 $0xFFFFF086;
	s6 =	sadd.s32 @!p0 s3, s7;
	s7 =	simm.s32 @!p0 $0x108  }
0x21: {  	s3 =	sadd.s32 s3, s9;
	s6 =	sadd.s32 @!p0 $0x88, s6;
	s7 =	simm.s32 @p2 $0x1082  }
0x22: {  	[simem:s7], [sflag:s8] =	dma.local @!p0 [hbm:s6], $0xF7A  }
0x23: {  	s9 =	sor.u32 $0xD0000000, s2;
	s6 =	simm.s32 $0x108;
	_ =	swait.ge @!p0 [sflag:s8], $0x0  }
0x24: {  	s3 =	sadd.s32 $0x88, s3;
	s6 =	simm.s32 @!p1 $0x1082;
	[sflag:s4] =	ssyncset.s32 $0xFFFFF086  }
0x25: {  	[simem:s6], [sflag:s4] =	dma.local [hbm:s3], $0xF7A  }
0x26: {  	[smem:$0x3F89] =	sst s1;
	(tag) =	ssettag s2;
	_ =	strace s9  }
0x27: {  	s1 =	sld [smem:$0x3F99]  }
0x28: {  	s2 =	sld [smem:$0x3F9A]  }
0x29: {  	s4 =	sld [smem:$0x3F9C]  }
0x2a: {  	p0 =	seq.s32 s5, $0x0;
	s5 =	sld [smem:$0x3F9D]  }
0x2b: {  	s6 =	sld [smem:$0x3F9E]  }
0x2c: {  	s7 =	sld [smem:$0x3F9F]  }
0x2d: {  	s3 =	simm.s32 $0x108;
	s8 =	sld [smem:$0x3FA0]  }
0x2e: {  	s3 =	simm.s32 @!p0 $0x1082;
	s9 =	sld [smem:$0x3FA1]  }
0x2f: {  	lr =	sadd.s32 s0, s3;
	s0 =	sld [smem:$0x3F98]  }
0x30: {  	s3 =	sld [smem:$0x3F9B]  }
0x31: {  	[smem:$0x3FA4] =	sst s10  }
0x32: {  	s10 =	sld [smem:$0x3FA2];
	_ =	sdelay $0x3  }
0x33: {  	p0 =	seq.s32 s10, $0x1;
	s10 =	sld [smem:$0x3FA4];
	_ =	sdelay $0x3  }
0x34: {  	[smem:$0x3FA4] =	sst s10  }
0x35: {  	s10 =	sld [smem:$0x3FA3];
	_ =	sdelay $0x3  }
0x36: {  	p1 =	seq.s32 s10, $0x1;
	s10 =	sld [smem:$0x3FA4];
	_ =	sdelay $0x3  }
0x37: {  	[smem:$0x3FA4] =	sst s10  }
0x38: {  	s10 =	sld [smem:$0x3FA5]  }
0x39: {  	_ = 	snop;
	(pc) =	sbr.ind lr, $3  }
0x3a: {  	_ = 	snop  }
0x3b: {  	_ = 	snop  }
0x3c: {  	p2 =	seq.s32 s10, $0x1;
	s10 =	sld [smem:$0x3FA4]  }
0x3d: {  	_ =	shalt  }
0x3e: {  	_ =	shalt  }
0x3f: {  	_ =	shalt  }
0x40: {  	_ =	shalt  }
0x41: {  	_ =	shalt  }
0x42: {  	_ =	shalt  }
0x43: {  	_ =	shalt  }
0x44: {  	_ =	shalt  }
0x45: {  	_ =	shalt  }
0x46: {  	_ =	shalt  }
0x47: {  	_ =	shalt  }
0x48: {  	_ =	shalt  }
0x49: {  	_ =	shalt  }
0x4a: {  	_ =	shalt  }
0x4b: {  	_ =	shalt  }
0x4c: {  	_ =	shalt  }
0x4d: {  	_ =	shalt  }
0x4e: {  	_ =	shalt  }
0x4f: {  	_ =	shalt  }
0x50: {  	_ =	shalt  }
0x51: {  	_ =	shalt  }
0x52: {  	_ =	shalt  }
0x53: {  	_ =	shalt  }
0x54: {  	_ =	shalt  }
0x55: {  	_ =	shalt  }
0x56: {  	_ =	shalt  }
0x57: {  	_ =	shalt  }
0x58: {  	_ =	shalt  }
0x59: {  	_ =	shalt  }
0x5a: {  	_ =	shalt  }
0x5b: {  	_ =	shalt  }
0x5c: {  	_ =	shalt  }
0x5d: {  	_ =	shalt  }
0x5e: {  	_ =	shalt  }
0x5f: {  	_ =	shalt  }
0x60: {  	_ =	shalt  }
0x61: {  	_ =	shalt  }
0x62: {  	_ =	shalt  }
0x63: {  	_ =	shalt  }
0x64: {  	_ =	shalt  }
0x65: {  	_ =	shalt  }
0x66: {  	_ =	shalt  }
0x67: {  	_ =	shalt  }
0x68: {  	_ =	shalt  }
0x69: {  	_ =	shalt  }
0x6a: {  	_ =	shalt  }
0x6b: {  	_ =	shalt  }
0x6c: {  	_ =	shalt  }
0x6d: {  	_ =	shalt  }
0x6e: {  	_ =	shalt  }
0x6f: {  	_ =	shalt  }
0x70: {  	_ =	shalt  }
0x71: {  	_ =	shalt  }
0x72: {  	_ =	shalt  }
0x73: {  	_ =	shalt  }
0x74: {  	_ =	shalt  }
0x75: {  	_ =	shalt  }
0x76: {  	_ =	shalt  }
0x77: {  	_ =	shalt  }
0x78: {  	_ =	shalt  }
0x79: {  	_ =	shalt  }
0x7a: {  	_ =	shalt  }
0x7b: {  	_ =	shalt  }
0x7c: {  	_ =	shalt  }
0x7d: {  	_ =	shalt  }
0x7e: {  	_ =	shalt  }
0x7f: {  	_ =	shalt  }
0x80: {  	_ =	shalt  }
0x81: {  	_ =	shalt  }
0x82: {  	_ =	shalt  }
0x83: {  	_ =	shalt  }
0x84: {  	_ =	shalt  }
0x85: {  	_ =	shalt  }
0x86: {  	_ =	shalt  }
0x87: {  	_ =	shalt  }
.Lfunc_end0:
.L_simem_size_0:
called_computation.4_lowered:
.L_overlay_start_0:
0x88: {  	s2 =	sld [smem:$0x3FD9]  }
0x89: {  	s3 =	sld [smem:$0x3FFE];
	_ =	sdelay $0x1  }
0x8a: {  	s1 =	srdreg.scid  }
0x8b: {  	s0 =	sand.u32 $0x1, s1  }
0x8c: {  	s16 =	sshll.u32 s0, $0xA;
	s2 =	sadd.s32 s3, s2  }
0x8d: {  	s2 =	sadd.s32 s2, s16  }
0x8e: {  	[smem:$0x3FB0] =	sst s2  }
0x8f: {  	_ = 	snop  }
0x90: {  	(tm) =	ssettm $0x1  }
0x91: {  	s17 =	sld [smem:$0x3FFB];
	_ =	sdelay $0x3  }
0x92: {  	_ =	strace s17  }
0x93: {  	s2 =	sld [smem:$0x3FFC];
	_ =	sdelay $0x3  }
0x94: {  	_ =	strace s2  }
0x95: {  	s2 =	sld [smem:$0x3FFD];
	_ =	sdelay $0x3  }
0x96: {  	_ =	strace s2  }
0x97: {  	_ =	strace $0x8FFFFFFF  }
0x98: {  	s18 =	sld [smem:$0x3FDB];
	_ =	sdelay $0x1  }
0x99: {  	s19 =	simm.s32 $_scs_section_size  }
0x9a: {  	s4 =	simm.s32 $_size__tile_overlayer_lowered;
	s5 =	simm.s32 $_tile_overlayer_lowered  }
0x9b: {  	s22 =	simm.s32 $0x1BFF;
	s21 =	sshll.u32 s5, $0x1;
	s2 =	sadd.s32 s19, s18  }
0x9c: {  	s6 =	simm.s32 $0x0;
	s20 =	sshll.u32 s4, $0x1;
	s4 =	sadd.s32 s21, s2  }
0x9d: {  	[timem:s6], [sflag:s22] =	dma.local [hbm:s4], s20  }
0x9e: {  	_ =	swait.ge [sflag:s22], s20  }
0x9f: {  	s3 =	ssub.s32 $0x0, s20;
	[sflag:s22] =	ssyncset.done $0x0  }
0xa0: {  	[sflag:s22] =	ssyncadd.s32 s3;
	_ =	sdelay $0x1  }
0xa1: {  	s23 =	simm.s32 $0x1B8B  }
0xa2: {  	_ =	swait.ge [sflag:s23], $0x1  }
0xa3: {  	[sflag:s23] =	ssyncset.done $0x0  }
0xa4: {  	s25 =	simm.s32 $0x1B8E;
	s24 =	sld [smem:$0x3FFE];
	[sflag:s23] =	ssyncadd.s32 $0xFFFFFFFF  }
0xa5: {  	s26 =	simm.s32 $execute0_lowered;
	[smem:$0x3FD2] =	sst s25  }
0xa6: {  	s4 =	sshll.u32 s26, $0x1;
	_ =	strace $0x80000052;
	[dreg:$0x1] =	wrdreg $0xFFFFFFFF  }
0xa7: {  	s28 =	simm.s32 $_size_execute0_lowered;
	s2 =	sadd.s32 s2, s4;
	[dreg:$0x0] =	wrdreg $0x0  }
0xa8: {  	s4 =	sshll.u32 s28, $0x1;
	[dreg:$0x2] =	wrdreg s2  }
0xa9: {  	[dreg:$0x3] =	wrdreg s4  }
0xaa: {  	[dreg:$0x4] =	wrdreg $0xC0  }
0xab: {  	_ =	task [dreg:s6], $0x5FFFF  }
0xac: {  	[dreg:$0x1] =	wrdreg $0xFFFFFFFF  }
0xad: {  	[dreg:$0x0] =	wrdreg $0x60  }
0xae: {  	[dreg:$0x2] =	wrdreg s24  }
0xaf: {  	[dreg:$0x3] =	wrdreg $0x11880  }
0xb0: {  	[dreg:$0x4] =	wrdreg $0x9  }
0xb1: {  	_ =	task.clear_ibuf [dreg:s6], $0x5FFFF;
	_ =	strace $0x90000052  }
0xb2: {  	s29 =	simm.s32 $0x9;
	_ =	strace $0x80000054  }
0xb3: {  	_ =	swait.ge [sflag:s29], $0x1  }
0xb4: {  	[sflag:s29] =	ssyncadd.s32 $0xFFFFFFFF  }
0xb5: {  	_ =	strace $0x90000054  }
0xb6: {  	_ =	sfence  }
0xb7: {  	s30 =	sld [smem:$0x0];
	_ =	sdelay $0x2  }
0xb8: {  	s31 =	sshll.u32 s1, $0xD;
	s1 =	sshrl.u32 s1, $0x2  }
0xb9: {  	s3 =	sand.u32 $0x4000, s31;
	s1 =	sadd.s32 s1, s30  }
0xba: {  	s0 =	sor.u32 s3, s0;
	s1 =	sshll.u32 s1, $0x11  }
0xbb: {  	s0 =	sor.u32 s1, s0  }
0xbc: {  	s0 =	sadd.s32 $0x8F2B, s0  }
0xbd: {  	[sflag:s0] =	ssyncadd.remote.s32 $0x1  }
0xbe: {  	_ =	sfence.sel $0xFFFF  }
0xbf: {  	[dreg:$0x0] =	wrdreg $0xFFFFFFFF;
	(pc) =	sbr.abs _section_cstart, $3  }
0xc0: {  	[dreg:$0x1] =	wrdreg $0xFFFFFFFF  }
0xc1: {  	_ =	task.clear_ibuf [dreg:s6], $0x2FFFF;
	_ =	strace $0x9FFFFFFF  }
0xc2: {  	(tm) =	ssettm $0x7FFFFFFF  }
0xc3: {  	_ =	shalt  }
tec
execute0_lowered:
.L_overlay_start_1:
0x0: {  	(tag) =	ssettag $0x1  }
0x1: {  	s4 =	rddreg [dreg:$0x0]  }
0x2: {  	s1 =	rddreg [dreg:$0x1]  }
0x3: {  	s0 =	rddreg [dreg:$0x2]  }
0x4: {  	s3 =	srdreg.scid;
	s8 =	stileid.u32  }
0x5: {  	s2 =	simm.s32 $0x0;
	s15 =	simm.s32 $0x8;
	s30 =	smul.u32 $0x2710, s8  }
0x6: {  	s16 =	simm.s32 $0x0;
	s9 =	sand.u32 $0x1, s3;
	s31 =	smul.u32 $0x9C40, s8  }
0x7: {  	s25 =	sshll.u32 s8, $0x1;
	[smem:$0x7FF] =	sst s2;
	s5 =	smul.u32 $0x9C40, s9  }
0x8: {  	s10 =	sadd.s32 $0x39E00, s4;
	s11 =	sadd.s32 $0x8E00, s4;
	s14 =	smul.u32 $0x1388, s9  }
0x9: {  	s3 =	sor.u32 s9, s25;
	s7 =	ssub.s32 $0x2, s9;
	s9 =	smul.u32 $0x4E20, s9  }
0xa: {  	p0 =	sne.s32 s8, $0x0;
	_ =	strace $0x80000053;
	s6 =	smul.u32 $0x1388, s3  }
0xb: {  	s12 =	smul.u32 $0x27100, s3;
	s3 =	sadd.s32 $0xD6200, s4;
	s26 =	sshrl.u32 s7, $0x1  }
0xc: {  	s13 =	sadd.s32 s5, s4;
	s7 =	ssub.s32 s7, s26;
	s28 =	sshrl.u32 s6, $0x3  }
0xd: {  	s29 =	sshrl.u32 s12, $0x3;
	s12 =	sadd.s32 s14, s30;
	s7 =	smax.u32 s7, $0x1  }
0xe: {  	s14 =	simm.s32 $0x1088;
	s5 =	sadd.s32 s11, s28;
	s6 =	sadd.s32 s10, s29  }
0xf: {  	s12 =	sadd.s32 $0x27100, s12;
	s10 =	sadd.s32 s31, s10;
	s4 =	sadd.s32 $0x5090, s5  }
0x10: {  	s5 =	sadd.s32 $0x4E00, s6;
	s6 =	sadd.s32 $0x12E200, s13;
	s12 =	sshrl.u32 s12, $0x3  }
0x11: {  	s8 =	sadd.s32 s9, s10;
	s10 =	sshrl.u32 @!p0 s1, $0x3;
	s13 =	simm.s32 $0x1080  }
0x12: {  	s9 =	sadd.s32 s12, s11;
	s11 =	simm.s32 $0x1;
	s12 =	simm.s32 $0x80  }
.LBB2_1:
0x13: {  	s17 =	simm.s32 @!p0 $0x1C01  }
0x14: {  	[spmem:s10], [sflag:s17] =	dma.local @!p0 [hbm:s3], $0x9C40  }
0x15: {  	s17 =	simm.s32 @!p0 $0x1  }
0x16: {  	_ =	swait.ge @!p0 [sflag:s17], $0x9C40  }
0x17: {  	[sflag:s17] =	ssyncset.done @!p0 $0x0  }
0x18: {  	[sflag:s17] =	ssyncadd.s32 @!p0 $0xFFFF63C0  }
0x19: {  	s31 =	sadd.s32 $0x0, s9;
	[bflag:$0x0] =	sbarrier.arrive $0xFFFF  }
0x1a: {  	[tilespmem:s2], [sflag:$0x1] =	stream.linear.gather [hbm4b:s31+s2], $0x80, $0x38;
	[tilespmem:$0x5FA8] =	vst v63  }
0x1b: {  	_ =	swait.ge [sflag:s11], $0x80  }
0x1c: {  	[sflag:s11] =	ssyncset.done $0x0  }
0x1d: {  	[sflag:s11] =	ssyncadd.s32 $0xFFFFFF80  }
0x1e: {  	[tilespmem:s12], [sflag:$0x1] =	stream.linear.gather [hbm4b:s8+s2], $0x1000, $0x38;
	[tilespmem:$0x5FA8] =	vst v63  }
0x1f: {  	_ =	swait.ge [sflag:s11], $0x1000  }
0x20: {  	[sflag:s11] =	ssyncset.done $0x0  }
0x21: {  	[sflag:s11] =	ssyncadd.s32 $0xFFFFF000  }
0x22: {  	[spmem:s1] =	stream.indirect.scatter.add.f32 [tilespmem:s12], [sflag:$0x1], $0x20, s2, s12, $0xb8;
	[tilespmem:$0x5FA8] =	vst v63  }
0x23: {  	s18 =	simm.s32 $0x10;
	_ =	swait.ge [sflag:s11], $0x1000  }
0x24: {  	s19 =	simm.s32 $0x20;
	s17 =	sadd.s32 $0x200, s8;
	[sflag:s11] =	ssyncset.done $0x0  }
.LBB2_2:
0x25: {  	s20 =	sadd.s32 s18, s9  }
0x26: {  	[sflag:s11] =	ssyncadd.s32 $0xFFFFF000;
	s18 =	smov.u32 s19;
	s21 =	sadd.s32 $0x10, s19  }
0x27: {  	[tilespmem:s2], [sflag:$0x1] =	stream.linear.gather [hbm4b:s20+s2], $0x80, $0x38;
	[tilespmem:$0x5FA8] =	vst v63  }
0x28: {  	p1 =	sne.s32 s19, $0x260;
	_ =	swait.ge [sflag:s11], $0x80  }
0x29: {  	[sflag:s11] =	ssyncset.done $0x0  }
0x2a: {  	[sflag:s11] =	ssyncadd.s32 $0xFFFFFF80  }
0x2b: {  	[tilespmem:s12], [sflag:$0x1] =	stream.linear.gather [hbm4b:s17+s2], $0x1000, $0x38;
	[tilespmem:$0x5FA8] =	vst v63  }
0x2c: {  	_ =	swait.ge [sflag:s11], $0x1000  }
.Ltmp0:
0x2d: {  	[sflag:s11] =	ssyncset.done $0x0;
	(pc) =	sbr.rel @p1 .LBB2_2-.Ltmp0, $4  }
0x2e: {  	[sflag:s11] =	ssyncadd.s32 $0xFFFFF000  }
0x2f: {  	[spmem:s1] =	stream.indirect.scatter.add.f32 [tilespmem:s12], [sflag:$0x1], $0x20, s2, s12, $0xb8;
	[tilespmem:$0x5FA8] =	vst v63  }
0x30: {  	_ =	swait.ge [sflag:s11], $0x1000  }
0x31: {  	s19 =	smov.u32 s21;
	s17 =	sadd.s32 $0x200, s17;
	[sflag:s11] =	ssyncset.done $0x0  }
0x32: {  	s18 =	sadd.s32 s18, s9;
	[sflag:s11] =	ssyncadd.s32 $0xFFFFF000  }
0x33: {  	[tilespmem:s2], [sflag:$0x1] =	stream.linear.gather [hbm4b:s18+s2], $0x80, $0x38;
	[tilespmem:$0x5FA8] =	vst v63  }
0x34: {  	_ =	swait.ge [sflag:s11], $0x80  }
0x35: {  	[sflag:s11] =	ssyncset.done $0x0  }
0x36: {  	[sflag:s11] =	ssyncadd.s32 $0xFFFFFF80  }
0x37: {  	[tilespmem:s12], [sflag:$0x1] =	stream.linear.gather [hbm4b:s17+s2], $0x1000, $0x38;
	[tilespmem:$0x5FA8] =	vst v63  }
0x38: {  	_ =	swait.ge [sflag:s11], $0x1000  }
0x39: {  	[sflag:s11] =	ssyncset.done $0x0  }
0x3a: {  	[sflag:s11] =	ssyncadd.s32 $0xFFFFF000  }
0x3b: {  	[spmem:s1] =	stream.indirect.scatter.add.f32 [tilespmem:s12], [sflag:$0x1], $0x20, s2, s12, $0xb8;
	[tilespmem:$0x5FA8] =	vst v63  }
0x3c: {  	_ =	swait.ge [sflag:s11], $0x1000  }
0x3d: {  	[sflag:s11] =	ssyncset.done $0x0  }
0x3e: {  	[sflag:s11] =	ssyncadd.s32 $0xFFFFF000  }
0x3f: {  	[tilespmem:s13], [sflag:$0x1] =	stream.linear.gather [hbm4b:s4+s2], $0x8, $0x38;
	[tilespmem:$0x5FA8] =	vst v63  }
0x40: {  	_ =	swait.ge [sflag:s11], $0x8  }
0x41: {  	[sflag:s11] =	ssyncset.done $0x0  }
0x42: {  	[sflag:s11] =	ssyncadd.s32 $0xFFFFFFF8  }
0x43: {  	[tilespmem:s14], [sflag:$0x1] =	stream.linear.gather [hbm4b:s5+s2], $0x100, $0x38;
	[tilespmem:$0x5FA8] =	vst v63  }
0x44: {  	_ =	swait.ge [sflag:s11], $0x100  }
0x45: {  	[sflag:s11] =	ssyncset.done $0x0  }
0x46: {  	[sflag:s11] =	ssyncadd.s32 $0xFFFFFF00  }
0x47: {  	[spmem:s1] =	stream.indirect.scatter.add.f32 [tilespmem:s14], [sflag:$0x1], $0x20, s13, s15, $0xb8;
	[tilespmem:$0x5FA8] =	vst v63  }
0x48: {  	_ =	swait.ge [sflag:s11], $0x100  }
0x49: {  	[sflag:s11] =	ssyncset.done $0x0  }
0x4a: {  	s16 =	sadd.s32 $0x1, s16;
	[sflag:s11] =	ssyncadd.s32 $0xFFFFFF00  }
0x4b: {  	p1 =	sne.s32 s16, s7;
	s17 =	simm.s32 @!p0 $0x1C01;
	[bflag:$0x0] =	sbarrier.arrive $0xFFFF  }
0x4c: {  	[hbm:s6], [sflag:s17] =	dma.local @!p0 [spmem:s10], $0x9C40  }
.Ltmp1:
0x4d: {  	_ = 	snop;
	(pc) =	sbr.rel @p1 .LBB2_1-.Ltmp1, $4  }
0x4e: {  	s17 =	simm.s32 @!p0 $0x1  }
0x4f: {  	_ =	swait.ge @!p0 [sflag:s17], $0x9C40  }
0x50: {  	[sflag:s17] =	ssyncset.done @!p0 $0x0  }
0x51: {  	[sflag:s17] =	ssyncadd.s32 @!p0 $0xFFFF63C0  }
0x52: {  	_ =	sfence.sel $0x180000  }
0x53: {  	[bflag:$0x0] =	sbarrier.arrive $0xFFFF  }
0x54: {  	_ =	strace $0x90000053  }
0x55: {  	s0 =	sadd.s32 @!p0 $0x100000, s0;
	[bflag:$0x2] =	sbarrier.arrive $0xFFFF  }
0x56: {  	[sflag:s0] =	ssyncadd.tile.s32 @!p0 $0x1;
	_ =	shalt  }
.Lfunc_end2:
_tile_overlayer_lowered:
.L_overlay_start_2:
0x57: {  	(tag) =	ssettag $0x2  }
0x58: {  	s0 =	rddreg [dreg:$0x0];
	s2 =	stileid.u32  }
0x59: {  	s1 =	rddreg [dreg:$0x1];
	p0 =	sne.s32 s2, $0x0  }
0x5a: {  	s3 =	rddreg [dreg:$0x2];
	[bflag:$0x3] =	sbarrier.arrive $0xFFFF;
	s2 =	simm.s32 @!p0 $0x1C01  }
0x5b: {  	[timem:s3], [sflag:s2] =	dma.local @!p0 [hbm:s0], s1  }
0x5c: {  	s0 =	simm.s32 @!p0 $0x1  }
0x5d: {  	_ =	swait.ge @!p0 [sflag:s0], s1  }
0x5e: {  	s1 =	ssub.s32 @!p0 $0x0, s1;
	[sflag:s0] =	ssyncset.done @!p0 $0x0  }
0x5f: {  	[sflag:s0] =	ssyncadd.s32 @!p0 s1  }
0x60: {  	[bflag:$0x3] =	sbarrier.arrive $0xFFFF  }
0x61: {  	_ =	shalt  }

// kernel: kernel.43.cloned.1.call-start
scs
__scs_entry_jumppad:
0x0: {  	(pc) =	sbr.rel $0x88, $3  }
0x1: {  	(tag) =	ssettag $0x0;
	lr =	simm.s32 $0x1  }
0x2: {  	[smem:$0x3F89] =	sst lr;
	_ =	strace $0xD0000000  }
0x3: {  	_ = 	snop  }
0x4: {  	_ = 	snop  }
0x5: {  	_ = 	snop  }
0x6: {  	_ = 	snop  }
0x7: {  	_ = 	snop  }
__scs_overlays_trampoline_lowered:
0x8: {  	[smem:$0x3F98] =	sst s0  }
0x9: {  	[smem:$0x3F99] =	sst s1  }
0xa: {  	[smem:$0x3F9A] =	sst s2  }
0xb: {  	[smem:$0x3F9B] =	sst s3  }
0xc: {  	[smem:$0x3F9C] =	sst s4  }
0xd: {  	[smem:$0x3F9D] =	sst s5  }
0xe: {  	[smem:$0x3F9E] =	sst s6  }
0xf: {  	[smem:$0x3F9F] =	sst s7  }
0x10: {  	[smem:$0x3FA0] =	sst s8  }
0x11: {  	[smem:$0x3FA1] =	sst s9;
	s0 =	simm.s32 @!p0 $0x0  }
0x12: {  	s1 =	sld [smem:$0x3F87];
	s0 =	simm.s32 @p0 $0x1  }
0x13: {  	[smem:$0x3FA2] =	sst s0;
	s0 =	simm.s32 @!p1 $0x0  }
0x14: {  	s2 =	sld [smem:$0x3F86];
	s0 =	simm.s32 @p1 $0x1  }
0x15: {  	[smem:$0x3FA3] =	sst s0;
	s0 =	simm.s32 @!p2 $0x0  }
0x16: {  	s3 =	sld [smem:$0x3FDB];
	s0 =	simm.s32 @p2 $0x1  }
0x17: {  	s4 =	simm.s32 $0x1BF5;
	[smem:$0x3FA5] =	sst s0  }
0x18: {  	s0 =	sld [smem:$0x3F88];
	_ =	swait.ge [sflag:s4], $0x0  }
0x19: {  	s7 =	sld [smem:$0x3F89]  }
0x1a: {  	s8 =	sadd.s32 $0xFFFFE003, lr  }
0x1b: {  	s9 =	sadd.s32 $0xFFFFFEF7, lr;
	s5 =	simm.s32 $0xFFFFFFFF;
	p2 =	slt.u32 s8, $0xFFFFF086  }
0x1c: {  	p1 =	slt.u32 s9, $0xF7A;
	s5 =	simm.s32 @!p2 $0x0  }
0x1d: {  	s5 =	simm.s32 @p1 $0x1;
	p0 =	seq.s32 s7, s2  }
0x1e: {  	s7 =	smul.u32 @!p0 $0xF7A, s2;
	p2 =	seq.s32 @!p0 s5, $0x0  }
0x1f: {  	s9 =	smul.u32 $0xF7A, s1;
	s8 =	simm.s32 @!p0 $0x1BF5;
	p2 =	por !p2, p0  }
0x20: {  	[sflag:s8] =	ssyncset.s32 @!p0 $0xFFFFF086;
	s6 =	sadd.s32 @!p0 s3, s7;
	s7 =	simm.s32 @!p0 $0x108  }
0x21: {  	s3 =	sadd.s32 s3, s9;
	s6 =	sadd.s32 @!p0 $0x88, s6;
	s7 =	simm.s32 @p2 $0x1082  }
0x22: {  	[simem:s7], [sflag:s8] =	dma.local @!p0 [hbm:s6], $0xF7A  }
0x23: {  	s9 =	sor.u32 $0xD0000000, s2;
	s6 =	simm.s32 $0x108;
	_ =	swait.ge @!p0 [sflag:s8], $0x0  }
0x24: {  	s3 =	sadd.s32 $0x88, s3;
	s6 =	simm.s32 @!p1 $0x1082;
	[sflag:s4] =	ssyncset.s32 $0xFFFFF086  }
0x25: {  	[simem:s6], [sflag:s4] =	dma.local [hbm:s3], $0xF7A  }
0x26: {  	[smem:$0x3F89] =	sst s1;
	(tag) =	ssettag s2;
	_ =	strace s9  }
0x27: {  	s1 =	sld [smem:$0x3F99]  }
0x28: {  	s2 =	sld [smem:$0x3F9A]  }
0x29: {  	s4 =	sld [smem:$0x3F9C]  }
0x2a: {  	p0 =	seq.s32 s5, $0x0;
	s5 =	sld [smem:$0x3F9D]  }
0x2b: {  	s6 =	sld [smem:$0x3F9E]  }
0x2c: {  	s7 =	sld [smem:$0x3F9F]  }
0x2d: {  	s3 =	simm.s32 $0x108;
	s8 =	sld [smem:$0x3FA0]  }
0x2e: {  	s3 =	simm.s32 @!p0 $0x1082;
	s9 =	sld [smem:$0x3FA1]  }
0x2f: {  	lr =	sadd.s32 s0, s3;
	s0 =	sld [smem:$0x3F98]  }
0x30: {  	s3 =	sld [smem:$0x3F9B]  }
0x31: {  	[smem:$0x3FA4] =	sst s10  }
0x32: {  	s10 =	sld [smem:$0x3FA2];
	_ =	sdelay $0x3  }
0x33: {  	p0 =	seq.s32 s10, $0x1;
	s10 =	sld [smem:$0x3FA4];
	_ =	sdelay $0x3  }
0x34: {  	[smem:$0x3FA4] =	sst s10  }
0x35: {  	s10 =	sld [smem:$0x3FA3];
	_ =	sdelay $0x3  }
0x36: {  	p1 =	seq.s32 s10, $0x1;
	s10 =	sld [smem:$0x3FA4];
	_ =	sdelay $0x3  }
0x37: {  	[smem:$0x3FA4] =	sst s10  }
0x38: {  	s10 =	sld [smem:$0x3FA5]  }
0x39: {  	_ = 	snop;
	(pc) =	sbr.ind lr, $3  }
0x3a: {  	_ = 	snop  }
0x3b: {  	_ = 	snop  }
0x3c: {  	p2 =	seq.s32 s10, $0x1;
	s10 =	sld [smem:$0x3FA4]  }
0x3d: {  	_ =	shalt  }
0x3e: {  	_ =	shalt  }
0x3f: {  	_ =	shalt  }
0x40: {  	_ =	shalt  }
0x41: {  	_ =	shalt  }
0x42: {  	_ =	shalt  }
0x43: {  	_ =	shalt  }
0x44: {  	_ =	shalt  }
0x45: {  	_ =	shalt  }
0x46: {  	_ =	shalt  }
0x47: {  	_ =	shalt  }
0x48: {  	_ =	shalt  }
0x49: {  	_ =	shalt  }
0x4a: {  	_ =	shalt  }
0x4b: {  	_ =	shalt  }
0x4c: {  	_ =	shalt  }
0x4d: {  	_ =	shalt  }
0x4e: {  	_ =	shalt  }
0x4f: {  	_ =	shalt  }
0x50: {  	_ =	shalt  }
0x51: {  	_ =	shalt  }
0x52: {  	_ =	shalt  }
0x53: {  	_ =	shalt  }
0x54: {  	_ =	shalt  }
0x55: {  	_ =	shalt  }
0x56: {  	_ =	shalt  }
0x57: {  	_ =	shalt  }
0x58: {  	_ =	shalt  }
0x59: {  	_ =	shalt  }
0x5a: {  	_ =	shalt  }
0x5b: {  	_ =	shalt  }
0x5c: {  	_ =	shalt  }
0x5d: {  	_ =	shalt  }
0x5e: {  	_ =	shalt  }
0x5f: {  	_ =	shalt  }
0x60: {  	_ =	shalt  }
0x61: {  	_ =	shalt  }
0x62: {  	_ =	shalt  }
0x63: {  	_ =	shalt  }
0x64: {  	_ =	shalt  }
0x65: {  	_ =	shalt  }
0x66: {  	_ =	shalt  }
0x67: {  	_ =	shalt  }
0x68: {  	_ =	shalt  }
0x69: {  	_ =	shalt  }
0x6a: {  	_ =	shalt  }
0x6b: {  	_ =	shalt  }
0x6c: {  	_ =	shalt  }
0x6d: {  	_ =	shalt  }
0x6e: {  	_ =	shalt  }
0x6f: {  	_ =	shalt  }
0x70: {  	_ =	shalt  }
0x71: {  	_ =	shalt  }
0x72: {  	_ =	shalt  }
0x73: {  	_ =	shalt  }
0x74: {  	_ =	shalt  }
0x75: {  	_ =	shalt  }
0x76: {  	_ =	shalt  }
0x77: {  	_ =	shalt  }
0x78: {  	_ =	shalt  }
0x79: {  	_ =	shalt  }
0x7a: {  	_ =	shalt  }
0x7b: {  	_ =	shalt  }
0x7c: {  	_ =	shalt  }
0x7d: {  	_ =	shalt  }
0x7e: {  	_ =	shalt  }
0x7f: {  	_ =	shalt  }
0x80: {  	_ =	shalt  }
0x81: {  	_ =	shalt  }
0x82: {  	_ =	shalt  }
0x83: {  	_ =	shalt  }
0x84: {  	_ =	shalt  }
0x85: {  	_ =	shalt  }
0x86: {  	_ =	shalt  }
0x87: {  	_ =	shalt  }
.Lfunc_end0:
.L_simem_size_0:
called_computation.5_lowered:
.L_overlay_start_0:
0x88: {  	s2 =	sld [smem:$0x3FD9]  }
0x89: {  	s3 =	sld [smem:$0x3FFE];
	_ =	sdelay $0x1  }
0x8a: {  	s1 =	srdreg.scid  }
0x8b: {  	s0 =	sand.u32 $0x1, s1  }
0x8c: {  	s16 =	sshll.u32 s0, $0xA;
	s2 =	sadd.s32 s3, s2  }
0x8d: {  	s2 =	sadd.s32 s2, s16  }
0x8e: {  	[smem:$0x3FB0] =	sst s2  }
0x8f: {  	_ = 	snop  }
0x90: {  	(tm) =	ssettm $0x1  }
0x91: {  	s17 =	sld [smem:$0x3FFB];
	_ =	sdelay $0x3  }
0x92: {  	_ =	strace s17  }
0x93: {  	s2 =	sld [smem:$0x3FFC];
	_ =	sdelay $0x3  }
0x94: {  	_ =	strace s2  }
0x95: {  	s2 =	sld [smem:$0x3FFD];
	_ =	sdelay $0x3  }
0x96: {  	_ =	strace s2  }
0x97: {  	_ =	strace $0x8FFFFFFF  }
0x98: {  	s18 =	sld [smem:$0x3FDB];
	_ =	sdelay $0x1  }
0x99: {  	s19 =	simm.s32 $_scs_section_size  }
0x9a: {  	s4 =	simm.s32 $_size__tile_overlayer_lowered;
	s5 =	simm.s32 $_tile_overlayer_lowered  }
0x9b: {  	s22 =	simm.s32 $0x1BFF;
	s21 =	sshll.u32 s5, $0x1;
	s2 =	sadd.s32 s19, s18  }
0x9c: {  	s6 =	simm.s32 $0x0;
	s20 =	sshll.u32 s4, $0x1;
	s4 =	sadd.s32 s21, s2  }
0x9d: {  	[timem:s6], [sflag:s22] =	dma.local [hbm:s4], s20  }
0x9e: {  	_ =	swait.ge [sflag:s22], s20  }
0x9f: {  	s3 =	ssub.s32 $0x0, s20;
	[sflag:s22] =	ssyncset.done $0x0  }
0xa0: {  	[sflag:s22] =	ssyncadd.s32 s3;
	_ =	sdelay $0x1  }
0xa1: {  	s23 =	simm.s32 $0x1B8B  }
0xa2: {  	_ =	swait.ge [sflag:s23], $0x1  }
0xa3: {  	[sflag:s23] =	ssyncset.done $0x0  }
0xa4: {  	s25 =	simm.s32 $0x1B8E;
	s24 =	sld [smem:$0x3FFE];
	[sflag:s23] =	ssyncadd.s32 $0xFFFFFFFF  }
0xa5: {  	s26 =	simm.s32 $execute0_lowered;
	[smem:$0x3FD2] =	sst s25  }
0xa6: {  	s4 =	sshll.u32 s26, $0x1;
	_ =	strace $0x80000055;
	[dreg:$0x1] =	wrdreg $0xFFFFFFFF  }
0xa7: {  	s28 =	simm.s32 $_size_execute0_lowered;
	s2 =	sadd.s32 s2, s4;
	[dreg:$0x0] =	wrdreg $0x0  }
0xa8: {  	s4 =	sshll.u32 s28, $0x1;
	[dreg:$0x2] =	wrdreg s2  }
0xa9: {  	[dreg:$0x3] =	wrdreg s4  }
0xaa: {  	[dreg:$0x4] =	wrdreg $0xC0  }
0xab: {  	_ =	task [dreg:s6], $0x5FFFF  }
0xac: {  	[dreg:$0x1] =	wrdreg $0xFFFFFFFF  }
0xad: {  	[dreg:$0x0] =	wrdreg $0x60  }
0xae: {  	[dreg:$0x2] =	wrdreg s24  }
0xaf: {  	[dreg:$0x3] =	wrdreg $0x9  }
0xb0: {  	_ =	task.clear_ibuf [dreg:s6], $0x4FFFF;
	_ =	strace $0x90000055  }
0xb1: {  	s29 =	simm.s32 $0x9;
	_ =	strace $0x80000057  }
0xb2: {  	_ =	swait.ge [sflag:s29], $0x1  }
0xb3: {  	[sflag:s29] =	ssyncadd.s32 $0xFFFFFFFF  }
0xb4: {  	_ =	strace $0x90000057  }
0xb5: {  	_ =	sfence  }
0xb6: {  	s30 =	sld [smem:$0x0];
	_ =	sdelay $0x2  }
0xb7: {  	s31 =	sshll.u32 s1, $0xD;
	s1 =	sshrl.u32 s1, $0x2  }
0xb8: {  	s3 =	sand.u32 $0x4000, s31;
	s1 =	sadd.s32 s1, s30  }
0xb9: {  	s0 =	sor.u32 s3, s0;
	s1 =	sshll.u32 s1, $0x11  }
0xba: {  	s0 =	sor.u32 s1, s0  }
0xbb: {  	s0 =	sadd.s32 $0x8F2B, s0  }
0xbc: {  	[sflag:s0] =	ssyncadd.remote.s32 $0x1  }
0xbd: {  	_ =	sfence.sel $0xFFFF  }
0xbe: {  	[dreg:$0x0] =	wrdreg $0xFFFFFFFF;
	(pc) =	sbr.abs _section_cstart, $3  }
0xbf: {  	[dreg:$0x1] =	wrdreg $0xFFFFFFFF  }
0xc0: {  	_ =	task.clear_ibuf [dreg:s6], $0x2FFFF;
	_ =	strace $0x9FFFFFFF  }
0xc1: {  	(tm) =	ssettm $0x7FFFFFFF  }
tec
execute0_lowered:
.L_overlay_start_1:
0x0: {  	(tag) =	ssettag $0x1  }
0x1: {  	s4 =	rddreg [dreg:$0x0]  }
0x2: {  	s0 =	rddreg [dreg:$0x1];
	s3 =	srdreg.scid  }
0x3: {  	s1 =	stileid.u32;
	s2 =	simm.s32 $0x0;
	s14 =	simm.s32 $0x1088  }
0x4: {  	s15 =	simm.s32 $0x0;
	s6 =	sand.u32 $0x1, s3;
	s28 =	sshll.u32 s1, $0x1  }
0x5: {  	[smem:$0x7FF] =	sst s2;
	s3 =	sadd.s32 $0x39E00, s4;
	s10 =	smul.u32 $0x2710, s1  }
0x6: {  	s8 =	sadd.s32 $0x8E00, s4;
	s7 =	sadd.s32 $0x12E200, s4;
	s12 =	smul.u32 $0x9C40, s1  }
0x7: {  	s5 =	sor.u32 s6, s28;
	s29 =	ssub.s32 $0x2, s6;
	s11 =	smul.u32 $0x1388, s6  }
0x8: {  	_ =	strace $0x80000056;
	s5 =	smul.u32 $0x1388, s5;
	s9 =	sshrl.u32 s29, $0x1  }
0x9: {  	s13 =	smul.u32 $0x4E20, s6;
	s9 =	ssub.s32 s29, s9;
	s10 =	sadd.s32 s11, s10  }
0xa: {  	s11 =	simm.s32 $0x1;
	s5 =	sadd.s32 $0x1380, s5;
	s6 =	smax.u32 s9, $0x1  }
0xb: {  	s31 =	sshrl.u32 s10, $0x3;
	s9 =	simm.s32 $0x2;
	s30 =	sshrl.u32 s5, $0x3  }
0xc: {  	s10 =	simm.s32 $0x80;
	s5 =	sshll.u32 s5, $0x2;
	s4 =	sadd.s32 s8, s30  }
0xd: {  	s5 =	sadd.s32 s7, s5;
	s7 =	sadd.s32 s12, s7;
	s8 =	sadd.s32 s31, s8  }
0xe: {  	s12 =	simm.s32 $0x1080;
	s7 =	sadd.s32 s13, s7;
	s13 =	simm.s32 $0x8  }
.LBB2_1:
0xf: {  	s16 =	sadd.s32 $0x0, s8  }
0x10: {  	[tilespmem:s2], [sflag:$0x2] =	stream.linear.gather [hbm4b:s16+s2], $0x80, $0x38;
	[tilespmem:$0x1188] =	vst v63  }
0x11: {  	_ =	swait.ge [sflag:s9], $0x80  }
0x12: {  	[sflag:s9] =	ssyncset.done $0x0  }
0x13: {  	[sflag:s9] =	ssyncadd.s32 $0xFFFFFF80  }
0x14: {  	[tilespmem:s10], [sflag:$0x1] =	stream.indirect.gather [hbm4b:s3+s10], $0x20, s2, s10, $0xb8;
	[tilespmem:$0x1188] =	vst v63  }
0x15: {  	_ =	swait.ge [sflag:s11], $0x1000  }
0x16: {  	[sflag:s11] =	ssyncset.done $0x0  }
0x17: {  	[sflag:s11] =	ssyncadd.s32 $0xFFFFF000  }
0x18: {  	[hbm4b:s7+s2] =	stream.linear.scatter [tilespmem:s10], [sflag:$0x2], $0x1000, $0x38;
	[tilespmem:$0x1188] =	vst v63  }
0x19: {  	s17 =	simm.s32 $0x10;
	_ =	swait.ge [sflag:s9], $0x1000  }
0x1a: {  	s18 =	simm.s32 $0x20;
	s16 =	sadd.s32 $0x200, s7;
	[sflag:s9] =	ssyncset.done $0x0  }
.LBB2_2:
0x1b: {  	s19 =	sadd.s32 s17, s8  }
0x1c: {  	[sflag:s9] =	ssyncadd.s32 $0xFFFFF000;
	s17 =	smov.u32 s18;
	s20 =	sadd.s32 $0x10, s18  }
0x1d: {  	[tilespmem:s2], [sflag:$0x2] =	stream.linear.gather [hbm4b:s19+s2], $0x80, $0x38;
	[tilespmem:$0x1188] =	vst v63  }
0x1e: {  	p0 =	sne.s32 s18, $0x260;
	_ =	swait.ge [sflag:s9], $0x80  }
0x1f: {  	[sflag:s9] =	ssyncset.done $0x0  }
0x20: {  	[sflag:s9] =	ssyncadd.s32 $0xFFFFFF80  }
0x21: {  	[tilespmem:s10], [sflag:$0x1] =	stream.indirect.gather [hbm4b:s3+s10], $0x20, s2, s10, $0xb8;
	[tilespmem:$0x1188] =	vst v63  }
0x22: {  	_ =	swait.ge [sflag:s11], $0x1000  }
.Ltmp0:
0x23: {  	[sflag:s11] =	ssyncset.done $0x0;
	(pc) =	sbr.rel @p0 .LBB2_2-.Ltmp0, $4  }
0x24: {  	[sflag:s11] =	ssyncadd.s32 $0xFFFFF000  }
0x25: {  	[hbm4b:s16+s2] =	stream.linear.scatter [tilespmem:s10], [sflag:$0x2], $0x1000, $0x38;
	[tilespmem:$0x1188] =	vst v63  }
0x26: {  	_ =	swait.ge [sflag:s9], $0x1000  }
0x27: {  	s18 =	smov.u32 s20;
	s16 =	sadd.s32 $0x200, s16;
	[sflag:s9] =	ssyncset.done $0x0  }
0x28: {  	s17 =	sadd.s32 s17, s8;
	[sflag:s9] =	ssyncadd.s32 $0xFFFFF000  }
0x29: {  	[tilespmem:s2], [sflag:$0x2] =	stream.linear.gather [hbm4b:s17+s2], $0x80, $0x38;
	[tilespmem:$0x1188] =	vst v63  }
0x2a: {  	_ =	swait.ge [sflag:s9], $0x80  }
0x2b: {  	[sflag:s9] =	ssyncset.done $0x0  }
0x2c: {  	[sflag:s9] =	ssyncadd.s32 $0xFFFFFF80  }
0x2d: {  	[tilespmem:s10], [sflag:$0x1] =	stream.indirect.gather [hbm4b:s3+s10], $0x20, s2, s10, $0xb8;
	[tilespmem:$0x1188] =	vst v63  }
0x2e: {  	_ =	swait.ge [sflag:s11], $0x1000  }
0x2f: {  	[sflag:s11] =	ssyncset.done $0x0  }
0x30: {  	[sflag:s11] =	ssyncadd.s32 $0xFFFFF000  }
0x31: {  	[hbm4b:s16+s2] =	stream.linear.scatter [tilespmem:s10], [sflag:$0x2], $0x1000, $0x38;
	[tilespmem:$0x1188] =	vst v63  }
0x32: {  	_ =	swait.ge [sflag:s9], $0x1000  }
0x33: {  	[sflag:s9] =	ssyncset.done $0x0  }
0x34: {  	[sflag:s9] =	ssyncadd.s32 $0xFFFFF000  }
0x35: {  	[tilespmem:s12], [sflag:$0x2] =	stream.linear.gather [hbm4b:s4+s2], $0x8, $0x38;
	[tilespmem:$0x1188] =	vst v63  }
0x36: {  	_ =	swait.ge [sflag:s9], $0x8  }
0x37: {  	[sflag:s9] =	ssyncset.done $0x0  }
0x38: {  	[sflag:s9] =	ssyncadd.s32 $0xFFFFFFF8  }
0x39: {  	[tilespmem:s14], [sflag:$0x1] =	stream.indirect.gather [hbm4b:s3+s13], $0x20, s12, s13, $0xb8;
	[tilespmem:$0x1188] =	vst v63  }
0x3a: {  	s15 =	sadd.s32 $0x1, s15;
	_ =	swait.ge [sflag:s11], $0x100  }
0x3b: {  	p0 =	sne.s32 s15, s6;
	[sflag:s11] =	ssyncset.done $0x0  }
.Ltmp1:
0x3c: {  	[sflag:s11] =	ssyncadd.s32 $0xFFFFFF00;
	(pc) =	sbr.rel @p0 .LBB2_1-.Ltmp1, $4  }
0x3d: {  	[hbm4b:s5+s2] =	stream.linear.scatter [tilespmem:s14], [sflag:$0x2], $0x100, $0x38;
	[tilespmem:$0x1188] =	vst v63  }
0x3e: {  	_ =	swait.ge [sflag:s9], $0x100  }
0x3f: {  	[sflag:s9] =	ssyncset.done $0x0  }
0x40: {  	[sflag:s9] =	ssyncadd.s32 $0xFFFFFF00  }
0x41: {  	_ =	sfence.sel $0x180000  }
0x42: {  	[bflag:$0x0] =	sbarrier.arrive $0xFFFF  }
0x43: {  	p0 =	sne.s32 s1, $0x0;
	_ =	strace $0x90000056  }
0x44: {  	s0 =	sadd.s32 @!p0 $0x100000, s0;
	[bflag:$0x2] =	sbarrier.arrive $0xFFFF  }
0x45: {  	[sflag:s0] =	ssyncadd.tile.s32 @!p0 $0x1;
	_ =	shalt  }
.Lfunc_end2:
_tile_overlayer_lowered:
.L_overlay_start_2:
0x46: {  	(tag) =	ssettag $0x2  }
0x47: {  	s0 =	rddreg [dreg:$0x0];
	s2 =	stileid.u32  }
0x48: {  	s1 =	rddreg [dreg:$0x1];
	p0 =	sne.s32 s2, $0x0  }
0x49: {  	s3 =	rddreg [dreg:$0x2];
	[bflag:$0x3] =	sbarrier.arrive $0xFFFF;
	s2 =	simm.s32 @!p0 $0x1C02  }
0x4a: {  	[timem:s3], [sflag:s2] =	dma.local @!p0 [hbm:s0], s1  }
0x4b: {  	s0 =	simm.s32 @!p0 $0x2  }
0x4c: {  	_ =	swait.ge @!p0 [sflag:s0], s1  }
0x4d: {  	s1 =	ssub.s32 @!p0 $0x0, s1;
	[sflag:s0] =	ssyncset.done @!p0 $0x0  }
0x4e: {  	[sflag:s0] =	ssyncadd.s32 @!p0 s1  }
0x4f: {  	[bflag:$0x3] =	sbarrier.arrive $0xFFFF  }
0x50: {  	_ =	shalt  }

// kernel: kernel.46.cloned.1.call-start
scs
__scs_entry_jumppad:
0x0: {  	(pc) =	sbr.rel $0x88, $3  }
0x1: {  	(tag) =	ssettag $0x0;
	lr =	simm.s32 $0x1  }
0x2: {  	[smem:$0x3F89] =	sst lr;
	_ =	strace $0xD0000000  }
0x3: {  	_ = 	snop  }
0x4: {  	_ = 	snop  }
0x5: {  	_ = 	snop  }
0x6: {  	_ = 	snop  }
0x7: {  	_ = 	snop  }
__scs_overlays_trampoline_lowered:
0x8: {  	[smem:$0x3F98] =	sst s0  }
0x9: {  	[smem:$0x3F99] =	sst s1  }
0xa: {  	[smem:$0x3F9A] =	sst s2  }
0xb: {  	[smem:$0x3F9B] =	sst s3  }
0xc: {  	[smem:$0x3F9C] =	sst s4  }
0xd: {  	[smem:$0x3F9D] =	sst s5  }
0xe: {  	[smem:$0x3F9E] =	sst s6  }
0xf: {  	[smem:$0x3F9F] =	sst s7  }
0x10: {  	[smem:$0x3FA0] =	sst s8  }
0x11: {  	[smem:$0x3FA1] =	sst s9;
	s0 =	simm.s32 @!p0 $0x0  }
0x12: {  	s1 =	sld [smem:$0x3F87];
	s0 =	simm.s32 @p0 $0x1  }
0x13: {  	[smem:$0x3FA2] =	sst s0;
	s0 =	simm.s32 @!p1 $0x0  }
0x14: {  	s2 =	sld [smem:$0x3F86];
	s0 =	simm.s32 @p1 $0x1  }
0x15: {  	[smem:$0x3FA3] =	sst s0;
	s0 =	simm.s32 @!p2 $0x0  }
0x16: {  	s3 =	sld [smem:$0x3FDB];
	s0 =	simm.s32 @p2 $0x1  }
0x17: {  	s4 =	simm.s32 $0x1BF5;
	[smem:$0x3FA5] =	sst s0  }
0x18: {  	s0 =	sld [smem:$0x3F88];
	_ =	swait.ge [sflag:s4], $0x0  }
0x19: {  	s7 =	sld [smem:$0x3F89]  }
0x1a: {  	s8 =	sadd.s32 $0xFFFFE003, lr  }
0x1b: {  	s9 =	sadd.s32 $0xFFFFFEF7, lr;
	s5 =	simm.s32 $0xFFFFFFFF;
	p2 =	slt.u32 s8, $0xFFFFF086  }
0x1c: {  	p1 =	slt.u32 s9, $0xF7A;
	s5 =	simm.s32 @!p2 $0x0  }
0x1d: {  	s5 =	simm.s32 @p1 $0x1;
	p0 =	seq.s32 s7, s2  }
0x1e: {  	s7 =	smul.u32 @!p0 $0xF7A, s2;
	p2 =	seq.s32 @!p0 s5, $0x0  }
0x1f: {  	s9 =	smul.u32 $0xF7A, s1;
	s8 =	simm.s32 @!p0 $0x1BF5;
	p2 =	por !p2, p0  }
0x20: {  	[sflag:s8] =	ssyncset.s32 @!p0 $0xFFFFF086;
	s6 =	sadd.s32 @!p0 s3, s7;
	s7 =	simm.s32 @!p0 $0x108  }
0x21: {  	s3 =	sadd.s32 s3, s9;
	s6 =	sadd.s32 @!p0 $0x88, s6;
	s7 =	simm.s32 @p2 $0x1082  }
0x22: {  	[simem:s7], [sflag:s8] =	dma.local @!p0 [hbm:s6], $0xF7A  }
0x23: {  	s9 =	sor.u32 $0xD0000000, s2;
	s6 =	simm.s32 $0x108;
	_ =	swait.ge @!p0 [sflag:s8], $0x0  }
0x24: {  	s3 =	sadd.s32 $0x88, s3;
	s6 =	simm.s32 @!p1 $0x1082;
	[sflag:s4] =	ssyncset.s32 $0xFFFFF086  }
0x25: {  	[simem:s6], [sflag:s4] =	dma.local [hbm:s3], $0xF7A  }
0x26: {  	[smem:$0x3F89] =	sst s1;
	(tag) =	ssettag s2;
	_ =	strace s9  }
0x27: {  	s1 =	sld [smem:$0x3F99]  }
0x28: {  	s2 =	sld [smem:$0x3F9A]  }
0x29: {  	s4 =	sld [smem:$0x3F9C]  }
0x2a: {  	p0 =	seq.s32 s5, $0x0;
	s5 =	sld [smem:$0x3F9D]  }
0x2b: {  	s6 =	sld [smem:$0x3F9E]  }
0x2c: {  	s7 =	sld [smem:$0x3F9F]  }
0x2d: {  	s3 =	simm.s32 $0x108;
	s8 =	sld [smem:$0x3FA0]  }
0x2e: {  	s3 =	simm.s32 @!p0 $0x1082;
	s9 =	sld [smem:$0x3FA1]  }
0x2f: {  	lr =	sadd.s32 s0, s3;
	s0 =	sld [smem:$0x3F98]  }
0x30: {  	s3 =	sld [smem:$0x3F9B]  }
0x31: {  	[smem:$0x3FA4] =	sst s10  }
0x32: {  	s10 =	sld [smem:$0x3FA2];
	_ =	sdelay $0x3  }
0x33: {  	p0 =	seq.s32 s10, $0x1;
	s10 =	sld [smem:$0x3FA4];
	_ =	sdelay $0x3  }
0x34: {  	[smem:$0x3FA4] =	sst s10  }
0x35: {  	s10 =	sld [smem:$0x3FA3];
	_ =	sdelay $0x3  }
0x36: {  	p1 =	seq.s32 s10, $0x1;
	s10 =	sld [smem:$0x3FA4];
	_ =	sdelay $0x3  }
0x37: {  	[smem:$0x3FA4] =	sst s10  }
0x38: {  	s10 =	sld [smem:$0x3FA5]  }
0x39: {  	_ = 	snop;
	(pc) =	sbr.ind lr, $3  }
0x3a: {  	_ = 	snop  }
0x3b: {  	_ = 	snop  }
0x3c: {  	p2 =	seq.s32 s10, $0x1;
	s10 =	sld [smem:$0x3FA4]  }
0x3d: {  	_ =	shalt  }
0x3e: {  	_ =	shalt  }
0x3f: {  	_ =	shalt  }
0x40: {  	_ =	shalt  }
0x41: {  	_ =	shalt  }
0x42: {  	_ =	shalt  }
0x43: {  	_ =	shalt  }
0x44: {  	_ =	shalt  }
0x45: {  	_ =	shalt  }
0x46: {  	_ =	shalt  }
0x47: {  	_ =	shalt  }
0x48: {  	_ =	shalt  }
0x49: {  	_ =	shalt  }
0x4a: {  	_ =	shalt  }
0x4b: {  	_ =	shalt  }
0x4c: {  	_ =	shalt  }
0x4d: {  	_ =	shalt  }
0x4e: {  	_ =	shalt  }
0x4f: {  	_ =	shalt  }
0x50: {  	_ =	shalt  }
0x51: {  	_ =	shalt  }
0x52: {  	_ =	shalt  }
0x53: {  	_ =	shalt  }
0x54: {  	_ =	shalt  }
0x55: {  	_ =	shalt  }
0x56: {  	_ =	shalt  }
0x57: {  	_ =	shalt  }
0x58: {  	_ =	shalt  }
0x59: {  	_ =	shalt  }
0x5a: {  	_ =	shalt  }
0x5b: {  	_ =	shalt  }
0x5c: {  	_ =	shalt  }
0x5d: {  	_ =	shalt  }
0x5e: {  	_ =	shalt  }
0x5f: {  	_ =	shalt  }
0x60: {  	_ =	shalt  }
0x61: {  	_ =	shalt  }
0x62: {  	_ =	shalt  }
0x63: {  	_ =	shalt  }
0x64: {  	_ =	shalt  }
0x65: {  	_ =	shalt  }
0x66: {  	_ =	shalt  }
0x67: {  	_ =	shalt  }
0x68: {  	_ =	shalt  }
0x69: {  	_ =	shalt  }
0x6a: {  	_ =	shalt  }
0x6b: {  	_ =	shalt  }
0x6c: {  	_ =	shalt  }
0x6d: {  	_ =	shalt  }
0x6e: {  	_ =	shalt  }
0x6f: {  	_ =	shalt  }
0x70: {  	_ =	shalt  }
0x71: {  	_ =	shalt  }
0x72: {  	_ =	shalt  }
0x73: {  	_ =	shalt  }
0x74: {  	_ =	shalt  }
0x75: {  	_ =	shalt  }
0x76: {  	_ =	shalt  }
0x77: {  	_ =	shalt  }
0x78: {  	_ =	shalt  }
0x79: {  	_ =	shalt  }
0x7a: {  	_ =	shalt  }
0x7b: {  	_ =	shalt  }
0x7c: {  	_ =	shalt  }
0x7d: {  	_ =	shalt  }
0x7e: {  	_ =	shalt  }
0x7f: {  	_ =	shalt  }
0x80: {  	_ =	shalt  }
0x81: {  	_ =	shalt  }
0x82: {  	_ =	shalt  }
0x83: {  	_ =	shalt  }
0x84: {  	_ =	shalt  }
0x85: {  	_ =	shalt  }
0x86: {  	_ =	shalt  }
0x87: {  	_ =	shalt  }
.Lfunc_end0:
.L_simem_size_0:
called_computation.6_lowered:
.L_overlay_start_0:
0x88: {  	s2 =	sld [smem:$0x3FD9]  }
0x89: {  	s3 =	sld [smem:$0x3FFE];
	_ =	sdelay $0x1  }
0x8a: {  	s1 =	srdreg.scid  }
0x8b: {  	s0 =	sand.u32 $0x1, s1  }
0x8c: {  	s16 =	sshll.u32 s0, $0xA;
	s2 =	sadd.s32 s3, s2  }
0x8d: {  	s2 =	sadd.s32 s2, s16  }
0x8e: {  	[smem:$0x3FB0] =	sst s2  }
0x8f: {  	_ = 	snop  }
0x90: {  	(tm) =	ssettm $0x1  }
0x91: {  	s17 =	sld [smem:$0x3FFB];
	_ =	sdelay $0x3  }
0x92: {  	_ =	strace s17  }
0x93: {  	s2 =	sld [smem:$0x3FFC];
	_ =	sdelay $0x3  }
0x94: {  	_ =	strace s2  }
0x95: {  	s2 =	sld [smem:$0x3FFD];
	_ =	sdelay $0x3  }
0x96: {  	_ =	strace s2  }
0x97: {  	_ =	strace $0x8FFFFFFF  }
0x98: {  	s18 =	sld [smem:$0x3FDB];
	_ =	sdelay $0x1  }
0x99: {  	s19 =	simm.s32 $_scs_section_size  }
0x9a: {  	s4 =	simm.s32 $_size__tile_overlayer_lowered;
	s5 =	simm.s32 $_tile_overlayer_lowered  }
0x9b: {  	s22 =	simm.s32 $0x1BFF;
	s21 =	sshll.u32 s5, $0x1;
	s2 =	sadd.s32 s19, s18  }
0x9c: {  	s6 =	simm.s32 $0x0;
	s20 =	sshll.u32 s4, $0x1;
	s4 =	sadd.s32 s21, s2  }
0x9d: {  	[timem:s6], [sflag:s22] =	dma.local [hbm:s4], s20  }
0x9e: {  	_ =	swait.ge [sflag:s22], s20  }
0x9f: {  	s3 =	ssub.s32 $0x0, s20;
	[sflag:s22] =	ssyncset.done $0x0  }
0xa0: {  	[sflag:s22] =	ssyncadd.s32 s3;
	_ =	sdelay $0x1  }
0xa1: {  	s23 =	simm.s32 $0x1B8B  }
0xa2: {  	_ =	swait.ge [sflag:s23], $0x1  }
0xa3: {  	[sflag:s23] =	ssyncset.done $0x0  }
0xa4: {  	s25 =	simm.s32 $0x1B8E;
	s24 =	sld [smem:$0x3FFE];
	[sflag:s23] =	ssyncadd.s32 $0xFFFFFFFF  }
0xa5: {  	s26 =	simm.s32 $execute0_lowered;
	[smem:$0x3FD2] =	sst s25  }
0xa6: {  	s4 =	sshll.u32 s26, $0x1;
	_ =	strace $0x80000058;
	[dreg:$0x1] =	wrdreg $0xFFFFFFFF  }
0xa7: {  	s28 =	simm.s32 $_size_execute0_lowered;
	s2 =	sadd.s32 s2, s4;
	[dreg:$0x0] =	wrdreg $0x0  }
0xa8: {  	s4 =	sshll.u32 s28, $0x1;
	[dreg:$0x2] =	wrdreg s2  }
0xa9: {  	[dreg:$0x3] =	wrdreg s4  }
0xaa: {  	[dreg:$0x4] =	wrdreg $0xC0  }
0xab: {  	_ =	task [dreg:s6], $0x5FFFF  }
0xac: {  	[dreg:$0x1] =	wrdreg $0xFFFFFFFF  }
0xad: {  	[dreg:$0x0] =	wrdreg $0x60  }
0xae: {  	[dreg:$0x2] =	wrdreg s24  }
0xaf: {  	[dreg:$0x3] =	wrdreg $0x11880  }
0xb0: {  	[dreg:$0x4] =	wrdreg $0x9  }
0xb1: {  	_ =	task.clear_ibuf [dreg:s6], $0x5FFFF;
	_ =	strace $0x90000058  }
0xb2: {  	s29 =	simm.s32 $0x9;
	_ =	strace $0x8000005A  }
0xb3: {  	_ =	swait.ge [sflag:s29], $0x1  }
0xb4: {  	[sflag:s29] =	ssyncadd.s32 $0xFFFFFFFF  }
0xb5: {  	_ =	strace $0x9000005A  }
0xb6: {  	_ =	sfence  }
0xb7: {  	s30 =	sld [smem:$0x0];
	_ =	sdelay $0x2  }
0xb8: {  	s31 =	sshll.u32 s1, $0xD;
	s1 =	sshrl.u32 s1, $0x2  }
0xb9: {  	s3 =	sand.u32 $0x4000, s31;
	s1 =	sadd.s32 s1, s30  }
0xba: {  	s0 =	sor.u32 s3, s0;
	s1 =	sshll.u32 s1, $0x11  }
0xbb: {  	s0 =	sor.u32 s1, s0  }
0xbc: {  	s0 =	sadd.s32 $0x8F2B, s0  }
0xbd: {  	[sflag:s0] =	ssyncadd.remote.s32 $0x1  }
0xbe: {  	_ =	sfence.sel $0xFFFF  }
0xbf: {  	[dreg:$0x0] =	wrdreg $0xFFFFFFFF;
	(pc) =	sbr.abs _section_cstart, $3  }
0xc0: {  	[dreg:$0x1] =	wrdreg $0xFFFFFFFF  }
0xc1: {  	_ =	task.clear_ibuf [dreg:s6], $0x2FFFF;
	_ =	strace $0x9FFFFFFF  }
0xc2: {  	(tm) =	ssettm $0x7FFFFFFF  }
0xc3: {  	_ =	shalt  }
tec
execute0_lowered:
.L_overlay_start_1:
0x0: {  	(tag) =	ssettag $0x1  }
0x1: {  	s4 =	rddreg [dreg:$0x0]  }
0x2: {  	s1 =	rddreg [dreg:$0x1]  }
0x3: {  	s0 =	rddreg [dreg:$0x2]  }
0x4: {  	s3 =	srdreg.scid;
	s8 =	stileid.u32  }
0x5: {  	s2 =	simm.s32 $0x0;
	s15 =	simm.s32 $0x8;
	s30 =	smul.u32 $0x2710, s8  }
0x6: {  	s16 =	simm.s32 $0x0;
	s9 =	sand.u32 $0x1, s3;
	s31 =	smul.u32 $0x9C40, s8  }
0x7: {  	s25 =	sshll.u32 s8, $0x1;
	[smem:$0x7FF] =	sst s2;
	s5 =	smul.u32 $0x9C40, s9  }
0x8: {  	s10 =	sadd.s32 $0x39E00, s4;
	s11 =	sadd.s32 $0x8E00, s4;
	s14 =	smul.u32 $0x1388, s9  }
0x9: {  	s3 =	sor.u32 s9, s25;
	s7 =	ssub.s32 $0x2, s9;
	s9 =	smul.u32 $0x4E20, s9  }
0xa: {  	p0 =	sne.s32 s8, $0x0;
	_ =	strace $0x80000059;
	s6 =	smul.u32 $0x1388, s3  }
0xb: {  	s12 =	smul.u32 $0x27100, s3;
	s3 =	sadd.s32 $0xD6200, s4;
	s26 =	sshrl.u32 s7, $0x1  }
0xc: {  	s13 =	sadd.s32 s5, s4;
	s7 =	ssub.s32 s7, s26;
	s28 =	sshrl.u32 s6, $0x3  }
0xd: {  	s29 =	sshrl.u32 s12, $0x3;
	s12 =	sadd.s32 s14, s30;
	s7 =	smax.u32 s7, $0x1  }
0xe: {  	s14 =	simm.s32 $0x1088;
	s5 =	sadd.s32 s11, s28;
	s6 =	sadd.s32 s10, s29  }
0xf: {  	s12 =	sadd.s32 $0x27100, s12;
	s10 =	sadd.s32 s31, s10;
	s4 =	sadd.s32 $0x5090, s5  }
0x10: {  	s5 =	sadd.s32 $0x4E00, s6;
	s6 =	sadd.s32 $0x12E200, s13;
	s12 =	sshrl.u32 s12, $0x3  }
0x11: {  	s8 =	sadd.s32 s9, s10;
	s10 =	sshrl.u32 @!p0 s1, $0x3;
	s13 =	simm.s32 $0x1080  }
0x12: {  	s9 =	sadd.s32 s12, s11;
	s11 =	simm.s32 $0x1;
	s12 =	simm.s32 $0x80  }
.LBB2_1:
0x13: {  	s17 =	simm.s32 @!p0 $0x1C01  }
0x14: {  	[spmem:s10], [sflag:s17] =	dma.local @!p0 [hbm:s3], $0x9C40  }
0x15: {  	s17 =	simm.s32 @!p0 $0x1  }
0x16: {  	_ =	swait.ge @!p0 [sflag:s17], $0x9C40  }
0x17: {  	[sflag:s17] =	ssyncset.done @!p0 $0x0  }
0x18: {  	[sflag:s17] =	ssyncadd.s32 @!p0 $0xFFFF63C0  }
0x19: {  	s31 =	sadd.s32 $0x0, s9;
	[bflag:$0x0] =	sbarrier.arrive $0xFFFF  }
0x1a: {  	[tilespmem:s2], [sflag:$0x1] =	stream.linear.gather [hbm4b:s31+s2], $0x80, $0x38;
	[tilespmem:$0x5FA8] =	vst v63  }
0x1b: {  	_ =	swait.ge [sflag:s11], $0x80  }
0x1c: {  	[sflag:s11] =	ssyncset.done $0x0  }
0x1d: {  	[sflag:s11] =	ssyncadd.s32 $0xFFFFFF80  }
0x1e: {  	[tilespmem:s12], [sflag:$0x1] =	stream.linear.gather [hbm4b:s8+s2], $0x1000, $0x38;
	[tilespmem:$0x5FA8] =	vst v63  }
0x1f: {  	_ =	swait.ge [sflag:s11], $0x1000  }
0x20: {  	[sflag:s11] =	ssyncset.done $0x0  }
0x21: {  	[sflag:s11] =	ssyncadd.s32 $0xFFFFF000  }
0x22: {  	[spmem:s1] =	stream.indirect.scatter.add.f32 [tilespmem:s12], [sflag:$0x1], $0x20, s2, s12, $0xb8;
	[tilespmem:$0x5FA8] =	vst v63  }
0x23: {  	s18 =	simm.s32 $0x10;
	_ =	swait.ge [sflag:s11], $0x1000  }
0x24: {  	s19 =	simm.s32 $0x20;
	s17 =	sadd.s32 $0x200, s8;
	[sflag:s11] =	ssyncset.done $0x0  }
.LBB2_2:
0x25: {  	s20 =	sadd.s32 s18, s9  }
0x26: {  	[sflag:s11] =	ssyncadd.s32 $0xFFFFF000;
	s18 =	smov.u32 s19;
	s21 =	sadd.s32 $0x10, s19  }
0x27: {  	[tilespmem:s2], [sflag:$0x1] =	stream.linear.gather [hbm4b:s20+s2], $0x80, $0x38;
	[tilespmem:$0x5FA8] =	vst v63  }
0x28: {  	p1 =	sne.s32 s19, $0x260;
	_ =	swait.ge [sflag:s11], $0x80  }
0x29: {  	[sflag:s11] =	ssyncset.done $0x0  }
0x2a: {  	[sflag:s11] =	ssyncadd.s32 $0xFFFFFF80  }
0x2b: {  	[tilespmem:s12], [sflag:$0x1] =	stream.linear.gather [hbm4b:s17+s2], $0x1000, $0x38;
	[tilespmem:$0x5FA8] =	vst v63  }
0x2c: {  	_ =	swait.ge [sflag:s11], $0x1000  }
.Ltmp0:
0x2d: {  	[sflag:s11] =	ssyncset.done $0x0;
	(pc) =	sbr.rel @p1 .LBB2_2-.Ltmp0, $4  }
0x2e: {  	[sflag:s11] =	ssyncadd.s32 $0xFFFFF000  }
0x2f: {  	[spmem:s1] =	stream.indirect.scatter.add.f32 [tilespmem:s12], [sflag:$0x1], $0x20, s2, s12, $0xb8;
	[tilespmem:$0x5FA8] =	vst v63  }
0x30: {  	_ =	swait.ge [sflag:s11], $0x1000  }
0x31: {  	s19 =	smov.u32 s21;
	s17 =	sadd.s32 $0x200, s17;
	[sflag:s11] =	ssyncset.done $0x0  }
0x32: {  	s18 =	sadd.s32 s18, s9;
	[sflag:s11] =	ssyncadd.s32 $0xFFFFF000  }
0x33: {  	[tilespmem:s2], [sflag:$0x1] =	stream.linear.gather [hbm4b:s18+s2], $0x80, $0x38;
	[tilespmem:$0x5FA8] =	vst v63  }
0x34: {  	_ =	swait.ge [sflag:s11], $0x80  }
0x35: {  	[sflag:s11] =	ssyncset.done $0x0  }
0x36: {  	[sflag:s11] =	ssyncadd.s32 $0xFFFFFF80  }
0x37: {  	[tilespmem:s12], [sflag:$0x1] =	stream.linear.gather [hbm4b:s17+s2], $0x1000, $0x38;
	[tilespmem:$0x5FA8] =	vst v63  }
0x38: {  	_ =	swait.ge [sflag:s11], $0x1000  }
0x39: {  	[sflag:s11] =	ssyncset.done $0x0  }
0x3a: {  	[sflag:s11] =	ssyncadd.s32 $0xFFFFF000  }
0x3b: {  	[spmem:s1] =	stream.indirect.scatter.add.f32 [tilespmem:s12], [sflag:$0x1], $0x20, s2, s12, $0xb8;
	[tilespmem:$0x5FA8] =	vst v63  }
0x3c: {  	_ =	swait.ge [sflag:s11], $0x1000  }
0x3d: {  	[sflag:s11] =	ssyncset.done $0x0  }
0x3e: {  	[sflag:s11] =	ssyncadd.s32 $0xFFFFF000  }
0x3f: {  	[tilespmem:s13], [sflag:$0x1] =	stream.linear.gather [hbm4b:s4+s2], $0x8, $0x38;
	[tilespmem:$0x5FA8] =	vst v63  }
0x40: {  	_ =	swait.ge [sflag:s11], $0x8  }
0x41: {  	[sflag:s11] =	ssyncset.done $0x0  }
0x42: {  	[sflag:s11] =	ssyncadd.s32 $0xFFFFFFF8  }
0x43: {  	[tilespmem:s14], [sflag:$0x1] =	stream.linear.gather [hbm4b:s5+s2], $0x100, $0x38;
	[tilespmem:$0x5FA8] =	vst v63  }
0x44: {  	_ =	swait.ge [sflag:s11], $0x100  }
0x45: {  	[sflag:s11] =	ssyncset.done $0x0  }
0x46: {  	[sflag:s11] =	ssyncadd.s32 $0xFFFFFF00  }
0x47: {  	[spmem:s1] =	stream.indirect.scatter.add.f32 [tilespmem:s14], [sflag:$0x1], $0x20, s13, s15, $0xb8;
	[tilespmem:$0x5FA8] =	vst v63  }
0x48: {  	_ =	swait.ge [sflag:s11], $0x100  }
0x49: {  	[sflag:s11] =	ssyncset.done $0x0  }
0x4a: {  	s16 =	sadd.s32 $0x1, s16;
	[sflag:s11] =	ssyncadd.s32 $0xFFFFFF00  }
0x4b: {  	p1 =	sne.s32 s16, s7;
	s17 =	simm.s32 @!p0 $0x1C01;
	[bflag:$0x0] =	sbarrier.arrive $0xFFFF  }
0x4c: {  	[hbm:s6], [sflag:s17] =	dma.local @!p0 [spmem:s10], $0x9C40  }
.Ltmp1:
0x4d: {  	_ = 	snop;
	(pc) =	sbr.rel @p1 .LBB2_1-.Ltmp1, $4  }
0x4e: {  	s17 =	simm.s32 @!p0 $0x1  }
0x4f: {  	_ =	swait.ge @!p0 [sflag:s17], $0x9C40  }
0x50: {  	[sflag:s17] =	ssyncset.done @!p0 $0x0  }
0x51: {  	[sflag:s17] =	ssyncadd.s32 @!p0 $0xFFFF63C0  }
0x52: {  	_ =	sfence.sel $0x180000  }
0x53: {  	[bflag:$0x0] =	sbarrier.arrive $0xFFFF  }
0x54: {  	_ =	strace $0x90000059  }
0x55: {  	s0 =	sadd.s32 @!p0 $0x100000, s0;
	[bflag:$0x2] =	sbarrier.arrive $0xFFFF  }
0x56: {  	[sflag:s0] =	ssyncadd.tile.s32 @!p0 $0x1;
	_ =	shalt  }
.Lfunc_end2:
_tile_overlayer_lowered:
.L_overlay_start_2:
0x57: {  	(tag) =	ssettag $0x2  }
0x58: {  	s0 =	rddreg [dreg:$0x0];
	s2 =	stileid.u32  }
0x59: {  	s1 =	rddreg [dreg:$0x1];
	p0 =	sne.s32 s2, $0x0  }
0x5a: {  	s3 =	rddreg [dreg:$0x2];
	[bflag:$0x3] =	sbarrier.arrive $0xFFFF;
	s2 =	simm.s32 @!p0 $0x1C01  }
0x5b: {  	[timem:s3], [sflag:s2] =	dma.local @!p0 [hbm:s0], s1  }
0x5c: {  	s0 =	simm.s32 @!p0 $0x1  }
0x5d: {  	_ =	swait.ge @!p0 [sflag:s0], s1  }
0x5e: {  	s1 =	ssub.s32 @!p0 $0x0, s1;
	[sflag:s0] =	ssyncset.done @!p0 $0x0  }
0x5f: {  	[sflag:s0] =	ssyncadd.s32 @!p0 s1  }
0x60: {  	[bflag:$0x3] =	sbarrier.arrive $0xFFFF  }
0x61: {  	_ =	shalt  }

</sc_bundles>
